<compile_context>
chip_gen: v7x
topology: tpu7x:2x2x1
jax: 0.10.2.dev20260603
libtpu: 0.0.44.dev20260713+nightly
codegen_flags: <defaults>
</compile_context>

<pallas_src>
import functools

import jax
import jax.numpy as jnp
from jax import lax
from jax.experimental import pallas as pl
from jax.experimental.pallas import tpu as pltpu
from jax.experimental.pallas import tpu_sc as plsc

E = 8
K = 2
T = 2048
D = 768
F = 1024
BT = 256
NB = K * T // BT + E
NP = NB * BT
NROW = 32
PC = K * T // NROW
WREP = 128


def _gate_dispatch_body(x_ref, wg_ref, pos_ref, wk_ref, pf_ref):
    xg = x_ref[...]
    logits = lax.dot_general(xg, wg_ref[...], (((1,), (0,)), ((), ())),
                             preferred_element_type=jnp.float32)
    ei = lax.broadcasted_iota(jnp.int32, (T, E), 1)
    m0 = jnp.max(logits, axis=1, keepdims=True)
    i0 = jnp.min(jnp.where(logits == m0, ei, E), axis=1, keepdims=True)
    l2 = jnp.where(ei == i0, -jnp.inf, logits)
    m1 = jnp.max(l2, axis=1, keepdims=True)
    i1 = jnp.min(jnp.where(l2 == m1, ei, E), axis=1, keepdims=True)
    d = jnp.exp(m1 - m0)
    w0 = 1.0 / (1.0 + d)
    w1 = d / (1.0 + d)

    eq = jnp.concatenate([i0, i1], axis=0)
    ohi = lax.broadcasted_iota(jnp.int32, (K * T, E), 1)
    oh = (eq == ohi).astype(jnp.float32)
    tri = (lax.broadcasted_iota(jnp.int32, (PC, PC), 0)
           > lax.broadcasted_iota(jnp.int32, (PC, PC), 1)).astype(jnp.float32)
    carry = jnp.zeros((1, E), jnp.float32)
    parts = []
    for g in range(NROW):
        blk = oh[g * PC:(g + 1) * PC, :]
        wexcl = lax.dot_general(tri, blk, (((1,), (0,)), ((), ())),
                                preferred_element_type=jnp.float32)
        parts.append(wexcl + carry)
        carry = carry + jnp.sum(blk, axis=0, keepdims=True)
    excl = jnp.concatenate(parts, axis=0)

    counts = carry.astype(jnp.int32)
    pcounts = ((counts + (BT - 1)) // BT) * BT
    tri8 = (lax.broadcasted_iota(jnp.int32, (E, E), 0)
            < lax.broadcasted_iota(jnp.int32, (E, E), 1)).astype(jnp.float32)
    po = lax.dot_general(pcounts.astype(jnp.float32), tri8,
                         (((1,), (0,)), ((), ())),
                         preferred_element_type=jnp.float32)
    rank = jnp.sum(excl * oh, axis=1, keepdims=True)
    offs = lax.dot_general(oh, po.reshape(E, 1), (((1,), (0,)), ((), ())),
                           preferred_element_type=jnp.float32)
    pos = (rank + offs).astype(jnp.int32)
    pos_ref[...] = pos.reshape(NROW, PC)

    wq = jnp.concatenate([w0, w1], axis=0).reshape(NROW, PC, 1)
    wk_ref[...] = jnp.broadcast_to(wq, (NROW, PC, WREP))

    po_col = po.astype(jnp.int32).reshape(E, 1)
    biota = lax.broadcasted_iota(jnp.int32, (E, NB), 1) * BT
    beT = jnp.sum((biota >= po_col).astype(jnp.int32), axis=0, keepdims=True) - 1
    prevT = jnp.concatenate(
        [jnp.full((1, 1), -1, jnp.int32), beT[:, :-1]], axis=1)
    isfT = (beT != prevT).astype(jnp.int32)
    triNB = (lax.broadcasted_iota(jnp.int32, (NB, NB), 0)
             <= lax.broadcasted_iota(jnp.int32, (NB, NB), 1)).astype(jnp.float32)
    segT = lax.dot_general(isfT.astype(jnp.float32), triNB,
                           (((1,), (0,)), ((), ())),
                           preferred_element_type=jnp.float32).astype(jnp.int32) - 1
    slT = segT % 2
    beB = jnp.broadcast_to(beT, (NB, NB))
    beC = beT.reshape(NB, 1)
    q = jnp.where(beB > beC, beB, E)
    nxtT = jnp.min(q, axis=1, keepdims=True).reshape(1, NB)
    hnT = (nxtT < E).astype(jnp.int32)
    nxtT = jnp.minimum(nxtT, E - 1)
    pf_ref[...] = jnp.concatenate([beT, isfT, slT, nxtT, hnT], axis=0)


def _gate_dispatch(x2d, wg):
    return pl.pallas_call(
        _gate_dispatch_body,
        out_shape=[
            jax.ShapeDtypeStruct((NROW, PC), jnp.int32),
            jax.ShapeDtypeStruct((NROW, PC, WREP), jnp.float32),
            jax.ShapeDtypeStruct((5, NB), jnp.int32),
        ],
    )(x2d, wg)


def _expert_mlp_body(pf_ref, xs_hbm, w1_hbm, b1_ref, w2_hbm, b2_ref, rw_hbm,
                     ys_hbm, w1b, w2b, sems, xsb, rwb, ysb, isem, osem):
    b = pl.program_id(0)
    e = pf_ref[0, b]
    isf = pf_ref[1, b]
    s = pf_ref[2, b]
    ne = pf_ref[3, b]
    hn = pf_ref[4, b]

    def start_w(slot, expert):
        pltpu.make_async_copy(w1_hbm.at[expert], w1b.at[slot],
                              sems.at[slot, 0]).start()
        pltpu.make_async_copy(w2_hbm.at[expert], w2b.at[slot],
                              sems.at[slot, 1]).start()

    def start_in(slot, blk):
        pltpu.make_async_copy(xs_hbm.at[pl.ds(blk * BT, BT)], xsb.at[slot],
                              isem.at[slot, 0]).start()
        pltpu.make_async_copy(rw_hbm.at[pl.ds(blk * BT, BT)], rwb.at[slot],
                              isem.at[slot, 1]).start()

    def wait_in(slot):
        pltpu.make_async_copy(xs_hbm.at[pl.ds(0, BT)], xsb.at[slot],
                              isem.at[slot, 0]).wait()
        pltpu.make_async_copy(rw_hbm.at[pl.ds(0, BT)], rwb.at[slot],
                              isem.at[slot, 1]).wait()

    def start_out(slot, blk):
        pltpu.make_async_copy(ysb.at[slot], ys_hbm.at[pl.ds(blk * BT, BT)],
                              osem.at[slot]).start()

    def wait_out(slot):
        pltpu.make_async_copy(ysb.at[slot], ys_hbm.at[pl.ds(0, BT)],
                              osem.at[slot]).wait()

    sl = b % 2

    @pl.when(b == 0)
    def _():
        start_w(s, e)
        start_in(0, 0)

    @pl.when(b + 1 < NB)
    def _():
        start_in((b + 1) % 2, b + 1)

    @pl.when(isf == 1)
    def _():
        pltpu.make_async_copy(w1_hbm.at[e], w1b.at[s], sems.at[s, 0]).wait()
        pltpu.make_async_copy(w2_hbm.at[e], w2b.at[s], sems.at[s, 1]).wait()

        @pl.when(hn == 1)
        def _():
            start_w(1 - s, ne)

    wait_in(sl)

    @pl.when(b >= 2)
    def _():
        wait_out(sl)

    h = lax.dot_general(xsb[sl], w1b[s], (((1,), (0,)), ((), ())),
                        preferred_element_type=jnp.float32)
    h = h + b1_ref[e]
    h = 0.5 * h * (1.0 + lax.erf(h * 0.7071067811865476))
    y = lax.dot_general(h, w2b[s], (((1,), (0,)), ((), ())),
                        preferred_element_type=jnp.float32)
    y = y + b2_ref[e]
    ysb[sl] = y * rwb[sl][:, :1]
    start_out(sl, b)

    @pl.when(b == NB - 1)
    def _():
        wait_out(1 - sl)
        wait_out(sl)


def _expert_mlp(pf, xs, w1, b1, w2, b2, rw):
    grid_spec = pltpu.PrefetchScalarGridSpec(
        num_scalar_prefetch=1,
        grid=(NB,),
        in_specs=[
            pl.BlockSpec(memory_space=pltpu.HBM),
            pl.BlockSpec(memory_space=pltpu.HBM),
            pl.BlockSpec((E, 1, F), lambda b, pf: (0, 0, 0)),
            pl.BlockSpec(memory_space=pltpu.HBM),
            pl.BlockSpec((E, 1, D), lambda b, pf: (0, 0, 0)),
            pl.BlockSpec(memory_space=pltpu.HBM),
        ],
        out_specs=pl.BlockSpec(memory_space=pltpu.HBM),
        scratch_shapes=[
            pltpu.VMEM((2, D, F), jnp.float32),
            pltpu.VMEM((2, F, D), jnp.float32),
            pltpu.SemaphoreType.DMA((2, 2)),
            pltpu.VMEM((2, BT, D), jnp.float32),
            pltpu.VMEM((2, BT, WREP), jnp.float32),
            pltpu.VMEM((2, BT, D), jnp.float32),
            pltpu.SemaphoreType.DMA((2, 2)),
            pltpu.SemaphoreType.DMA((2,)),
        ],
    )
    return pl.pallas_call(
        _expert_mlp_body,
        grid_spec=grid_spec,
        out_shape=jax.ShapeDtypeStruct((NP, D), jnp.float32),
        compiler_params=pltpu.CompilerParams(
            dimension_semantics=("parallel",)),
    )(pf, xs, w1, b1.reshape(E, 1, F), w2, b2.reshape(E, 1, D), rw)


def _sc_mesh():
    return plsc.VectorSubcoreMesh(core_axis_name="c", subcore_axis_name="s")


def _scatter_dispatch(x2d, posr, wkr):
    @functools.partial(
        pl.kernel,
        mesh=_sc_mesh(),
        out_type=[
            jax.ShapeDtypeStruct((NP, D), jnp.float32),
            jax.ShapeDtypeStruct((NP, WREP), jnp.float32),
        ],
        scratch_types=[
            pltpu.VMEM((PC, D), jnp.float32),
            pltpu.VMEM((PC,), jnp.int32),
            pltpu.VMEM((PC, WREP), jnp.float32),
            pltpu.SemaphoreType.DMA,
            pltpu.SemaphoreType.DMA,
        ],
    )
    def k(x_hbm, pos_hbm, wk_hbm, xs_hbm, rw_hbm, xbuf, idx_v, wbuf, s1, s2):
        r = lax.axis_index("s") * 2 + lax.axis_index("c")
        t0 = (r % (NROW // K)) * PC
        pltpu.sync_copy(x_hbm.at[pl.ds(t0, PC)], xbuf)
        pltpu.sync_copy(pos_hbm.at[r], idx_v)
        pltpu.sync_copy(wk_hbm.at[r], wbuf)
        cp1 = pltpu.async_copy(xbuf, xs_hbm.at[idx_v], s1)
        cp2 = pltpu.async_copy(wbuf, rw_hbm.at[idx_v], s2)
        cp1.wait()
        cp2.wait()

    return k(x2d, posr, wkr)


def _combine(ys, posr):
    tpw = T // 32

    @functools.partial(
        pl.kernel,
        mesh=_sc_mesh(),
        out_type=jax.ShapeDtypeStruct((T, D), jnp.float32),
        scratch_types=[
            pltpu.VMEM((tpw, D), jnp.float32),
            pltpu.VMEM((tpw, D), jnp.float32),
            pltpu.VMEM((tpw,), jnp.int32),
            pltpu.VMEM((tpw,), jnp.int32),
            pltpu.SemaphoreType.DMA,
        ],
    )
    def k(ys_hbm, pos_hbm, out_hbm, a0, a1, idx0, idx1, sem):
        w = lax.axis_index("s") * 2 + lax.axis_index("c")
        tok0 = w * tpw
        r0 = w // 2
        off = (w % 2) * tpw
        pltpu.sync_copy(pos_hbm.at[r0, pl.ds(off, tpw)], idx0)
        pltpu.sync_copy(pos_hbm.at[r0 + NROW // K, pl.ds(off, tpw)], idx1)
        cp0 = pltpu.async_copy(ys_hbm.at[idx0], a0, sem)
        cp1 = pltpu.async_copy(ys_hbm.at[idx1], a1, sem)
        cp0.wait()
        cp1.wait()

        def row(i, _):
            for j in range(D // 16):
                cs = pl.ds(j * 16, 16)
                a0[i, cs] = a0[i, cs] + a1[i, cs]
            return 0
        lax.fori_loop(0, tpw, row, 0)
        pltpu.sync_copy(a0, out_hbm.at[pl.ds(tok0, tpw)])

    return k(ys, posr)


def kernel(x, Wg, W1, b1, W2, b2):
    x2d = x.reshape(T, D)
    posr, wkr, pf = _gate_dispatch(x2d, Wg)
    xs, rw = _scatter_dispatch(x2d, posr, wkr)
    ys = _expert_mlp(pf, xs, W1, b1, W2, b2, rw)
    out = _combine(ys, posr)
    return out.reshape(1, T, D)

# --- scband reference (transcript-rebuilt; emitter-appended) ---
"""Pipeline reference for scband-mo-elayer-69303592288907 (READ-ONLY COPY).

The authoritative reference and input builder live on the scoring server;
editing this copy changes nothing except your own understanding.
"""

import jax, jax.numpy as jnp
import numpy as np

E = 8      # num experts
K = 2      # num_experts_per_tok
B = 1
S = 2048
D = 768    # d_model
F = 1024   # expert hidden dim


def setup_inputs(seed: int = 0) -> dict:
    key = jax.random.key(seed)
    ks = jax.random.split(key, 6)
    x = jax.random.normal(ks[0], (B, S, D), dtype=jnp.float32)
    # gate: Linear(D, E, bias=False)
    Wg = jax.random.normal(ks[1], (D, E), dtype=jnp.float32) * (1.0 / np.sqrt(D))
    # experts: per-expert 2-layer MLP Linear(D,F) -> GELU -> Linear(F,D)
    W1 = jax.random.normal(ks[2], (E, D, F), dtype=jnp.float32) * (1.0 / np.sqrt(D))
    b1 = jnp.zeros((E, F), dtype=jnp.float32)
    W2 = jax.random.normal(ks[3], (E, F, D), dtype=jnp.float32) * (1.0 / np.sqrt(F))
    b2 = jnp.zeros((E, D), dtype=jnp.float32)
    return {"x": x, "Wg": Wg, "W1": W1, "b1": b1, "W2": W2, "b2": b2}


def reference(x, Wg, W1, b1, W2, b2):
    # Faithful MoE forward. The torch module sorts (token, expert) pairs by
    # expert id, runs each expert on its contiguous segment, scales by the
    # softmax(top-k) routing weight, and scatter-adds back per token.
    # Mathematically, each token's output is
    #   sum_{e in topk(token)} w_e(token) * expert_e(x_token)
    # which we compute here with a per-expert weight mask (zero weight for
    # experts a token is not routed to) -- identical math, static shapes.
    Bx, Sx, Dx = x.shape
    x_flat = x.reshape(-1, Dx)                      # [T, D]
    gate_logits = x_flat @ Wg                       # [T, E]
    topw, topi = jax.lax.top_k(gate_logits, K)      # [T, K], [T, K]
    w = jax.nn.softmax(topw.astype(jnp.float32), axis=1).astype(x.dtype)  # [T, K]
    out = jnp.zeros_like(x_flat)
    for e in range(E):
        # routing weight of expert e for each token (0 if not in its top-k)
        we = jnp.sum(jnp.where(topi == e, w, jnp.zeros_like(w)), axis=1)  # [T]
        h = jax.nn.gelu(x_flat @ W1[e] + b1[e], approximate=False)        # [T, F]
        ye = h @ W2[e] + b2[e]                                            # [T, D]
        out = out + we[:, None] * ye
    return out.reshape(Bx, Sx, Dx)

if __name__ == "__main__":
    import jax
    _d = setup_inputs()
    print(jax.jit(kernel)(*tuple(_d.values())))

</pallas_src>

<mosaic_0001>
#map = affine_map<(d0, d1) -> (0, 0)>
module attributes {stable_mosaic.version = 14 : i64} {
  func.func @k(%arg0: i32, %arg1: i32, %arg2: memref<6144x768xf32, #tpu.memory_space<hbm>>, %arg3: memref<32x128xi32, #tpu.memory_space<hbm>>, %arg4: memref<2048x768xf32, #tpu.memory_space<hbm>>, %arg5: memref<64x768xf32, #tpu.memory_space<vmem>>, %arg6: memref<64x768xf32, #tpu.memory_space<vmem>>, %arg7: memref<64xi32, #tpu.memory_space<vmem>>, %arg8: memref<64xi32, #tpu.memory_space<vmem>>, %arg9: memref<!tpu.dma_semaphore, #tpu.memory_space<semaphore_mem>>) attributes {dimension_semantics = [#tpu.dimension_semantics<core_parallel>, #tpu.dimension_semantics<subcore_parallel>], iteration_bounds = array<i64: 2, 16>, scalar_prefetch = 0 : i64, scratch_operands = 5 : i64, tpu.core_type = #tpu.core_type<sc_vector_subcore>, window_params = [{transform_indices = #map}, {transform_indices = #map}, {transform_indices = #map}]} {
    %mul3A = arith.constant 2 : i32
    %mul3A_0 = arith.muli %arg1, %mul3A : i32
    %add3A = arith.addi %mul3A_0, %arg0 : i32
    %mul3A_1 = arith.constant 64 : i32
    %mul3A_2 = arith.muli %add3A, %mul3A_1 : i32
    %jit3A = arith.constant 2 : i32
    %div3A = arith.divsi %add3A, %jit3A : i32
    %sign3A = arith.constant 0 : i32
    %sign3A_3 = arith.cmpi sgt, %add3A, %sign3A : i32
    %sign3A_4 = arith.extui %sign3A_3 : i1 to i32
    %sign3A_5 = arith.constant 0 : i32
    %sign3A_6 = arith.cmpi slt, %add3A, %sign3A_5 : i32
    %sign3A_7 = arith.extui %sign3A_6 : i1 to i32
    %sign3A_8 = arith.subi %sign3A_4, %sign3A_7 : i32
    %sign3A_9 = arith.constant 0 : i32
    %sign3A_10 = arith.cmpi sgt, %jit3A, %sign3A_9 : i32
    %sign3A_11 = arith.extui %sign3A_10 : i1 to i32
    %sign3A_12 = arith.constant 0 : i32
    %sign3A_13 = arith.cmpi slt, %jit3A, %sign3A_12 : i32
    %sign3A_14 = arith.extui %sign3A_13 : i1 to i32
    %sign3A_15 = arith.subi %sign3A_11, %sign3A_14 : i32
    %ne3A = arith.cmpi ne, %sign3A_8, %sign3A_15 : i32
    %rem3A = arith.remsi %add3A, %jit3A : i32
    %ne3A_16 = arith.constant 0 : i32
    %ne3A_17 = arith.cmpi ne, %rem3A, %ne3A_16 : i32
    %and3A = arith.andi %ne3A, %ne3A_17 : i1
    %sub3A = arith.constant 1 : i32
    %sub3A_18 = arith.subi %div3A, %sub3A : i32
    %select_n3A = arith.select %and3A, %sub3A_18, %div3A : i32
    %jit3A_19 = arith.constant 2 : i32
    %eq3A = arith.constant 0 : i32
    %eq3A_20 = arith.cmpi eq, %jit3A_19, %eq3A : i32
    %jit3A_21 = arith.constant 1 : i32
    %select_n3A_22 = arith.select %eq3A_20, %jit3A_21, %jit3A_19 : i32
    %rem3A_23 = arith.remsi %add3A, %select_n3A_22 : i32
    %ne3A_24 = arith.constant 0 : i32
    %ne3A_25 = arith.cmpi ne, %rem3A_23, %ne3A_24 : i32
    %lt3A = arith.constant 0 : i32
    %lt3A_26 = arith.cmpi slt, %rem3A_23, %lt3A : i32
    %lt3A_27 = arith.constant 0 : i32
    %lt3A_28 = arith.cmpi slt, %select_n3A_22, %lt3A_27 : i32
    %ne3A_29 = arith.xori %lt3A_26, %lt3A_28 : i1
    %and3A_30 = arith.andi %ne3A_29, %ne3A_25 : i1
    %add3A_31 = arith.addi %rem3A_23, %select_n3A_22 : i32
    %select_n3A_32 = arith.select %and3A_30, %add3A_31, %rem3A_23 : i32
    %mul3A_33 = arith.constant 64 : i32
    %mul3A_34 = arith.muli %select_n3A_32, %mul3A_33 : i32
    "tpu.region"() ({
      %run_scoped3A = tpu.sem_alloc : memref<!tpu.dma_semaphore, #tpu.memory_space<semaphore_mem>>
      %dma_start3A_53 = tpu.memref_slice %arg3[%select_n3A, %mul3A_34] : memref<32x128xi32, #tpu.memory_space<hbm>> -> memref<1x64xi32, #tpu.memory_space<hbm>>
      %dma_start3A_54 = tpu.memref_squeeze %dma_start3A_53 : memref<1x64xi32, #tpu.memory_space<hbm>> -> memref<64xi32, #tpu.memory_space<hbm>>
      %dma_start3A_55 = tpu.memref_slice %arg3[%select_n3A, %mul3A_34] : memref<32x128xi32, #tpu.memory_space<hbm>> -> memref<1x64xi32, #tpu.memory_space<hbm>>
      %dma_start3A_56 = tpu.memref_squeeze %dma_start3A_55 : memref<1x64xi32, #tpu.memory_space<hbm>> -> memref<64xi32, #tpu.memory_space<hbm>>
      tpu.enqueue_dma source(%dma_start3A_56 : memref<64xi32, #tpu.memory_space<hbm>>) target(%arg7 : memref<64xi32, #tpu.memory_space<vmem>>) target_semaphore(%run_scoped3A : memref<!tpu.dma_semaphore, #tpu.memory_space<semaphore_mem>>)
      %dma_wait3A_57 = tpu.memref_slice %arg3[%select_n3A, %mul3A_34] : memref<32x128xi32, #tpu.memory_space<hbm>> -> memref<1x64xi32, #tpu.memory_space<hbm>>
      %dma_wait3A_58 = tpu.memref_squeeze %dma_wait3A_57 : memref<1x64xi32, #tpu.memory_space<hbm>> -> memref<64xi32, #tpu.memory_space<hbm>>
      %dma_wait3A_59 = tpu.memref_slice %arg3[%select_n3A, %mul3A_34] : memref<32x128xi32, #tpu.memory_space<hbm>> -> memref<1x64xi32, #tpu.memory_space<hbm>>
      %dma_wait3A_60 = tpu.memref_squeeze %dma_wait3A_59 : memref<1x64xi32, #tpu.memory_space<hbm>> -> memref<64xi32, #tpu.memory_space<hbm>>
      tpu.wait_dma2 semaphore(%run_scoped3A : memref<!tpu.dma_semaphore, #tpu.memory_space<semaphore_mem>>) src(%dma_wait3A_60 : memref<64xi32, #tpu.memory_space<hbm>>) dst(%arg7 : memref<64xi32, #tpu.memory_space<vmem>>)
      tpu.yield
    }) : () -> ()
    %add3A_35 = arith.constant 16 : i32
    %add3A_36 = arith.addi %select_n3A, %add3A_35 : i32
    "tpu.region"() ({
      %run_scoped3A = tpu.sem_alloc : memref<!tpu.dma_semaphore, #tpu.memory_space<semaphore_mem>>
      %dma_start3A_53 = tpu.memref_slice %arg3[%add3A_36, %mul3A_34] : memref<32x128xi32, #tpu.memory_space<hbm>> -> memref<1x64xi32, #tpu.memory_space<hbm>>
      %dma_start3A_54 = tpu.memref_squeeze %dma_start3A_53 : memref<1x64xi32, #tpu.memory_space<hbm>> -> memref<64xi32, #tpu.memory_space<hbm>>
      %dma_start3A_55 = tpu.memref_slice %arg3[%add3A_36, %mul3A_34] : memref<32x128xi32, #tpu.memory_space<hbm>> -> memref<1x64xi32, #tpu.memory_space<hbm>>
      %dma_start3A_56 = tpu.memref_squeeze %dma_start3A_55 : memref<1x64xi32, #tpu.memory_space<hbm>> -> memref<64xi32, #tpu.memory_space<hbm>>
      tpu.enqueue_dma source(%dma_start3A_56 : memref<64xi32, #tpu.memory_space<hbm>>) target(%arg8 : memref<64xi32, #tpu.memory_space<vmem>>) target_semaphore(%run_scoped3A : memref<!tpu.dma_semaphore, #tpu.memory_space<semaphore_mem>>)
      %dma_wait3A_57 = tpu.memref_slice %arg3[%add3A_36, %mul3A_34] : memref<32x128xi32, #tpu.memory_space<hbm>> -> memref<1x64xi32, #tpu.memory_space<hbm>>
      %dma_wait3A_58 = tpu.memref_squeeze %dma_wait3A_57 : memref<1x64xi32, #tpu.memory_space<hbm>> -> memref<64xi32, #tpu.memory_space<hbm>>
      %dma_wait3A_59 = tpu.memref_slice %arg3[%add3A_36, %mul3A_34] : memref<32x128xi32, #tpu.memory_space<hbm>> -> memref<1x64xi32, #tpu.memory_space<hbm>>
      %dma_wait3A_60 = tpu.memref_squeeze %dma_wait3A_59 : memref<1x64xi32, #tpu.memory_space<hbm>> -> memref<64xi32, #tpu.memory_space<hbm>>
      tpu.wait_dma2 semaphore(%run_scoped3A : memref<!tpu.dma_semaphore, #tpu.memory_space<semaphore_mem>>) src(%dma_wait3A_60 : memref<64xi32, #tpu.memory_space<hbm>>) dst(%arg8 : memref<64xi32, #tpu.memory_space<vmem>>)
      tpu.yield
    }) : () -> ()
    %dma_start3A = arith.constant 0 : i32
    %dma_start3A_37 = arith.constant 0 : i32
    %dma_start3A_38 = tpu.memref_slice %arg2[%dma_start3A, %dma_start3A_37] : memref<6144x768xf32, #tpu.memory_space<hbm>> -> memref<6144x768xf32, #tpu.memory_space<hbm>>
    tpu.enqueue_indirect_dma source(%dma_start3A_38 : memref<6144x768xf32, #tpu.memory_space<hbm>>) target(%arg5 : memref<64x768xf32, #tpu.memory_space<vmem>>) offsets(%arg7 : memref<64xi32, #tpu.memory_space<vmem>>) semaphore(%arg9 : memref<!tpu.dma_semaphore, #tpu.memory_space<semaphore_mem>>)
    %dma_start3A_39 = arith.constant 0 : i32
    %dma_start3A_40 = arith.constant 0 : i32
    %dma_start3A_41 = tpu.memref_slice %arg2[%dma_start3A_39, %dma_start3A_40] : memref<6144x768xf32, #tpu.memory_space<hbm>> -> memref<6144x768xf32, #tpu.memory_space<hbm>>
    tpu.enqueue_indirect_dma source(%dma_start3A_41 : memref<6144x768xf32, #tpu.memory_space<hbm>>) target(%arg6 : memref<64x768xf32, #tpu.memory_space<vmem>>) offsets(%arg8 : memref<64xi32, #tpu.memory_space<vmem>>) semaphore(%arg9 : memref<!tpu.dma_semaphore, #tpu.memory_space<semaphore_mem>>)
    %dma_wait3A = arith.constant 0 : i32
    %dma_wait3A_42 = arith.constant 0 : i32
    %dma_wait3A_43 = tpu.memref_slice %arg2[%dma_wait3A, %dma_wait3A_42] : memref<6144x768xf32, #tpu.memory_space<hbm>> -> memref<6144x768xf32, #tpu.memory_space<hbm>>
    tpu.wait_indirect_dma semaphore(%arg9 : memref<!tpu.dma_semaphore, #tpu.memory_space<semaphore_mem>>) src(%dma_wait3A_43 : memref<6144x768xf32, #tpu.memory_space<hbm>>) dst(%arg5 : memref<64x768xf32, #tpu.memory_space<vmem>>)
    %dma_wait3A_44 = arith.constant 0 : i32
    %dma_wait3A_45 = arith.constant 0 : i32
    %dma_wait3A_46 = tpu.memref_slice %arg2[%dma_wait3A_44, %dma_wait3A_45] : memref<6144x768xf32, #tpu.memory_space<hbm>> -> memref<6144x768xf32, #tpu.memory_space<hbm>>
    tpu.wait_indirect_dma semaphore(%arg9 : memref<!tpu.dma_semaphore, #tpu.memory_space<semaphore_mem>>) src(%dma_wait3A_46 : memref<6144x768xf32, #tpu.memory_space<hbm>>) dst(%arg6 : memref<64x768xf32, #tpu.memory_space<vmem>>)
    %scan3A = arith.constant 0 : i32
    %scan3A_47 = arith.constant 0 : i32
    %scan3A_48 = arith.constant 64 : i32
    %scan3A_49 = arith.addi %scan3A_47, %scan3A_48 : i32
    %scan3A_50 = arith.constant 1 : i32
    %scan3A_51 = scf.for %scan3A_53 = %scan3A_47 to %scan3A_49 step %scan3A_50 iter_args(%scan3A_54 = %scan3A) -> (i32)  : i32 {
      %get3A = arith.index_cast %scan3A_53 : i32 to index
      %get3A_55 = arith.constant 0 : index
      %get3A_56 = tpu.vector_load %arg5[%get3A, %get3A_55] {strides = array<i32>} : memref<64x768xf32, #tpu.memory_space<vmem>>, vector<1x16xf32>,
      %get3A_57 = vector.shape_cast %get3A_56 : vector<1x16xf32> to vector<16xf32>
      %get3A_58 = arith.index_cast %scan3A_53 : i32 to index
      %get3A_59 = arith.constant 0 : index
      %get3A_60 = tpu.vector_load %arg6[%get3A_58, %get3A_59] {strides = array<i32>} : memref<64x768xf32, #tpu.memory_space<vmem>>, vector<1x16xf32>,
      %get3A_61 = vector.shape_cast %get3A_60 : vector<1x16xf32> to vector<16xf32>
      %add3A_62 = arith.addf %get3A_57, %get3A_61 : vector<16xf32>
      %swap3A = arith.index_cast %scan3A_53 : i32 to index
      %swap3A_63 = arith.constant 0 : index
      %swap3A_64 = tpu.vector_load %arg5[%swap3A, %swap3A_63] {strides = array<i32>} : memref<64x768xf32, #tpu.memory_space<vmem>>, vector<1x16xf32>,
      %swap3A_65 = vector.shape_cast %swap3A_64 : vector<1x16xf32> to vector<16xf32>
      %swap3A_66 = vector.shape_cast %add3A_62 : vector<16xf32> to vector<1x16xf32>
      tpu.vector_store %arg5[%swap3A, %swap3A_63], %swap3A_66 {strides = array<i32>} : memref<64x768xf32, #tpu.memory_space<vmem>>, vector<1x16xf32>,
      %get3A_67 = arith.index_cast %scan3A_53 : i32 to index
      %get3A_68 = arith.constant 16 : index
      %get3A_69 = tpu.vector_load %arg5[%get3A_67, %get3A_68] {strides = array<i32>} : memref<64x768xf32, #tpu.memory_space<vmem>>, vector<1x16xf32>,
      %get3A_70 = vector.shape_cast %get3A_69 : vector<1x16xf32> to vector<16xf32>
      %get3A_71 = arith.index_cast %scan3A_53 : i32 to index
      %get3A_72 = arith.constant 16 : index
      %get3A_73 = tpu.vector_load %arg6[%get3A_71, %get3A_72] {strides = array<i32>} : memref<64x768xf32, #tpu.memory_space<vmem>>, vector<1x16xf32>,
      %get3A_74 = vector.shape_cast %get3A_73 : vector<1x16xf32> to vector<16xf32>
      %add3A_75 = arith.addf %get3A_70, %get3A_74 : vector<16xf32>
      %swap3A_76 = arith.index_cast %scan3A_53 : i32 to index
      %swap3A_77 = arith.constant 16 : index
      %swap3A_78 = tpu.vector_load %arg5[%swap3A_76, %swap3A_77] {strides = array<i32>} : memref<64x768xf32, #tpu.memory_space<vmem>>, vector<1x16xf32>,
      %swap3A_79 = vector.shape_cast %swap3A_78 : vector<1x16xf32> to vector<16xf32>
      %swap3A_80 = vector.shape_cast %add3A_75 : vector<16xf32> to vector<1x16xf32>
      tpu.vector_store %arg5[%swap3A_76, %swap3A_77], %swap3A_80 {strides = array<i32>} : memref<64x768xf32, #tpu.memory_space<vmem>>, vector<1x16xf32>,
      %get3A_81 = arith.index_cast %scan3A_53 : i32 to index
      %get3A_82 = arith.constant 32 : index
      %get3A_83 = tpu.vector_load %arg5[%get3A_81, %get3A_82] {strides = array<i32>} : memref<64x768xf32, #tpu.memory_space<vmem>>, vector<1x16xf32>,
      %get3A_84 = vector.shape_cast %get3A_83 : vector<1x16xf32> to vector<16xf32>
      %get3A_85 = arith.index_cast %scan3A_53 : i32 to index
      %get3A_86 = arith.constant 32 : index
      %get3A_87 = tpu.vector_load %arg6[%get3A_85, %get3A_86] {strides = array<i32>} : memref<64x768xf32, #tpu.memory_space<vmem>>, vector<1x16xf32>,
      %get3A_88 = vector.shape_cast %get3A_87 : vector<1x16xf32> to vector<16xf32>
      %add3A_89 = arith.addf %get3A_84, %get3A_88 : vector<16xf32>
      %swap3A_90 = arith.index_cast %scan3A_53 : i32 to index
      %swap3A_91 = arith.constant 32 : index
      %swap3A_92 = tpu.vector_load %arg5[%swap3A_90, %swap3A_91] {strides = array<i32>} : memref<64x768xf32, #tpu.memory_space<vmem>>, vector<1x16xf32>,
      %swap3A_93 = vector.shape_cast %swap3A_92 : vector<1x16xf32> to vector<16xf32>
      %swap3A_94 = vector.shape_cast %add3A_89 : vector<16xf32> to vector<1x16xf32>
      tpu.vector_store %arg5[%swap3A_90, %swap3A_91], %swap3A_94 {strides = array<i32>} : memref<64x768xf32, #tpu.memory_space<vmem>>, vector<1x16xf32>,
      %get3A_95 = arith.index_cast %scan3A_53 : i32 to index
      %get3A_96 = arith.constant 48 : index
      %get3A_97 = tpu.vector_load %arg5[%get3A_95, %get3A_96] {strides = array<i32>} : memref<64x768xf32, #tpu.memory_space<vmem>>, vector<1x16xf32>,
      %get3A_98 = vector.shape_cast %get3A_97 : vector<1x16xf32> to vector<16xf32>
      %get3A_99 = arith.index_cast %scan3A_53 : i32 to index
      %get3A_100 = arith.constant 48 : index
      %get3A_101 = tpu.vector_load %arg6[%get3A_99, %get3A_100] {strides = array<i32>} : memref<64x768xf32, #tpu.memory_space<vmem>>, vector<1x16xf32>,
      %get3A_102 = vector.shape_cast %get3A_101 : vector<1x16xf32> to vector<16xf32>
      %add3A_103 = arith.addf %get3A_98, %get3A_102 : vector<16xf32>
      %swap3A_104 = arith.index_cast %scan3A_53 : i32 to index
      %swap3A_105 = arith.constant 48 : index
      %swap3A_106 = tpu.vector_load %arg5[%swap3A_104, %swap3A_105] {strides = array<i32>} : memref<64x768xf32, #tpu.memory_space<vmem>>, vector<1x16xf32>,
      %swap3A_107 = vector.shape_cast %swap3A_106 : vector<1x16xf32> to vector<16xf32>
      %swap3A_108 = vector.shape_cast %add3A_103 : vector<16xf32> to vector<1x16xf32>
      tpu.vector_store %arg5[%swap3A_104, %swap3A_105], %swap3A_108 {strides = array<i32>} : memref<64x768xf32, #tpu.memory_space<vmem>>, vector<1x16xf32>,
      %get3A_109 = arith.index_cast %scan3A_53 : i32 to index
      %get3A_110 = arith.constant 64 : index
      %get3A_111 = tpu.vector_load %arg5[%get3A_109, %get3A_110] {strides = array<i32>} : memref<64x768xf32, #tpu.memory_space<vmem>>, vector<1x16xf32>,
      %get3A_112 = vector.shape_cast %get3A_111 : vector<1x16xf32> to vector<16xf32>
      %get3A_113 = arith.index_cast %scan3A_53 : i32 to index
      %get3A_114 = arith.constant 64 : index
      %get3A_115 = tpu.vector_load %arg6[%get3A_113, %get3A_114] {strides = array<i32>} : memref<64x768xf32, #tpu.memory_space<vmem>>, vector<1x16xf32>,
      %get3A_116 = vector.shape_cast %get3A_115 : vector<1x16xf32> to vector<16xf32>
      %add3A_117 = arith.addf %get3A_112, %get3A_116 : vector<16xf32>
      %swap3A_118 = arith.index_cast %scan3A_53 : i32 to index
      %swap3A_119 = arith.constant 64 : index
      %swap3A_120 = tpu.vector_load %arg5[%swap3A_118, %swap3A_119] {strides = array<i32>} : memref<64x768xf32, #tpu.memory_space<vmem>>, vector<1x16xf32>,
      %swap3A_121 = vector.shape_cast %swap3A_120 : vector<1x16xf32> to vector<16xf32>
      %swap3A_122 = vector.shape_cast %add3A_117 : vector<16xf32> to vector<1x16xf32>
      tpu.vector_store %arg5[%swap3A_118, %swap3A_119], %swap3A_122 {strides = array<i32>} : memref<64x768xf32, #tpu.memory_space<vmem>>, vector<1x16xf32>,
      %get3A_123 = arith.index_cast %scan3A_53 : i32 to index
      %get3A_124 = arith.constant 80 : index
      %get3A_125 = tpu.vector_load %arg5[%get3A_123, %get3A_124] {strides = array<i32>} : memref<64x768xf32, #tpu.memory_space<vmem>>, vector<1x16xf32>,
      %get3A_126 = vector.shape_cast %get3A_125 : vector<1x16xf32> to vector<16xf32>
      %get3A_127 = arith.index_cast %scan3A_53 : i32 to index
      %get3A_128 = arith.constant 80 : index
      %get3A_129 = tpu.vector_load %arg6[%get3A_127, %get3A_128] {strides = array<i32>} : memref<64x768xf32, #tpu.memory_space<vmem>>, vector<1x16xf32>,
      %get3A_130 = vector.shape_cast %get3A_129 : vector<1x16xf32> to vector<16xf32>
      %add3A_131 = arith.addf %get3A_126, %get3A_130 : vector<16xf32>
      %swap3A_132 = arith.index_cast %scan3A_53 : i32 to index
      %swap3A_133 = arith.constant 80 : index
      %swap3A_134 = tpu.vector_load %arg5[%swap3A_132, %swap3A_133] {strides = array<i32>} : memref<64x768xf32, #tpu.memory_space<vmem>>, vector<1x16xf32>,
      %swap3A_135 = vector.shape_cast %swap3A_134 : vector<1x16xf32> to vector<16xf32>
      %swap3A_136 = vector.shape_cast %add3A_131 : vector<16xf32> to vector<1x16xf32>
      tpu.vector_store %arg5[%swap3A_132, %swap3A_133], %swap3A_136 {strides = array<i32>} : memref<64x768xf32, #tpu.memory_space<vmem>>, vector<1x16xf32>,
      %get3A_137 = arith.index_cast %scan3A_53 : i32 to index
      %get3A_138 = arith.constant 96 : index
      %get3A_139 = tpu.vector_load %arg5[%get3A_137, %get3A_138] {strides = array<i32>} : memref<64x768xf32, #tpu.memory_space<vmem>>, vector<1x16xf32>,
      %get3A_140 = vector.shape_cast %get3A_139 : vector<1x16xf32> to vector<16xf32>
      %get3A_141 = arith.index_cast %scan3A_53 : i32 to index
      %get3A_142 = arith.constant 96 : index
      %get3A_143 = tpu.vector_load %arg6[%get3A_141, %get3A_142] {strides = array<i32>} : memref<64x768xf32, #tpu.memory_space<vmem>>, vector<1x16xf32>,
      %get3A_144 = vector.shape_cast %get3A_143 : vector<1x16xf32> to vector<16xf32>
      %add3A_145 = arith.addf %get3A_140, %get3A_144 : vector<16xf32>
      %swap3A_146 = arith.index_cast %scan3A_53 : i32 to index
      %swap3A_147 = arith.constant 96 : index
      %swap3A_148 = tpu.vector_load %arg5[%swap3A_146, %swap3A_147] {strides = array<i32>} : memref<64x768xf32, #tpu.memory_space<vmem>>, vector<1x16xf32>,
      %swap3A_149 = vector.shape_cast %swap3A_148 : vector<1x16xf32> to vector<16xf32>
      %swap3A_150 = vector.shape_cast %add3A_145 : vector<16xf32> to vector<1x16xf32>
      tpu.vector_store %arg5[%swap3A_146, %swap3A_147], %swap3A_150 {strides = array<i32>} : memref<64x768xf32, #tpu.memory_space<vmem>>, vector<1x16xf32>,
      %get3A_151 = arith.index_cast %scan3A_53 : i32 to index
      %get3A_152 = arith.constant 112 : index
      %get3A_153 = tpu.vector_load %arg5[%get3A_151, %get3A_152] {strides = array<i32>} : memref<64x768xf32, #tpu.memory_space<vmem>>, vector<1x16xf32>,
      %get3A_154 = vector.shape_cast %get3A_153 : vector<1x16xf32> to vector<16xf32>
      %get3A_155 = arith.index_cast %scan3A_53 : i32 to index
      %get3A_156 = arith.constant 112 : index
      %get3A_157 = tpu.vector_load %arg6[%get3A_155, %get3A_156] {strides = array<i32>} : memref<64x768xf32, #tpu.memory_space<vmem>>, vector<1x16xf32>,
      %get3A_158 = vector.shape_cast %get3A_157 : vector<1x16xf32> to vector<16xf32>
      %add3A_159 = arith.addf %get3A_154, %get3A_158 : vector<16xf32>
      %swap3A_160 = arith.index_cast %scan3A_53 : i32 to index
      %swap3A_161 = arith.constant 112 : index
      %swap3A_162 = tpu.vector_load %arg5[%swap3A_160, %swap3A_161] {strides = array<i32>} : memref<64x768xf32, #tpu.memory_space<vmem>>, vector<1x16xf32>,
      %swap3A_163 = vector.shape_cast %swap3A_162 : vector<1x16xf32> to vector<16xf32>
      %swap3A_164 = vector.shape_cast %add3A_159 : vector<16xf32> to vector<1x16xf32>
      tpu.vector_store %arg5[%swap3A_160, %swap3A_161], %swap3A_164 {strides = array<i32>} : memref<64x768xf32, #tpu.memory_space<vmem>>, vector<1x16xf32>,
      %get3A_165 = arith.index_cast %scan3A_53 : i32 to index
      %get3A_166 = arith.constant 128 : index
      %get3A_167 = tpu.vector_load %arg5[%get3A_165, %get3A_166] {strides = array<i32>} : memref<64x768xf32, #tpu.memory_space<vmem>>, vector<1x16xf32>,
      %get3A_168 = vector.shape_cast %get3A_167 : vector<1x16xf32> to vector<16xf32>
      %get3A_169 = arith.index_cast %scan3A_53 : i32 to index
      %get3A_170 = arith.constant 128 : index
      %get3A_171 = tpu.vector_load %arg6[%get3A_169, %get3A_170] {strides = array<i32>} : memref<64x768xf32, #tpu.memory_space<vmem>>, vector<1x16xf32>,
      %get3A_172 = vector.shape_cast %get3A_171 : vector<1x16xf32> to vector<16xf32>
      %add3A_173 = arith.addf %get3A_168, %get3A_172 : vector<16xf32>
      %swap3A_174 = arith.index_cast %scan3A_53 : i32 to index
      %swap3A_175 = arith.constant 128 : index
      %swap3A_176 = tpu.vector_load %arg5[%swap3A_174, %swap3A_175] {strides = array<i32>} : memref<64x768xf32, #tpu.memory_space<vmem>>, vector<1x16xf32>,
      %swap3A_177 = vector.shape_cast %swap3A_176 : vector<1x16xf32> to vector<16xf32>
      %swap3A_178 = vector.shape_cast %add3A_173 : vector<16xf32> to vector<1x16xf32>
      tpu.vector_store %arg5[%swap3A_174, %swap3A_175], %swap3A_178 {strides = array<i32>} : memref<64x768xf32, #tpu.memory_space<vmem>>, vector<1x16xf32>,
      %get3A_179 = arith.index_cast %scan3A_53 : i32 to index
      %get3A_180 = arith.constant 144 : index
      %get3A_181 = tpu.vector_load %arg5[%get3A_179, %get3A_180] {strides = array<i32>} : memref<64x768xf32, #tpu.memory_space<vmem>>, vector<1x16xf32>,
      %get3A_182 = vector.shape_cast %get3A_181 : vector<1x16xf32> to vector<16xf32>
      %get3A_183 = arith.index_cast %scan3A_53 : i32 to index
      %get3A_184 = arith.constant 144 : index
      %get3A_185 = tpu.vector_load %arg6[%get3A_183, %get3A_184] {strides = array<i32>} : memref<64x768xf32, #tpu.memory_space<vmem>>, vector<1x16xf32>,
      %get3A_186 = vector.shape_cast %get3A_185 : vector<1x16xf32> to vector<16xf32>
      %add3A_187 = arith.addf %get3A_182, %get3A_186 : vector<16xf32>
      %swap3A_188 = arith.index_cast %scan3A_53 : i32 to index
      %swap3A_189 = arith.constant 144 : index
      %swap3A_190 = tpu.vector_load %arg5[%swap3A_188, %swap3A_189] {strides = array<i32>} : memref<64x768xf32, #tpu.memory_space<vmem>>, vector<1x16xf32>,
      %swap3A_191 = vector.shape_cast %swap3A_190 : vector<1x16xf32> to vector<16xf32>
      %swap3A_192 = vector.shape_cast %add3A_187 : vector<16xf32> to vector<1x16xf32>
      tpu.vector_store %arg5[%swap3A_188, %swap3A_189], %swap3A_192 {strides = array<i32>} : memref<64x768xf32, #tpu.memory_space<vmem>>, vector<1x16xf32>,
      %get3A_193 = arith.index_cast %scan3A_53 : i32 to index
      %get3A_194 = arith.constant 160 : index
      %get3A_195 = tpu.vector_load %arg5[%get3A_193, %get3A_194] {strides = array<i32>} : memref<64x768xf32, #tpu.memory_space<vmem>>, vector<1x16xf32>,
      %get3A_196 = vector.shape_cast %get3A_195 : vector<1x16xf32> to vector<16xf32>
      %get3A_197 = arith.index_cast %scan3A_53 : i32 to index
      %get3A_198 = arith.constant 160 : index
      %get3A_199 = tpu.vector_load %arg6[%get3A_197, %get3A_198] {strides = array<i32>} : memref<64x768xf32, #tpu.memory_space<vmem>>, vector<1x16xf32>,
      %get3A_200 = vector.shape_cast %get3A_199 : vector<1x16xf32> to vector<16xf32>
      %add3A_201 = arith.addf %get3A_196, %get3A_200 : vector<16xf32>
      %swap3A_202 = arith.index_cast %scan3A_53 : i32 to index
      %swap3A_203 = arith.constant 160 : index
      %swap3A_204 = tpu.vector_load %arg5[%swap3A_202, %swap3A_203] {strides = array<i32>} : memref<64x768xf32, #tpu.memory_space<vmem>>, vector<1x16xf32>,
      %swap3A_205 = vector.shape_cast %swap3A_204 : vector<1x16xf32> to vector<16xf32>
      %swap3A_206 = vector.shape_cast %add3A_201 : vector<16xf32> to vector<1x16xf32>
      tpu.vector_store %arg5[%swap3A_202, %swap3A_203], %swap3A_206 {strides = array<i32>} : memref<64x768xf32, #tpu.memory_space<vmem>>, vector<1x16xf32>,
      %get3A_207 = arith.index_cast %scan3A_53 : i32 to index
      %get3A_208 = arith.constant 176 : index
      %get3A_209 = tpu.vector_load %arg5[%get3A_207, %get3A_208] {strides = array<i32>} : memref<64x768xf32, #tpu.memory_space<vmem>>, vector<1x16xf32>,
      %get3A_210 = vector.shape_cast %get3A_209 : vector<1x16xf32> to vector<16xf32>
      %get3A_211 = arith.index_cast %scan3A_53 : i32 to index
      %get3A_212 = arith.constant 176 : index
      %get3A_213 = tpu.vector_load %arg6[%get3A_211, %get3A_212] {strides = array<i32>} : memref<64x768xf32, #tpu.memory_space<vmem>>, vector<1x16xf32>,
      %get3A_214 = vector.shape_cast %get3A_213 : vector<1x16xf32> to vector<16xf32>
      %add3A_215 = arith.addf %get3A_210, %get3A_214 : vector<16xf32>
      %swap3A_216 = arith.index_cast %scan3A_53 : i32 to index
      %swap3A_217 = arith.constant 176 : index
      %swap3A_218 = tpu.vector_load %arg5[%swap3A_216, %swap3A_217] {strides = array<i32>} : memref<64x768xf32, #tpu.memory_space<vmem>>, vector<1x16xf32>,
      %swap3A_219 = vector.shape_cast %swap3A_218 : vector<1x16xf32> to vector<16xf32>
      %swap3A_220 = vector.shape_cast %add3A_215 : vector<16xf32> to vector<1x16xf32>
      tpu.vector_store %arg5[%swap3A_216, %swap3A_217], %swap3A_220 {strides = array<i32>} : memref<64x768xf32, #tpu.memory_space<vmem>>, vector<1x16xf32>,
      %get3A_221 = arith.index_cast %scan3A_53 : i32 to index
      %get3A_222 = arith.constant 192 : index
      %get3A_223 = tpu.vector_load %arg5[%get3A_221, %get3A_222] {strides = array<i32>} : memref<64x768xf32, #tpu.memory_space<vmem>>, vector<1x16xf32>,
      %get3A_224 = vector.shape_cast %get3A_223 : vector<1x16xf32> to vector<16xf32>
      %get3A_225 = arith.index_cast %scan3A_53 : i32 to index
      %get3A_226 = arith.constant 192 : index
      %get3A_227 = tpu.vector_load %arg6[%get3A_225, %get3A_226] {strides = array<i32>} : memref<64x768xf32, #tpu.memory_space<vmem>>, vector<1x16xf32>,
      %get3A_228 = vector.shape_cast %get3A_227 : vector<1x16xf32> to vector<16xf32>
      %add3A_229 = arith.addf %get3A_224, %get3A_228 : vector<16xf32>
      %swap3A_230 = arith.index_cast %scan3A_53 : i32 to index
      %swap3A_231 = arith.constant 192 : index
      %swap3A_232 = tpu.vector_load %arg5[%swap3A_230, %swap3A_231] {strides = array<i32>} : memref<64x768xf32, #tpu.memory_space<vmem>>, vector<1x16xf32>,
      %swap3A_233 = vector.shape_cast %swap3A_232 : vector<1x16xf32> to vector<16xf32>
      %swap3A_234 = vector.shape_cast %add3A_229 : vector<16xf32> to vector<1x16xf32>
      tpu.vector_store %arg5[%swap3A_230, %swap3A_231], %swap3A_234 {strides = array<i32>} : memref<64x768xf32, #tpu.memory_space<vmem>>, vector<1x16xf32>,
      %get3A_235 = arith.index_cast %scan3A_53 : i32 to index
      %get3A_236 = arith.constant 208 : index
      %get3A_237 = tpu.vector_load %arg5[%get3A_235, %get3A_236] {strides = array<i32>} : memref<64x768xf32, #tpu.memory_space<vmem>>, vector<1x16xf32>,
      %get3A_238 = vector.shape_cast %get3A_237 : vector<1x16xf32> to vector<16xf32>
      %get3A_239 = arith.index_cast %scan3A_53 : i32 to index
      %get3A_240 = arith.constant 208 : index
      %get3A_241 = tpu.vector_load %arg6[%get3A_239, %get3A_240] {strides = array<i32>} : memref<64x768xf32, #tpu.memory_space<vmem>>, vector<1x16xf32>,
      %get3A_242 = vector.shape_cast %get3A_241 : vector<1x16xf32> to vector<16xf32>
      %add3A_243 = arith.addf %get3A_238, %get3A_242 : vector<16xf32>
      %swap3A_244 = arith.index_cast %scan3A_53 : i32 to index
      %swap3A_245 = arith.constant 208 : index
      %swap3A_246 = tpu.vector_load %arg5[%swap3A_244, %swap3A_245] {strides = array<i32>} : memref<64x768xf32, #tpu.memory_space<vmem>>, vector<1x16xf32>,
      %swap3A_247 = vector.shape_cast %swap3A_246 : vector<1x16xf32> to vector<16xf32>
      %swap3A_248 = vector.shape_cast %add3A_243 : vector<16xf32> to vector<1x16xf32>
      tpu.vector_store %arg5[%swap3A_244, %swap3A_245], %swap3A_248 {strides = array<i32>} : memref<64x768xf32, #tpu.memory_space<vmem>>, vector<1x16xf32>,
      %get3A_249 = arith.index_cast %scan3A_53 : i32 to index
      %get3A_250 = arith.constant 224 : index
      %get3A_251 = tpu.vector_load %arg5[%get3A_249, %get3A_250] {strides = array<i32>} : memref<64x768xf32, #tpu.memory_space<vmem>>, vector<1x16xf32>,
      %get3A_252 = vector.shape_cast %get3A_251 : vector<1x16xf32> to vector<16xf32>
      %get3A_253 = arith.index_cast %scan3A_53 : i32 to index
      %get3A_254 = arith.constant 224 : index
      %get3A_255 = tpu.vector_load %arg6[%get3A_253, %get3A_254] {strides = array<i32>} : memref<64x768xf32, #tpu.memory_space<vmem>>, vector<1x16xf32>,
      %get3A_256 = vector.shape_cast %get3A_255 : vector<1x16xf32> to vector<16xf32>
      %add3A_257 = arith.addf %get3A_252, %get3A_256 : vector<16xf32>
      %swap3A_258 = arith.index_cast %scan3A_53 : i32 to index
      %swap3A_259 = arith.constant 224 : index
      %swap3A_260 = tpu.vector_load %arg5[%swap3A_258, %swap3A_259] {strides = array<i32>} : memref<64x768xf32, #tpu.memory_space<vmem>>, vector<1x16xf32>,
      %swap3A_261 = vector.shape_cast %swap3A_260 : vector<1x16xf32> to vector<16xf32>
      %swap3A_262 = vector.shape_cast %add3A_257 : vector<16xf32> to vector<1x16xf32>
      tpu.vector_store %arg5[%swap3A_258, %swap3A_259], %swap3A_262 {strides = array<i32>} : memref<64x768xf32, #tpu.memory_space<vmem>>, vector<1x16xf32>,
      %get3A_263 = arith.index_cast %scan3A_53 : i32 to index
      %get3A_264 = arith.constant 240 : index
      %get3A_265 = tpu.vector_load %arg5[%get3A_263, %get3A_264] {strides = array<i32>} : memref<64x768xf32, #tpu.memory_space<vmem>>, vector<1x16xf32>,
      %get3A_266 = vector.shape_cast %get3A_265 : vector<1x16xf32> to vector<16xf32>
      %get3A_267 = arith.index_cast %scan3A_53 : i32 to index
      %get3A_268 = arith.constant 240 : index
      %get3A_269 = tpu.vector_load %arg6[%get3A_267, %get3A_268] {strides = array<i32>} : memref<64x768xf32, #tpu.memory_space<vmem>>, vector<1x16xf32>,
      %get3A_270 = vector.shape_cast %get3A_269 : vector<1x16xf32> to vector<16xf32>
      %add3A_271 = arith.addf %get3A_266, %get3A_270 : vector<16xf32>
      %swap3A_272 = arith.index_cast %scan3A_53 : i32 to index
      %swap3A_273 = arith.constant 240 : index
      %swap3A_274 = tpu.vector_load %arg5[%swap3A_272, %swap3A_273] {strides = array<i32>} : memref<64x768xf32, #tpu.memory_space<vmem>>, vector<1x16xf32>,
      %swap3A_275 = vector.shape_cast %swap3A_274 : vector<1x16xf32> to vector<16xf32>
      %swap3A_276 = vector.shape_cast %add3A_271 : vector<16xf32> to vector<1x16xf32>
      tpu.vector_store %arg5[%swap3A_272, %swap3A_273], %swap3A_276 {strides = array<i32>} : memref<64x768xf32, #tpu.memory_space<vmem>>, vector<1x16xf32>,
      %get3A_277 = arith.index_cast %scan3A_53 : i32 to index
      %get3A_278 = arith.constant 256 : index
      %get3A_279 = tpu.vector_load %arg5[%get3A_277, %get3A_278] {strides = array<i32>} : memref<64x768xf32, #tpu.memory_space<vmem>>, vector<1x16xf32>,
      %get3A_280 = vector.shape_cast %get3A_279 : vector<1x16xf32> to vector<16xf32>
      %get3A_281 = arith.index_cast %scan3A_53 : i32 to index
      %get3A_282 = arith.constant 256 : index
      %get3A_283 = tpu.vector_load %arg6[%get3A_281, %get3A_282] {strides = array<i32>} : memref<64x768xf32, #tpu.memory_space<vmem>>, vector<1x16xf32>,
      %get3A_284 = vector.shape_cast %get3A_283 : vector<1x16xf32> to vector<16xf32>
      %add3A_285 = arith.addf %get3A_280, %get3A_284 : vector<16xf32>
      %swap3A_286 = arith.index_cast %scan3A_53 : i32 to index
      %swap3A_287 = arith.constant 256 : index
      %swap3A_288 = tpu.vector_load %arg5[%swap3A_286, %swap3A_287] {strides = array<i32>} : memref<64x768xf32, #tpu.memory_space<vmem>>, vector<1x16xf32>,
      %swap3A_289 = vector.shape_cast %swap3A_288 : vector<1x16xf32> to vector<16xf32>
      %swap3A_290 = vector.shape_cast %add3A_285 : vector<16xf32> to vector<1x16xf32>
      tpu.vector_store %arg5[%swap3A_286, %swap3A_287], %swap3A_290 {strides = array<i32>} : memref<64x768xf32, #tpu.memory_space<vmem>>, vector<1x16xf32>,
      %get3A_291 = arith.index_cast %scan3A_53 : i32 to index
      %get3A_292 = arith.constant 272 : index
      %get3A_293 = tpu.vector_load %arg5[%get3A_291, %get3A_292] {strides = array<i32>} : memref<64x768xf32, #tpu.memory_space<vmem>>, vector<1x16xf32>,
      %get3A_294 = vector.shape_cast %get3A_293 : vector<1x16xf32> to vector<16xf32>
      %get3A_295 = arith.index_cast %scan3A_53 : i32 to index
      %get3A_296 = arith.constant 272 : index
      %get3A_297 = tpu.vector_load %arg6[%get3A_295, %get3A_296] {strides = array<i32>} : memref<64x768xf32, #tpu.memory_space<vmem>>, vector<1x16xf32>,
      %get3A_298 = vector.shape_cast %get3A_297 : vector<1x16xf32> to vector<16xf32>
      %add3A_299 = arith.addf %get3A_294, %get3A_298 : vector<16xf32>
      %swap3A_300 = arith.index_cast %scan3A_53 : i32 to index
      %swap3A_301 = arith.constant 272 : index
      %swap3A_302 = tpu.vector_load %arg5[%swap3A_300, %swap3A_301] {strides = array<i32>} : memref<64x768xf32, #tpu.memory_space<vmem>>, vector<1x16xf32>,
      %swap3A_303 = vector.shape_cast %swap3A_302 : vector<1x16xf32> to vector<16xf32>
      %swap3A_304 = vector.shape_cast %add3A_299 : vector<16xf32> to vector<1x16xf32>
      tpu.vector_store %arg5[%swap3A_300, %swap3A_301], %swap3A_304 {strides = array<i32>} : memref<64x768xf32, #tpu.memory_space<vmem>>, vector<1x16xf32>,
      %get3A_305 = arith.index_cast %scan3A_53 : i32 to index
      %get3A_306 = arith.constant 288 : index
      %get3A_307 = tpu.vector_load %arg5[%get3A_305, %get3A_306] {strides = array<i32>} : memref<64x768xf32, #tpu.memory_space<vmem>>, vector<1x16xf32>,
      %get3A_308 = vector.shape_cast %get3A_307 : vector<1x16xf32> to vector<16xf32>
      %get3A_309 = arith.index_cast %scan3A_53 : i32 to index
      %get3A_310 = arith.constant 288 : index
      %get3A_311 = tpu.vector_load %arg6[%get3A_309, %get3A_310] {strides = array<i32>} : memref<64x768xf32, #tpu.memory_space<vmem>>, vector<1x16xf32>,
      %get3A_312 = vector.shape_cast %get3A_311 : vector<1x16xf32> to vector<16xf32>
      %add3A_313 = arith.addf %get3A_308, %get3A_312 : vector<16xf32>
      %swap3A_314 = arith.index_cast %scan3A_53 : i32 to index
      %swap3A_315 = arith.constant 288 : index
      %swap3A_316 = tpu.vector_load %arg5[%swap3A_314, %swap3A_315] {strides = array<i32>} : memref<64x768xf32, #tpu.memory_space<vmem>>, vector<1x16xf32>,
      %swap3A_317 = vector.shape_cast %swap3A_316 : vector<1x16xf32> to vector<16xf32>
      %swap3A_318 = vector.shape_cast %add3A_313 : vector<16xf32> to vector<1x16xf32>
      tpu.vector_store %arg5[%swap3A_314, %swap3A_315], %swap3A_318 {strides = array<i32>} : memref<64x768xf32, #tpu.memory_space<vmem>>, vector<1x16xf32>,
      %get3A_319 = arith.index_cast %scan3A_53 : i32 to index
      %get3A_320 = arith.constant 304 : index
      %get3A_321 = tpu.vector_load %arg5[%get3A_319, %get3A_320] {strides = array<i32>} : memref<64x768xf32, #tpu.memory_space<vmem>>, vector<1x16xf32>,
      %get3A_322 = vector.shape_cast %get3A_321 : vector<1x16xf32> to vector<16xf32>
      %get3A_323 = arith.index_cast %scan3A_53 : i32 to index
      %get3A_324 = arith.constant 304 : index
      %get3A_325 = tpu.vector_load %arg6[%get3A_323, %get3A_324] {strides = array<i32>} : memref<64x768xf32, #tpu.memory_space<vmem>>, vector<1x16xf32>,
      %get3A_326 = vector.shape_cast %get3A_325 : vector<1x16xf32> to vector<16xf32>
      %add3A_327 = arith.addf %get3A_322, %get3A_326 : vector<16xf32>
      %swap3A_328 = arith.index_cast %scan3A_53 : i32 to index
      %swap3A_329 = arith.constant 304 : index
      %swap3A_330 = tpu.vector_load %arg5[%swap3A_328, %swap3A_329] {strides = array<i32>} : memref<64x768xf32, #tpu.memory_space<vmem>>, vector<1x16xf32>,
      %swap3A_331 = vector.shape_cast %swap3A_330 : vector<1x16xf32> to vector<16xf32>
      %swap3A_332 = vector.shape_cast %add3A_327 : vector<16xf32> to vector<1x16xf32>
      tpu.vector_store %arg5[%swap3A_328, %swap3A_329], %swap3A_332 {strides = array<i32>} : memref<64x768xf32, #tpu.memory_space<vmem>>, vector<1x16xf32>,
      %get3A_333 = arith.index_cast %scan3A_53 : i32 to index
      %get3A_334 = arith.constant 320 : index
      %get3A_335 = tpu.vector_load %arg5[%get3A_333, %get3A_334] {strides = array<i32>} : memref<64x768xf32, #tpu.memory_space<vmem>>, vector<1x16xf32>,
      %get3A_336 = vector.shape_cast %get3A_335 : vector<1x16xf32> to vector<16xf32>
      %get3A_337 = arith.index_cast %scan3A_53 : i32 to index
      %get3A_338 = arith.constant 320 : index
      %get3A_339 = tpu.vector_load %arg6[%get3A_337, %get3A_338] {strides = array<i32>} : memref<64x768xf32, #tpu.memory_space<vmem>>, vector<1x16xf32>,
      %get3A_340 = vector.shape_cast %get3A_339 : vector<1x16xf32> to vector<16xf32>
      %add3A_341 = arith.addf %get3A_336, %get3A_340 : vector<16xf32>
      %swap3A_342 = arith.index_cast %scan3A_53 : i32 to index
      %swap3A_343 = arith.constant 320 : index
      %swap3A_344 = tpu.vector_load %arg5[%swap3A_342, %swap3A_343] {strides = array<i32>} : memref<64x768xf32, #tpu.memory_space<vmem>>, vector<1x16xf32>,
      %swap3A_345 = vector.shape_cast %swap3A_344 : vector<1x16xf32> to vector<16xf32>
      %swap3A_346 = vector.shape_cast %add3A_341 : vector<16xf32> to vector<1x16xf32>
      tpu.vector_store %arg5[%swap3A_342, %swap3A_343], %swap3A_346 {strides = array<i32>} : memref<64x768xf32, #tpu.memory_space<vmem>>, vector<1x16xf32>,
      %get3A_347 = arith.index_cast %scan3A_53 : i32 to index
      %get3A_348 = arith.constant 336 : index
      %get3A_349 = tpu.vector_load %arg5[%get3A_347, %get3A_348] {strides = array<i32>} : memref<64x768xf32, #tpu.memory_space<vmem>>, vector<1x16xf32>,
      %get3A_350 = vector.shape_cast %get3A_349 : vector<1x16xf32> to vector<16xf32>
      %get3A_351 = arith.index_cast %scan3A_53 : i32 to index
      %get3A_352 = arith.constant 336 : index
      %get3A_353 = tpu.vector_load %arg6[%get3A_351, %get3A_352] {strides = array<i32>} : memref<64x768xf32, #tpu.memory_space<vmem>>, vector<1x16xf32>,
      %get3A_354 = vector.shape_cast %get3A_353 : vector<1x16xf32> to vector<16xf32>
      %add3A_355 = arith.addf %get3A_350, %get3A_354 : vector<16xf32>
      %swap3A_356 = arith.index_cast %scan3A_53 : i32 to index
      %swap3A_357 = arith.constant 336 : index
      %swap3A_358 = tpu.vector_load %arg5[%swap3A_356, %swap3A_357] {strides = array<i32>} : memref<64x768xf32, #tpu.memory_space<vmem>>, vector<1x16xf32>,
      %swap3A_359 = vector.shape_cast %swap3A_358 : vector<1x16xf32> to vector<16xf32>
      %swap3A_360 = vector.shape_cast %add3A_355 : vector<16xf32> to vector<1x16xf32>
      tpu.vector_store %arg5[%swap3A_356, %swap3A_357], %swap3A_360 {strides = array<i32>} : memref<64x768xf32, #tpu.memory_space<vmem>>, vector<1x16xf32>,
      %get3A_361 = arith.index_cast %scan3A_53 : i32 to index
      %get3A_362 = arith.constant 352 : index
      %get3A_363 = tpu.vector_load %arg5[%get3A_361, %get3A_362] {strides = array<i32>} : memref<64x768xf32, #tpu.memory_space<vmem>>, vector<1x16xf32>,
      %get3A_364 = vector.shape_cast %get3A_363 : vector<1x16xf32> to vector<16xf32>
      %get3A_365 = arith.index_cast %scan3A_53 : i32 to index
      %get3A_366 = arith.constant 352 : index
      %get3A_367 = tpu.vector_load %arg6[%get3A_365, %get3A_366] {strides = array<i32>} : memref<64x768xf32, #tpu.memory_space<vmem>>, vector<1x16xf32>,
      %get3A_368 = vector.shape_cast %get3A_367 : vector<1x16xf32> to vector<16xf32>
      %add3A_369 = arith.addf %get3A_364, %get3A_368 : vector<16xf32>
      %swap3A_370 = arith.index_cast %scan3A_53 : i32 to index
      %swap3A_371 = arith.constant 352 : index
      %swap3A_372 = tpu.vector_load %arg5[%swap3A_370, %swap3A_371] {strides = array<i32>} : memref<64x768xf32, #tpu.memory_space<vmem>>, vector<1x16xf32>,
      %swap3A_373 = vector.shape_cast %swap3A_372 : vector<1x16xf32> to vector<16xf32>
      %swap3A_374 = vector.shape_cast %add3A_369 : vector<16xf32> to vector<1x16xf32>
      tpu.vector_store %arg5[%swap3A_370, %swap3A_371], %swap3A_374 {strides = array<i32>} : memref<64x768xf32, #tpu.memory_space<vmem>>, vector<1x16xf32>,
      %get3A_375 = arith.index_cast %scan3A_53 : i32 to index
      %get3A_376 = arith.constant 368 : index
      %get3A_377 = tpu.vector_load %arg5[%get3A_375, %get3A_376] {strides = array<i32>} : memref<64x768xf32, #tpu.memory_space<vmem>>, vector<1x16xf32>,
      %get3A_378 = vector.shape_cast %get3A_377 : vector<1x16xf32> to vector<16xf32>
      %get3A_379 = arith.index_cast %scan3A_53 : i32 to index
      %get3A_380 = arith.constant 368 : index
      %get3A_381 = tpu.vector_load %arg6[%get3A_379, %get3A_380] {strides = array<i32>} : memref<64x768xf32, #tpu.memory_space<vmem>>, vector<1x16xf32>,
      %get3A_382 = vector.shape_cast %get3A_381 : vector<1x16xf32> to vector<16xf32>
      %add3A_383 = arith.addf %get3A_378, %get3A_382 : vector<16xf32>
      %swap3A_384 = arith.index_cast %scan3A_53 : i32 to index
      %swap3A_385 = arith.constant 368 : index
      %swap3A_386 = tpu.vector_load %arg5[%swap3A_384, %swap3A_385] {strides = array<i32>} : memref<64x768xf32, #tpu.memory_space<vmem>>, vector<1x16xf32>,
      %swap3A_387 = vector.shape_cast %swap3A_386 : vector<1x16xf32> to vector<16xf32>
      %swap3A_388 = vector.shape_cast %add3A_383 : vector<16xf32> to vector<1x16xf32>
      tpu.vector_store %arg5[%swap3A_384, %swap3A_385], %swap3A_388 {strides = array<i32>} : memref<64x768xf32, #tpu.memory_space<vmem>>, vector<1x16xf32>,
      %get3A_389 = arith.index_cast %scan3A_53 : i32 to index
      %get3A_390 = arith.constant 384 : index
      %get3A_391 = tpu.vector_load %arg5[%get3A_389, %get3A_390] {strides = array<i32>} : memref<64x768xf32, #tpu.memory_space<vmem>>, vector<1x16xf32>,
      %get3A_392 = vector.shape_cast %get3A_391 : vector<1x16xf32> to vector<16xf32>
      %get3A_393 = arith.index_cast %scan3A_53 : i32 to index
      %get3A_394 = arith.constant 384 : index
      %get3A_395 = tpu.vector_load %arg6[%get3A_393, %get3A_394] {strides = array<i32>} : memref<64x768xf32, #tpu.memory_space<vmem>>, vector<1x16xf32>,
      %get3A_396 = vector.shape_cast %get3A_395 : vector<1x16xf32> to vector<16xf32>
      %add3A_397 = arith.addf %get3A_392, %get3A_396 : vector<16xf32>
      %swap3A_398 = arith.index_cast %scan3A_53 : i32 to index
      %swap3A_399 = arith.constant 384 : index
      %swap3A_400 = tpu.vector_load %arg5[%swap3A_398, %swap3A_399] {strides = array<i32>} : memref<64x768xf32, #tpu.memory_space<vmem>>, vector<1x16xf32>,
      %swap3A_401 = vector.shape_cast %swap3A_400 : vector<1x16xf32> to vector<16xf32>
      %swap3A_402 = vector.shape_cast %add3A_397 : vector<16xf32> to vector<1x16xf32>
      tpu.vector_store %arg5[%swap3A_398, %swap3A_399], %swap3A_402 {strides = array<i32>} : memref<64x768xf32, #tpu.memory_space<vmem>>, vector<1x16xf32>,
      %get3A_403 = arith.index_cast %scan3A_53 : i32 to index
      %get3A_404 = arith.constant 400 : index
      %get3A_405 = tpu.vector_load %arg5[%get3A_403, %get3A_404] {strides = array<i32>} : memref<64x768xf32, #tpu.memory_space<vmem>>, vector<1x16xf32>,
      %get3A_406 = vector.shape_cast %get3A_405 : vector<1x16xf32> to vector<16xf32>
      %get3A_407 = arith.index_cast %scan3A_53 : i32 to index
      %get3A_408 = arith.constant 400 : index
      %get3A_409 = tpu.vector_load %arg6[%get3A_407, %get3A_408] {strides = array<i32>} : memref<64x768xf32, #tpu.memory_space<vmem>>, vector<1x16xf32>,
      %get3A_410 = vector.shape_cast %get3A_409 : vector<1x16xf32> to vector<16xf32>
      %add3A_411 = arith.addf %get3A_406, %get3A_410 : vector<16xf32>
      %swap3A_412 = arith.index_cast %scan3A_53 : i32 to index
      %swap3A_413 = arith.constant 400 : index
      %swap3A_414 = tpu.vector_load %arg5[%swap3A_412, %swap3A_413] {strides = array<i32>} : memref<64x768xf32, #tpu.memory_space<vmem>>, vector<1x16xf32>,
      %swap3A_415 = vector.shape_cast %swap3A_414 : vector<1x16xf32> to vector<16xf32>
      %swap3A_416 = vector.shape_cast %add3A_411 : vector<16xf32> to vector<1x16xf32>
      tpu.vector_store %arg5[%swap3A_412, %swap3A_413], %swap3A_416 {strides = array<i32>} : memref<64x768xf32, #tpu.memory_space<vmem>>, vector<1x16xf32>,
      %get3A_417 = arith.index_cast %scan3A_53 : i32 to index
      %get3A_418 = arith.constant 416 : index
      %get3A_419 = tpu.vector_load %arg5[%get3A_417, %get3A_418] {strides = array<i32>} : memref<64x768xf32, #tpu.memory_space<vmem>>, vector<1x16xf32>,
      %get3A_420 = vector.shape_cast %get3A_419 : vector<1x16xf32> to vector<16xf32>
      %get3A_421 = arith.index_cast %scan3A_53 : i32 to index
      %get3A_422 = arith.constant 416 : index
      %get3A_423 = tpu.vector_load %arg6[%get3A_421, %get3A_422] {strides = array<i32>} : memref<64x768xf32, #tpu.memory_space<vmem>>, vector<1x16xf32>,
      %get3A_424 = vector.shape_cast %get3A_423 : vector<1x16xf32> to vector<16xf32>
      %add3A_425 = arith.addf %get3A_420, %get3A_424 : vector<16xf32>
      %swap3A_426 = arith.index_cast %scan3A_53 : i32 to index
      %swap3A_427 = arith.constant 416 : index
      %swap3A_428 = tpu.vector_load %arg5[%swap3A_426, %swap3A_427] {strides = array<i32>} : memref<64x768xf32, #tpu.memory_space<vmem>>, vector<1x16xf32>,
      %swap3A_429 = vector.shape_cast %swap3A_428 : vector<1x16xf32> to vector<16xf32>
      %swap3A_430 = vector.shape_cast %add3A_425 : vector<16xf32> to vector<1x16xf32>
      tpu.vector_store %arg5[%swap3A_426, %swap3A_427], %swap3A_430 {strides = array<i32>} : memref<64x768xf32, #tpu.memory_space<vmem>>, vector<1x16xf32>,
      %get3A_431 = arith.index_cast %scan3A_53 : i32 to index
      %get3A_432 = arith.constant 432 : index
      %get3A_433 = tpu.vector_load %arg5[%get3A_431, %get3A_432] {strides = array<i32>} : memref<64x768xf32, #tpu.memory_space<vmem>>, vector<1x16xf32>,
      %get3A_434 = vector.shape_cast %get3A_433 : vector<1x16xf32> to vector<16xf32>
      %get3A_435 = arith.index_cast %scan3A_53 : i32 to index
      %get3A_436 = arith.constant 432 : index
      %get3A_437 = tpu.vector_load %arg6[%get3A_435, %get3A_436] {strides = array<i32>} : memref<64x768xf32, #tpu.memory_space<vmem>>, vector<1x16xf32>,
      %get3A_438 = vector.shape_cast %get3A_437 : vector<1x16xf32> to vector<16xf32>
      %add3A_439 = arith.addf %get3A_434, %get3A_438 : vector<16xf32>
      %swap3A_440 = arith.index_cast %scan3A_53 : i32 to index
      %swap3A_441 = arith.constant 432 : index
      %swap3A_442 = tpu.vector_load %arg5[%swap3A_440, %swap3A_441] {strides = array<i32>} : memref<64x768xf32, #tpu.memory_space<vmem>>, vector<1x16xf32>,
      %swap3A_443 = vector.shape_cast %swap3A_442 : vector<1x16xf32> to vector<16xf32>
      %swap3A_444 = vector.shape_cast %add3A_439 : vector<16xf32> to vector<1x16xf32>
      tpu.vector_store %arg5[%swap3A_440, %swap3A_441], %swap3A_444 {strides = array<i32>} : memref<64x768xf32, #tpu.memory_space<vmem>>, vector<1x16xf32>,
      %get3A_445 = arith.index_cast %scan3A_53 : i32 to index
      %get3A_446 = arith.constant 448 : index
      %get3A_447 = tpu.vector_load %arg5[%get3A_445, %get3A_446] {strides = array<i32>} : memref<64x768xf32, #tpu.memory_space<vmem>>, vector<1x16xf32>,
      %get3A_448 = vector.shape_cast %get3A_447 : vector<1x16xf32> to vector<16xf32>
      %get3A_449 = arith.index_cast %scan3A_53 : i32 to index
      %get3A_450 = arith.constant 448 : index
      %get3A_451 = tpu.vector_load %arg6[%get3A_449, %get3A_450] {strides = array<i32>} : memref<64x768xf32, #tpu.memory_space<vmem>>, vector<1x16xf32>,
      %get3A_452 = vector.shape_cast %get3A_451 : vector<1x16xf32> to vector<16xf32>
      %add3A_453 = arith.addf %get3A_448, %get3A_452 : vector<16xf32>
      %swap3A_454 = arith.index_cast %scan3A_53 : i32 to index
      %swap3A_455 = arith.constant 448 : index
      %swap3A_456 = tpu.vector_load %arg5[%swap3A_454, %swap3A_455] {strides = array<i32>} : memref<64x768xf32, #tpu.memory_space<vmem>>, vector<1x16xf32>,
      %swap3A_457 = vector.shape_cast %swap3A_456 : vector<1x16xf32> to vector<16xf32>
      %swap3A_458 = vector.shape_cast %add3A_453 : vector<16xf32> to vector<1x16xf32>
      tpu.vector_store %arg5[%swap3A_454, %swap3A_455], %swap3A_458 {strides = array<i32>} : memref<64x768xf32, #tpu.memory_space<vmem>>, vector<1x16xf32>,
      %get3A_459 = arith.index_cast %scan3A_53 : i32 to index
      %get3A_460 = arith.constant 464 : index
      %get3A_461 = tpu.vector_load %arg5[%get3A_459, %get3A_460] {strides = array<i32>} : memref<64x768xf32, #tpu.memory_space<vmem>>, vector<1x16xf32>,
      %get3A_462 = vector.shape_cast %get3A_461 : vector<1x16xf32> to vector<16xf32>
      %get3A_463 = arith.index_cast %scan3A_53 : i32 to index
      %get3A_464 = arith.constant 464 : index
      %get3A_465 = tpu.vector_load %arg6[%get3A_463, %get3A_464] {strides = array<i32>} : memref<64x768xf32, #tpu.memory_space<vmem>>, vector<1x16xf32>,
      %get3A_466 = vector.shape_cast %get3A_465 : vector<1x16xf32> to vector<16xf32>
      %add3A_467 = arith.addf %get3A_462, %get3A_466 : vector<16xf32>
      %swap3A_468 = arith.index_cast %scan3A_53 : i32 to index
      %swap3A_469 = arith.constant 464 : index
      %swap3A_470 = tpu.vector_load %arg5[%swap3A_468, %swap3A_469] {strides = array<i32>} : memref<64x768xf32, #tpu.memory_space<vmem>>, vector<1x16xf32>,
      %swap3A_471 = vector.shape_cast %swap3A_470 : vector<1x16xf32> to vector<16xf32>
      %swap3A_472 = vector.shape_cast %add3A_467 : vector<16xf32> to vector<1x16xf32>
      tpu.vector_store %arg5[%swap3A_468, %swap3A_469], %swap3A_472 {strides = array<i32>} : memref<64x768xf32, #tpu.memory_space<vmem>>, vector<1x16xf32>,
      %get3A_473 = arith.index_cast %scan3A_53 : i32 to index
      %get3A_474 = arith.constant 480 : index
      %get3A_475 = tpu.vector_load %arg5[%get3A_473, %get3A_474] {strides = array<i32>} : memref<64x768xf32, #tpu.memory_space<vmem>>, vector<1x16xf32>,
      %get3A_476 = vector.shape_cast %get3A_475 : vector<1x16xf32> to vector<16xf32>
      %get3A_477 = arith.index_cast %scan3A_53 : i32 to index
      %get3A_478 = arith.constant 480 : index
      %get3A_479 = tpu.vector_load %arg6[%get3A_477, %get3A_478] {strides = array<i32>} : memref<64x768xf32, #tpu.memory_space<vmem>>, vector<1x16xf32>,
      %get3A_480 = vector.shape_cast %get3A_479 : vector<1x16xf32> to vector<16xf32>
      %add3A_481 = arith.addf %get3A_476, %get3A_480 : vector<16xf32>
      %swap3A_482 = arith.index_cast %scan3A_53 : i32 to index
      %swap3A_483 = arith.constant 480 : index
      %swap3A_484 = tpu.vector_load %arg5[%swap3A_482, %swap3A_483] {strides = array<i32>} : memref<64x768xf32, #tpu.memory_space<vmem>>, vector<1x16xf32>,
      %swap3A_485 = vector.shape_cast %swap3A_484 : vector<1x16xf32> to vector<16xf32>
      %swap3A_486 = vector.shape_cast %add3A_481 : vector<16xf32> to vector<1x16xf32>
      tpu.vector_store %arg5[%swap3A_482, %swap3A_483], %swap3A_486 {strides = array<i32>} : memref<64x768xf32, #tpu.memory_space<vmem>>, vector<1x16xf32>,
      %get3A_487 = arith.index_cast %scan3A_53 : i32 to index
      %get3A_488 = arith.constant 496 : index
      %get3A_489 = tpu.vector_load %arg5[%get3A_487, %get3A_488] {strides = array<i32>} : memref<64x768xf32, #tpu.memory_space<vmem>>, vector<1x16xf32>,
      %get3A_490 = vector.shape_cast %get3A_489 : vector<1x16xf32> to vector<16xf32>
      %get3A_491 = arith.index_cast %scan3A_53 : i32 to index
      %get3A_492 = arith.constant 496 : index
      %get3A_493 = tpu.vector_load %arg6[%get3A_491, %get3A_492] {strides = array<i32>} : memref<64x768xf32, #tpu.memory_space<vmem>>, vector<1x16xf32>,
      %get3A_494 = vector.shape_cast %get3A_493 : vector<1x16xf32> to vector<16xf32>
      %add3A_495 = arith.addf %get3A_490, %get3A_494 : vector<16xf32>
      %swap3A_496 = arith.index_cast %scan3A_53 : i32 to index
      %swap3A_497 = arith.constant 496 : index
      %swap3A_498 = tpu.vector_load %arg5[%swap3A_496, %swap3A_497] {strides = array<i32>} : memref<64x768xf32, #tpu.memory_space<vmem>>, vector<1x16xf32>,
      %swap3A_499 = vector.shape_cast %swap3A_498 : vector<1x16xf32> to vector<16xf32>
      %swap3A_500 = vector.shape_cast %add3A_495 : vector<16xf32> to vector<1x16xf32>
      tpu.vector_store %arg5[%swap3A_496, %swap3A_497], %swap3A_500 {strides = array<i32>} : memref<64x768xf32, #tpu.memory_space<vmem>>, vector<1x16xf32>,
      %get3A_501 = arith.index_cast %scan3A_53 : i32 to index
      %get3A_502 = arith.constant 512 : index
      %get3A_503 = tpu.vector_load %arg5[%get3A_501, %get3A_502] {strides = array<i32>} : memref<64x768xf32, #tpu.memory_space<vmem>>, vector<1x16xf32>,
      %get3A_504 = vector.shape_cast %get3A_503 : vector<1x16xf32> to vector<16xf32>
      %get3A_505 = arith.index_cast %scan3A_53 : i32 to index
      %get3A_506 = arith.constant 512 : index
      %get3A_507 = tpu.vector_load %arg6[%get3A_505, %get3A_506] {strides = array<i32>} : memref<64x768xf32, #tpu.memory_space<vmem>>, vector<1x16xf32>,
      %get3A_508 = vector.shape_cast %get3A_507 : vector<1x16xf32> to vector<16xf32>
      %add3A_509 = arith.addf %get3A_504, %get3A_508 : vector<16xf32>
      %swap3A_510 = arith.index_cast %scan3A_53 : i32 to index
      %swap3A_511 = arith.constant 512 : index
      %swap3A_512 = tpu.vector_load %arg5[%swap3A_510, %swap3A_511] {strides = array<i32>} : memref<64x768xf32, #tpu.memory_space<vmem>>, vector<1x16xf32>,
      %swap3A_513 = vector.shape_cast %swap3A_512 : vector<1x16xf32> to vector<16xf32>
      %swap3A_514 = vector.shape_cast %add3A_509 : vector<16xf32> to vector<1x16xf32>
      tpu.vector_store %arg5[%swap3A_510, %swap3A_511], %swap3A_514 {strides = array<i32>} : memref<64x768xf32, #tpu.memory_space<vmem>>, vector<1x16xf32>,
      %get3A_515 = arith.index_cast %scan3A_53 : i32 to index
      %get3A_516 = arith.constant 528 : index
      %get3A_517 = tpu.vector_load %arg5[%get3A_515, %get3A_516] {strides = array<i32>} : memref<64x768xf32, #tpu.memory_space<vmem>>, vector<1x16xf32>,
      %get3A_518 = vector.shape_cast %get3A_517 : vector<1x16xf32> to vector<16xf32>
      %get3A_519 = arith.index_cast %scan3A_53 : i32 to index
      %get3A_520 = arith.constant 528 : index
      %get3A_521 = tpu.vector_load %arg6[%get3A_519, %get3A_520] {strides = array<i32>} : memref<64x768xf32, #tpu.memory_space<vmem>>, vector<1x16xf32>,
      %get3A_522 = vector.shape_cast %get3A_521 : vector<1x16xf32> to vector<16xf32>
      %add3A_523 = arith.addf %get3A_518, %get3A_522 : vector<16xf32>
      %swap3A_524 = arith.index_cast %scan3A_53 : i32 to index
      %swap3A_525 = arith.constant 528 : index
      %swap3A_526 = tpu.vector_load %arg5[%swap3A_524, %swap3A_525] {strides = array<i32>} : memref<64x768xf32, #tpu.memory_space<vmem>>, vector<1x16xf32>,
      %swap3A_527 = vector.shape_cast %swap3A_526 : vector<1x16xf32> to vector<16xf32>
      %swap3A_528 = vector.shape_cast %add3A_523 : vector<16xf32> to vector<1x16xf32>
      tpu.vector_store %arg5[%swap3A_524, %swap3A_525], %swap3A_528 {strides = array<i32>} : memref<64x768xf32, #tpu.memory_space<vmem>>, vector<1x16xf32>,
      %get3A_529 = arith.index_cast %scan3A_53 : i32 to index
      %get3A_530 = arith.constant 544 : index
      %get3A_531 = tpu.vector_load %arg5[%get3A_529, %get3A_530] {strides = array<i32>} : memref<64x768xf32, #tpu.memory_space<vmem>>, vector<1x16xf32>,
      %get3A_532 = vector.shape_cast %get3A_531 : vector<1x16xf32> to vector<16xf32>
      %get3A_533 = arith.index_cast %scan3A_53 : i32 to index
      %get3A_534 = arith.constant 544 : index
      %get3A_535 = tpu.vector_load %arg6[%get3A_533, %get3A_534] {strides = array<i32>} : memref<64x768xf32, #tpu.memory_space<vmem>>, vector<1x16xf32>,
      %get3A_536 = vector.shape_cast %get3A_535 : vector<1x16xf32> to vector<16xf32>
      %add3A_537 = arith.addf %get3A_532, %get3A_536 : vector<16xf32>
      %swap3A_538 = arith.index_cast %scan3A_53 : i32 to index
      %swap3A_539 = arith.constant 544 : index
      %swap3A_540 = tpu.vector_load %arg5[%swap3A_538, %swap3A_539] {strides = array<i32>} : memref<64x768xf32, #tpu.memory_space<vmem>>, vector<1x16xf32>,
      %swap3A_541 = vector.shape_cast %swap3A_540 : vector<1x16xf32> to vector<16xf32>
      %swap3A_542 = vector.shape_cast %add3A_537 : vector<16xf32> to vector<1x16xf32>
      tpu.vector_store %arg5[%swap3A_538, %swap3A_539], %swap3A_542 {strides = array<i32>} : memref<64x768xf32, #tpu.memory_space<vmem>>, vector<1x16xf32>,
      %get3A_543 = arith.index_cast %scan3A_53 : i32 to index
      %get3A_544 = arith.constant 560 : index
      %get3A_545 = tpu.vector_load %arg5[%get3A_543, %get3A_544] {strides = array<i32>} : memref<64x768xf32, #tpu.memory_space<vmem>>, vector<1x16xf32>,
      %get3A_546 = vector.shape_cast %get3A_545 : vector<1x16xf32> to vector<16xf32>
      %get3A_547 = arith.index_cast %scan3A_53 : i32 to index
      %get3A_548 = arith.constant 560 : index
      %get3A_549 = tpu.vector_load %arg6[%get3A_547, %get3A_548] {strides = array<i32>} : memref<64x768xf32, #tpu.memory_space<vmem>>, vector<1x16xf32>,
      %get3A_550 = vector.shape_cast %get3A_549 : vector<1x16xf32> to vector<16xf32>
      %add3A_551 = arith.addf %get3A_546, %get3A_550 : vector<16xf32>
      %swap3A_552 = arith.index_cast %scan3A_53 : i32 to index
      %swap3A_553 = arith.constant 560 : index
      %swap3A_554 = tpu.vector_load %arg5[%swap3A_552, %swap3A_553] {strides = array<i32>} : memref<64x768xf32, #tpu.memory_space<vmem>>, vector<1x16xf32>,
      %swap3A_555 = vector.shape_cast %swap3A_554 : vector<1x16xf32> to vector<16xf32>
      %swap3A_556 = vector.shape_cast %add3A_551 : vector<16xf32> to vector<1x16xf32>
      tpu.vector_store %arg5[%swap3A_552, %swap3A_553], %swap3A_556 {strides = array<i32>} : memref<64x768xf32, #tpu.memory_space<vmem>>, vector<1x16xf32>,
      %get3A_557 = arith.index_cast %scan3A_53 : i32 to index
      %get3A_558 = arith.constant 576 : index
      %get3A_559 = tpu.vector_load %arg5[%get3A_557, %get3A_558] {strides = array<i32>} : memref<64x768xf32, #tpu.memory_space<vmem>>, vector<1x16xf32>,
      %get3A_560 = vector.shape_cast %get3A_559 : vector<1x16xf32> to vector<16xf32>
      %get3A_561 = arith.index_cast %scan3A_53 : i32 to index
      %get3A_562 = arith.constant 576 : index
      %get3A_563 = tpu.vector_load %arg6[%get3A_561, %get3A_562] {strides = array<i32>} : memref<64x768xf32, #tpu.memory_space<vmem>>, vector<1x16xf32>,
      %get3A_564 = vector.shape_cast %get3A_563 : vector<1x16xf32> to vector<16xf32>
      %add3A_565 = arith.addf %get3A_560, %get3A_564 : vector<16xf32>
      %swap3A_566 = arith.index_cast %scan3A_53 : i32 to index
      %swap3A_567 = arith.constant 576 : index
      %swap3A_568 = tpu.vector_load %arg5[%swap3A_566, %swap3A_567] {strides = array<i32>} : memref<64x768xf32, #tpu.memory_space<vmem>>, vector<1x16xf32>,
      %swap3A_569 = vector.shape_cast %swap3A_568 : vector<1x16xf32> to vector<16xf32>
      %swap3A_570 = vector.shape_cast %add3A_565 : vector<16xf32> to vector<1x16xf32>
      tpu.vector_store %arg5[%swap3A_566, %swap3A_567], %swap3A_570 {strides = array<i32>} : memref<64x768xf32, #tpu.memory_space<vmem>>, vector<1x16xf32>,
      %get3A_571 = arith.index_cast %scan3A_53 : i32 to index
      %get3A_572 = arith.constant 592 : index
      %get3A_573 = tpu.vector_load %arg5[%get3A_571, %get3A_572] {strides = array<i32>} : memref<64x768xf32, #tpu.memory_space<vmem>>, vector<1x16xf32>,
      %get3A_574 = vector.shape_cast %get3A_573 : vector<1x16xf32> to vector<16xf32>
      %get3A_575 = arith.index_cast %scan3A_53 : i32 to index
      %get3A_576 = arith.constant 592 : index
      %get3A_577 = tpu.vector_load %arg6[%get3A_575, %get3A_576] {strides = array<i32>} : memref<64x768xf32, #tpu.memory_space<vmem>>, vector<1x16xf32>,
      %get3A_578 = vector.shape_cast %get3A_577 : vector<1x16xf32> to vector<16xf32>
      %add3A_579 = arith.addf %get3A_574, %get3A_578 : vector<16xf32>
      %swap3A_580 = arith.index_cast %scan3A_53 : i32 to index
      %swap3A_581 = arith.constant 592 : index
      %swap3A_582 = tpu.vector_load %arg5[%swap3A_580, %swap3A_581] {strides = array<i32>} : memref<64x768xf32, #tpu.memory_space<vmem>>, vector<1x16xf32>,
      %swap3A_583 = vector.shape_cast %swap3A_582 : vector<1x16xf32> to vector<16xf32>
      %swap3A_584 = vector.shape_cast %add3A_579 : vector<16xf32> to vector<1x16xf32>
      tpu.vector_store %arg5[%swap3A_580, %swap3A_581], %swap3A_584 {strides = array<i32>} : memref<64x768xf32, #tpu.memory_space<vmem>>, vector<1x16xf32>,
      %get3A_585 = arith.index_cast %scan3A_53 : i32 to index
      %get3A_586 = arith.constant 608 : index
      %get3A_587 = tpu.vector_load %arg5[%get3A_585, %get3A_586] {strides = array<i32>} : memref<64x768xf32, #tpu.memory_space<vmem>>, vector<1x16xf32>,
      %get3A_588 = vector.shape_cast %get3A_587 : vector<1x16xf32> to vector<16xf32>
      %get3A_589 = arith.index_cast %scan3A_53 : i32 to index
      %get3A_590 = arith.constant 608 : index
      %get3A_591 = tpu.vector_load %arg6[%get3A_589, %get3A_590] {strides = array<i32>} : memref<64x768xf32, #tpu.memory_space<vmem>>, vector<1x16xf32>,
      %get3A_592 = vector.shape_cast %get3A_591 : vector<1x16xf32> to vector<16xf32>
      %add3A_593 = arith.addf %get3A_588, %get3A_592 : vector<16xf32>
      %swap3A_594 = arith.index_cast %scan3A_53 : i32 to index
      %swap3A_595 = arith.constant 608 : index
      %swap3A_596 = tpu.vector_load %arg5[%swap3A_594, %swap3A_595] {strides = array<i32>} : memref<64x768xf32, #tpu.memory_space<vmem>>, vector<1x16xf32>,
      %swap3A_597 = vector.shape_cast %swap3A_596 : vector<1x16xf32> to vector<16xf32>
      %swap3A_598 = vector.shape_cast %add3A_593 : vector<16xf32> to vector<1x16xf32>
      tpu.vector_store %arg5[%swap3A_594, %swap3A_595], %swap3A_598 {strides = array<i32>} : memref<64x768xf32, #tpu.memory_space<vmem>>, vector<1x16xf32>,
      %get3A_599 = arith.index_cast %scan3A_53 : i32 to index
      %get3A_600 = arith.constant 624 : index
      %get3A_601 = tpu.vector_load %arg5[%get3A_599, %get3A_600] {strides = array<i32>} : memref<64x768xf32, #tpu.memory_space<vmem>>, vector<1x16xf32>,
      %get3A_602 = vector.shape_cast %get3A_601 : vector<1x16xf32> to vector<16xf32>
      %get3A_603 = arith.index_cast %scan3A_53 : i32 to index
      %get3A_604 = arith.constant 624 : index
      %get3A_605 = tpu.vector_load %arg6[%get3A_603, %get3A_604] {strides = array<i32>} : memref<64x768xf32, #tpu.memory_space<vmem>>, vector<1x16xf32>,
      %get3A_606 = vector.shape_cast %get3A_605 : vector<1x16xf32> to vector<16xf32>
      %add3A_607 = arith.addf %get3A_602, %get3A_606 : vector<16xf32>
      %swap3A_608 = arith.index_cast %scan3A_53 : i32 to index
      %swap3A_609 = arith.constant 624 : index
      %swap3A_610 = tpu.vector_load %arg5[%swap3A_608, %swap3A_609] {strides = array<i32>} : memref<64x768xf32, #tpu.memory_space<vmem>>, vector<1x16xf32>,
      %swap3A_611 = vector.shape_cast %swap3A_610 : vector<1x16xf32> to vector<16xf32>
      %swap3A_612 = vector.shape_cast %add3A_607 : vector<16xf32> to vector<1x16xf32>
      tpu.vector_store %arg5[%swap3A_608, %swap3A_609], %swap3A_612 {strides = array<i32>} : memref<64x768xf32, #tpu.memory_space<vmem>>, vector<1x16xf32>,
      %get3A_613 = arith.index_cast %scan3A_53 : i32 to index
      %get3A_614 = arith.constant 640 : index
      %get3A_615 = tpu.vector_load %arg5[%get3A_613, %get3A_614] {strides = array<i32>} : memref<64x768xf32, #tpu.memory_space<vmem>>, vector<1x16xf32>,
      %get3A_616 = vector.shape_cast %get3A_615 : vector<1x16xf32> to vector<16xf32>
      %get3A_617 = arith.index_cast %scan3A_53 : i32 to index
      %get3A_618 = arith.constant 640 : index
      %get3A_619 = tpu.vector_load %arg6[%get3A_617, %get3A_618] {strides = array<i32>} : memref<64x768xf32, #tpu.memory_space<vmem>>, vector<1x16xf32>,
      %get3A_620 = vector.shape_cast %get3A_619 : vector<1x16xf32> to vector<16xf32>
      %add3A_621 = arith.addf %get3A_616, %get3A_620 : vector<16xf32>
      %swap3A_622 = arith.index_cast %scan3A_53 : i32 to index
      %swap3A_623 = arith.constant 640 : index
      %swap3A_624 = tpu.vector_load %arg5[%swap3A_622, %swap3A_623] {strides = array<i32>} : memref<64x768xf32, #tpu.memory_space<vmem>>, vector<1x16xf32>,
      %swap3A_625 = vector.shape_cast %swap3A_624 : vector<1x16xf32> to vector<16xf32>
      %swap3A_626 = vector.shape_cast %add3A_621 : vector<16xf32> to vector<1x16xf32>
      tpu.vector_store %arg5[%swap3A_622, %swap3A_623], %swap3A_626 {strides = array<i32>} : memref<64x768xf32, #tpu.memory_space<vmem>>, vector<1x16xf32>,
      %get3A_627 = arith.index_cast %scan3A_53 : i32 to index
      %get3A_628 = arith.constant 656 : index
      %get3A_629 = tpu.vector_load %arg5[%get3A_627, %get3A_628] {strides = array<i32>} : memref<64x768xf32, #tpu.memory_space<vmem>>, vector<1x16xf32>,
      %get3A_630 = vector.shape_cast %get3A_629 : vector<1x16xf32> to vector<16xf32>
      %get3A_631 = arith.index_cast %scan3A_53 : i32 to index
      %get3A_632 = arith.constant 656 : index
      %get3A_633 = tpu.vector_load %arg6[%get3A_631, %get3A_632] {strides = array<i32>} : memref<64x768xf32, #tpu.memory_space<vmem>>, vector<1x16xf32>,
      %get3A_634 = vector.shape_cast %get3A_633 : vector<1x16xf32> to vector<16xf32>
      %add3A_635 = arith.addf %get3A_630, %get3A_634 : vector<16xf32>
      %swap3A_636 = arith.index_cast %scan3A_53 : i32 to index
      %swap3A_637 = arith.constant 656 : index
      %swap3A_638 = tpu.vector_load %arg5[%swap3A_636, %swap3A_637] {strides = array<i32>} : memref<64x768xf32, #tpu.memory_space<vmem>>, vector<1x16xf32>,
      %swap3A_639 = vector.shape_cast %swap3A_638 : vector<1x16xf32> to vector<16xf32>
      %swap3A_640 = vector.shape_cast %add3A_635 : vector<16xf32> to vector<1x16xf32>
      tpu.vector_store %arg5[%swap3A_636, %swap3A_637], %swap3A_640 {strides = array<i32>} : memref<64x768xf32, #tpu.memory_space<vmem>>, vector<1x16xf32>,
      %get3A_641 = arith.index_cast %scan3A_53 : i32 to index
      %get3A_642 = arith.constant 672 : index
      %get3A_643 = tpu.vector_load %arg5[%get3A_641, %get3A_642] {strides = array<i32>} : memref<64x768xf32, #tpu.memory_space<vmem>>, vector<1x16xf32>,
      %get3A_644 = vector.shape_cast %get3A_643 : vector<1x16xf32> to vector<16xf32>
      %get3A_645 = arith.index_cast %scan3A_53 : i32 to index
      %get3A_646 = arith.constant 672 : index
      %get3A_647 = tpu.vector_load %arg6[%get3A_645, %get3A_646] {strides = array<i32>} : memref<64x768xf32, #tpu.memory_space<vmem>>, vector<1x16xf32>,
      %get3A_648 = vector.shape_cast %get3A_647 : vector<1x16xf32> to vector<16xf32>
      %add3A_649 = arith.addf %get3A_644, %get3A_648 : vector<16xf32>
      %swap3A_650 = arith.index_cast %scan3A_53 : i32 to index
      %swap3A_651 = arith.constant 672 : index
      %swap3A_652 = tpu.vector_load %arg5[%swap3A_650, %swap3A_651] {strides = array<i32>} : memref<64x768xf32, #tpu.memory_space<vmem>>, vector<1x16xf32>,
      %swap3A_653 = vector.shape_cast %swap3A_652 : vector<1x16xf32> to vector<16xf32>
      %swap3A_654 = vector.shape_cast %add3A_649 : vector<16xf32> to vector<1x16xf32>
      tpu.vector_store %arg5[%swap3A_650, %swap3A_651], %swap3A_654 {strides = array<i32>} : memref<64x768xf32, #tpu.memory_space<vmem>>, vector<1x16xf32>,
      %get3A_655 = arith.index_cast %scan3A_53 : i32 to index
      %get3A_656 = arith.constant 688 : index
      %get3A_657 = tpu.vector_load %arg5[%get3A_655, %get3A_656] {strides = array<i32>} : memref<64x768xf32, #tpu.memory_space<vmem>>, vector<1x16xf32>,
      %get3A_658 = vector.shape_cast %get3A_657 : vector<1x16xf32> to vector<16xf32>
      %get3A_659 = arith.index_cast %scan3A_53 : i32 to index
      %get3A_660 = arith.constant 688 : index
      %get3A_661 = tpu.vector_load %arg6[%get3A_659, %get3A_660] {strides = array<i32>} : memref<64x768xf32, #tpu.memory_space<vmem>>, vector<1x16xf32>,
      %get3A_662 = vector.shape_cast %get3A_661 : vector<1x16xf32> to vector<16xf32>
      %add3A_663 = arith.addf %get3A_658, %get3A_662 : vector<16xf32>
      %swap3A_664 = arith.index_cast %scan3A_53 : i32 to index
      %swap3A_665 = arith.constant 688 : index
      %swap3A_666 = tpu.vector_load %arg5[%swap3A_664, %swap3A_665] {strides = array<i32>} : memref<64x768xf32, #tpu.memory_space<vmem>>, vector<1x16xf32>,
      %swap3A_667 = vector.shape_cast %swap3A_666 : vector<1x16xf32> to vector<16xf32>
      %swap3A_668 = vector.shape_cast %add3A_663 : vector<16xf32> to vector<1x16xf32>
      tpu.vector_store %arg5[%swap3A_664, %swap3A_665], %swap3A_668 {strides = array<i32>} : memref<64x768xf32, #tpu.memory_space<vmem>>, vector<1x16xf32>,
      %get3A_669 = arith.index_cast %scan3A_53 : i32 to index
      %get3A_670 = arith.constant 704 : index
      %get3A_671 = tpu.vector_load %arg5[%get3A_669, %get3A_670] {strides = array<i32>} : memref<64x768xf32, #tpu.memory_space<vmem>>, vector<1x16xf32>,
      %get3A_672 = vector.shape_cast %get3A_671 : vector<1x16xf32> to vector<16xf32>
      %get3A_673 = arith.index_cast %scan3A_53 : i32 to index
      %get3A_674 = arith.constant 704 : index
      %get3A_675 = tpu.vector_load %arg6[%get3A_673, %get3A_674] {strides = array<i32>} : memref<64x768xf32, #tpu.memory_space<vmem>>, vector<1x16xf32>,
      %get3A_676 = vector.shape_cast %get3A_675 : vector<1x16xf32> to vector<16xf32>
      %add3A_677 = arith.addf %get3A_672, %get3A_676 : vector<16xf32>
      %swap3A_678 = arith.index_cast %scan3A_53 : i32 to index
      %swap3A_679 = arith.constant 704 : index
      %swap3A_680 = tpu.vector_load %arg5[%swap3A_678, %swap3A_679] {strides = array<i32>} : memref<64x768xf32, #tpu.memory_space<vmem>>, vector<1x16xf32>,
      %swap3A_681 = vector.shape_cast %swap3A_680 : vector<1x16xf32> to vector<16xf32>
      %swap3A_682 = vector.shape_cast %add3A_677 : vector<16xf32> to vector<1x16xf32>
      tpu.vector_store %arg5[%swap3A_678, %swap3A_679], %swap3A_682 {strides = array<i32>} : memref<64x768xf32, #tpu.memory_space<vmem>>, vector<1x16xf32>,
      %get3A_683 = arith.index_cast %scan3A_53 : i32 to index
      %get3A_684 = arith.constant 720 : index
      %get3A_685 = tpu.vector_load %arg5[%get3A_683, %get3A_684] {strides = array<i32>} : memref<64x768xf32, #tpu.memory_space<vmem>>, vector<1x16xf32>,
      %get3A_686 = vector.shape_cast %get3A_685 : vector<1x16xf32> to vector<16xf32>
      %get3A_687 = arith.index_cast %scan3A_53 : i32 to index
      %get3A_688 = arith.constant 720 : index
      %get3A_689 = tpu.vector_load %arg6[%get3A_687, %get3A_688] {strides = array<i32>} : memref<64x768xf32, #tpu.memory_space<vmem>>, vector<1x16xf32>,
      %get3A_690 = vector.shape_cast %get3A_689 : vector<1x16xf32> to vector<16xf32>
      %add3A_691 = arith.addf %get3A_686, %get3A_690 : vector<16xf32>
      %swap3A_692 = arith.index_cast %scan3A_53 : i32 to index
      %swap3A_693 = arith.constant 720 : index
      %swap3A_694 = tpu.vector_load %arg5[%swap3A_692, %swap3A_693] {strides = array<i32>} : memref<64x768xf32, #tpu.memory_space<vmem>>, vector<1x16xf32>,
      %swap3A_695 = vector.shape_cast %swap3A_694 : vector<1x16xf32> to vector<16xf32>
      %swap3A_696 = vector.shape_cast %add3A_691 : vector<16xf32> to vector<1x16xf32>
      tpu.vector_store %arg5[%swap3A_692, %swap3A_693], %swap3A_696 {strides = array<i32>} : memref<64x768xf32, #tpu.memory_space<vmem>>, vector<1x16xf32>,
      %get3A_697 = arith.index_cast %scan3A_53 : i32 to index
      %get3A_698 = arith.constant 736 : index
      %get3A_699 = tpu.vector_load %arg5[%get3A_697, %get3A_698] {strides = array<i32>} : memref<64x768xf32, #tpu.memory_space<vmem>>, vector<1x16xf32>,
      %get3A_700 = vector.shape_cast %get3A_699 : vector<1x16xf32> to vector<16xf32>
      %get3A_701 = arith.index_cast %scan3A_53 : i32 to index
      %get3A_702 = arith.constant 736 : index
      %get3A_703 = tpu.vector_load %arg6[%get3A_701, %get3A_702] {strides = array<i32>} : memref<64x768xf32, #tpu.memory_space<vmem>>, vector<1x16xf32>,
      %get3A_704 = vector.shape_cast %get3A_703 : vector<1x16xf32> to vector<16xf32>
      %add3A_705 = arith.addf %get3A_700, %get3A_704 : vector<16xf32>
      %swap3A_706 = arith.index_cast %scan3A_53 : i32 to index
      %swap3A_707 = arith.constant 736 : index
      %swap3A_708 = tpu.vector_load %arg5[%swap3A_706, %swap3A_707] {strides = array<i32>} : memref<64x768xf32, #tpu.memory_space<vmem>>, vector<1x16xf32>,
      %swap3A_709 = vector.shape_cast %swap3A_708 : vector<1x16xf32> to vector<16xf32>
      %swap3A_710 = vector.shape_cast %add3A_705 : vector<16xf32> to vector<1x16xf32>
      tpu.vector_store %arg5[%swap3A_706, %swap3A_707], %swap3A_710 {strides = array<i32>} : memref<64x768xf32, #tpu.memory_space<vmem>>, vector<1x16xf32>,
      %get3A_711 = arith.index_cast %scan3A_53 : i32 to index
      %get3A_712 = arith.constant 752 : index
      %get3A_713 = tpu.vector_load %arg5[%get3A_711, %get3A_712] {strides = array<i32>} : memref<64x768xf32, #tpu.memory_space<vmem>>, vector<1x16xf32>,
      %get3A_714 = vector.shape_cast %get3A_713 : vector<1x16xf32> to vector<16xf32>
      %get3A_715 = arith.index_cast %scan3A_53 : i32 to index
      %get3A_716 = arith.constant 752 : index
      %get3A_717 = tpu.vector_load %arg6[%get3A_715, %get3A_716] {strides = array<i32>} : memref<64x768xf32, #tpu.memory_space<vmem>>, vector<1x16xf32>,
      %get3A_718 = vector.shape_cast %get3A_717 : vector<1x16xf32> to vector<16xf32>
      %add3A_719 = arith.addf %get3A_714, %get3A_718 : vector<16xf32>
      %swap3A_720 = arith.index_cast %scan3A_53 : i32 to index
      %swap3A_721 = arith.constant 752 : index
      %swap3A_722 = tpu.vector_load %arg5[%swap3A_720, %swap3A_721] {strides = array<i32>} : memref<64x768xf32, #tpu.memory_space<vmem>>, vector<1x16xf32>,
      %swap3A_723 = vector.shape_cast %swap3A_722 : vector<1x16xf32> to vector<16xf32>
      %swap3A_724 = vector.shape_cast %add3A_719 : vector<16xf32> to vector<1x16xf32>
      tpu.vector_store %arg5[%swap3A_720, %swap3A_721], %swap3A_724 {strides = array<i32>} : memref<64x768xf32, #tpu.memory_space<vmem>>, vector<1x16xf32>,
      %scan3A_725 = arith.constant 0 : i32
      scf.yield %scan3A_725 : i32
    }
    %scan3A_52 = arith.constant 64 : i32
    "tpu.region"() ({
      %run_scoped3A = tpu.sem_alloc : memref<!tpu.dma_semaphore, #tpu.memory_space<semaphore_mem>>
      %dma_start3A_53 = arith.constant 0 : i32
      %dma_start3A_54 = tpu.memref_slice %arg4[%mul3A_2, %dma_start3A_53] : memref<2048x768xf32, #tpu.memory_space<hbm>> -> memref<64x768xf32, #tpu.memory_space<hbm>>
      %dma_start3A_55 = arith.constant 0 : i32
      %dma_start3A_56 = tpu.memref_slice %arg4[%mul3A_2, %dma_start3A_55] : memref<2048x768xf32, #tpu.memory_space<hbm>> -> memref<64x768xf32, #tpu.memory_space<hbm>>
      tpu.enqueue_dma source(%arg5 : memref<64x768xf32, #tpu.memory_space<vmem>>) target(%dma_start3A_56 : memref<64x768xf32, #tpu.memory_space<hbm>>) target_semaphore(%run_scoped3A : memref<!tpu.dma_semaphore, #tpu.memory_space<semaphore_mem>>)
      %dma_wait3A_57 = arith.constant 0 : i32
      %dma_wait3A_58 = tpu.memref_slice %arg4[%mul3A_2, %dma_wait3A_57] : memref<2048x768xf32, #tpu.memory_space<hbm>> -> memref<64x768xf32, #tpu.memory_space<hbm>>
      %dma_wait3A_59 = arith.constant 0 : i32
      %dma_wait3A_60 = tpu.memref_slice %arg4[%mul3A_2, %dma_wait3A_59] : memref<2048x768xf32, #tpu.memory_space<hbm>> -> memref<64x768xf32, #tpu.memory_space<hbm>>
      tpu.wait_dma2 semaphore(%run_scoped3A : memref<!tpu.dma_semaphore, #tpu.memory_space<semaphore_mem>>) src(%arg5 : memref<64x768xf32, #tpu.memory_space<vmem>>) dst(%dma_wait3A_60 : memref<64x768xf32, #tpu.memory_space<hbm>>)
      tpu.yield
    }) : () -> ()
    return
  }
}

#map = affine_map<(d0, d1) -> (0, 0)>
#map1 = affine_map<(d0, d1) -> (0, 0, 0)>
module attributes {stable_mosaic.version = 14 : i64} {
  func.func @k(%arg0: i32, %arg1: i32, %arg2: memref<2048x768xf32, #tpu.memory_space<hbm>>, %arg3: memref<32x128xi32, #tpu.memory_space<hbm>>, %arg4: memref<32x128x128xf32, #tpu.memory_space<hbm>>, %arg5: memref<6144x768xf32, #tpu.memory_space<hbm>>, %arg6: memref<6144x128xf32, #tpu.memory_space<hbm>>, %arg7: memref<128x768xf32, #tpu.memory_space<vmem>>, %arg8: memref<128xi32, #tpu.memory_space<vmem>>, %arg9: memref<128x128xf32, #tpu.memory_space<vmem>>, %arg10: memref<!tpu.dma_semaphore, #tpu.memory_space<semaphore_mem>>, %arg11: memref<!tpu.dma_semaphore, #tpu.memory_space<semaphore_mem>>) attributes {dimension_semantics = [#tpu.dimension_semantics<core_parallel>, #tpu.dimension_semantics<subcore_parallel>], iteration_bounds = array<i64: 2, 16>, scalar_prefetch = 0 : i64, scratch_operands = 5 : i64, tpu.core_type = #tpu.core_type<sc_vector_subcore>, window_params = [{transform_indices = #map}, {transform_indices = #map}, {transform_indices = #map1}, {transform_indices = #map}, {transform_indices = #map}]} {
    %mul3A = arith.constant 2 : i32
    %mul3A_0 = arith.muli %arg1, %mul3A : i32
    %add3A = arith.addi %mul3A_0, %arg0 : i32
    %jit3A = arith.constant 16 : i32
    %eq3A = arith.constant 0 : i32
    %eq3A_1 = arith.cmpi eq, %jit3A, %eq3A : i32
    %jit3A_2 = arith.constant 1 : i32
    %select_n3A = arith.select %eq3A_1, %jit3A_2, %jit3A : i32
    %rem3A = arith.remsi %add3A, %select_n3A : i32
    %ne3A = arith.constant 0 : i32
    %ne3A_3 = arith.cmpi ne, %rem3A, %ne3A : i32
    %lt3A = arith.constant 0 : i32
    %lt3A_4 = arith.cmpi slt, %rem3A, %lt3A : i32
    %lt3A_5 = arith.constant 0 : i32
    %lt3A_6 = arith.cmpi slt, %select_n3A, %lt3A_5 : i32
    %ne3A_7 = arith.xori %lt3A_4, %lt3A_6 : i1
    %and3A = arith.andi %ne3A_7, %ne3A_3 : i1
    %add3A_8 = arith.addi %rem3A, %select_n3A : i32
    %select_n3A_9 = arith.select %and3A, %add3A_8, %rem3A : i32
    %mul3A_10 = arith.constant 128 : i32
    %mul3A_11 = arith.muli %select_n3A_9, %mul3A_10 : i32
    "tpu.region"() ({
      %run_scoped3A = tpu.sem_alloc : memref<!tpu.dma_semaphore, #tpu.memory_space<semaphore_mem>>
      %dma_start3A_22 = arith.constant 0 : i32
      %dma_start3A_23 = tpu.memref_slice %arg2[%mul3A_11, %dma_start3A_22] : memref<2048x768xf32, #tpu.memory_space<hbm>> -> memref<128x768xf32, #tpu.memory_space<hbm>>
      %dma_start3A_24 = arith.constant 0 : i32
      %dma_start3A_25 = tpu.memref_slice %arg2[%mul3A_11, %dma_start3A_24] : memref<2048x768xf32, #tpu.memory_space<hbm>> -> memref<128x768xf32, #tpu.memory_space<hbm>>
      tpu.enqueue_dma source(%dma_start3A_25 : memref<128x768xf32, #tpu.memory_space<hbm>>) target(%arg7 : memref<128x768xf32, #tpu.memory_space<vmem>>) target_semaphore(%run_scoped3A : memref<!tpu.dma_semaphore, #tpu.memory_space<semaphore_mem>>)
      %dma_wait3A_26 = arith.constant 0 : i32
      %dma_wait3A_27 = tpu.memref_slice %arg2[%mul3A_11, %dma_wait3A_26] : memref<2048x768xf32, #tpu.memory_space<hbm>> -> memref<128x768xf32, #tpu.memory_space<hbm>>
      %dma_wait3A_28 = arith.constant 0 : i32
      %dma_wait3A_29 = tpu.memref_slice %arg2[%mul3A_11, %dma_wait3A_28] : memref<2048x768xf32, #tpu.memory_space<hbm>> -> memref<128x768xf32, #tpu.memory_space<hbm>>
      tpu.wait_dma2 semaphore(%run_scoped3A : memref<!tpu.dma_semaphore, #tpu.memory_space<semaphore_mem>>) src(%dma_wait3A_29 : memref<128x768xf32, #tpu.memory_space<hbm>>) dst(%arg7 : memref<128x768xf32, #tpu.memory_space<vmem>>)
      tpu.yield
    }) : () -> ()
    "tpu.region"() ({
      %run_scoped3A = tpu.sem_alloc : memref<!tpu.dma_semaphore, #tpu.memory_space<semaphore_mem>>
      %dma_start3A_22 = arith.constant 0 : i32
      %dma_start3A_23 = tpu.memref_slice %arg3[%add3A, %dma_start3A_22] : memref<32x128xi32, #tpu.memory_space<hbm>> -> memref<1x128xi32, #tpu.memory_space<hbm>>
      %dma_start3A_24 = tpu.memref_squeeze %dma_start3A_23 : memref<1x128xi32, #tpu.memory_space<hbm>> -> memref<128xi32, #tpu.memory_space<hbm>>
      %dma_start3A_25 = arith.constant 0 : i32
      %dma_start3A_26 = tpu.memref_slice %arg3[%add3A, %dma_start3A_25] : memref<32x128xi32, #tpu.memory_space<hbm>> -> memref<1x128xi32, #tpu.memory_space<hbm>>
      %dma_start3A_27 = tpu.memref_squeeze %dma_start3A_26 : memref<1x128xi32, #tpu.memory_space<hbm>> -> memref<128xi32, #tpu.memory_space<hbm>>
      tpu.enqueue_dma source(%dma_start3A_27 : memref<128xi32, #tpu.memory_space<hbm>>) target(%arg8 : memref<128xi32, #tpu.memory_space<vmem>>) target_semaphore(%run_scoped3A : memref<!tpu.dma_semaphore, #tpu.memory_space<semaphore_mem>>)
      %dma_wait3A_28 = arith.constant 0 : i32
      %dma_wait3A_29 = tpu.memref_slice %arg3[%add3A, %dma_wait3A_28] : memref<32x128xi32, #tpu.memory_space<hbm>> -> memref<1x128xi32, #tpu.memory_space<hbm>>
      %dma_wait3A_30 = tpu.memref_squeeze %dma_wait3A_29 : memref<1x128xi32, #tpu.memory_space<hbm>> -> memref<128xi32, #tpu.memory_space<hbm>>
      %dma_wait3A_31 = arith.constant 0 : i32
      %dma_wait3A_32 = tpu.memref_slice %arg3[%add3A, %dma_wait3A_31] : memref<32x128xi32, #tpu.memory_space<hbm>> -> memref<1x128xi32, #tpu.memory_space<hbm>>
      %dma_wait3A_33 = tpu.memref_squeeze %dma_wait3A_32 : memref<1x128xi32, #tpu.memory_space<hbm>> -> memref<128xi32, #tpu.memory_space<hbm>>
      tpu.wait_dma2 semaphore(%run_scoped3A : memref<!tpu.dma_semaphore, #tpu.memory_space<semaphore_mem>>) src(%dma_wait3A_33 : memref<128xi32, #tpu.memory_space<hbm>>) dst(%arg8 : memref<128xi32, #tpu.memory_space<vmem>>)
      tpu.yield
    }) : () -> ()
    "tpu.region"() ({
      %run_scoped3A = tpu.sem_alloc : memref<!tpu.dma_semaphore, #tpu.memory_space<semaphore_mem>>
      %dma_start3A_22 = arith.constant 0 : i32
      %dma_start3A_23 = arith.constant 0 : i32
      %dma_start3A_24 = tpu.memref_slice %arg4[%add3A, %dma_start3A_22, %dma_start3A_23] : memref<32x128x128xf32, #tpu.memory_space<hbm>> -> memref<1x128x128xf32, #tpu.memory_space<hbm>>
      %dma_start3A_25 = tpu.memref_squeeze %dma_start3A_24 : memref<1x128x128xf32, #tpu.memory_space<hbm>> -> memref<128x128xf32, #tpu.memory_space<hbm>>
      %dma_start3A_26 = arith.constant 0 : i32
      %dma_start3A_27 = arith.constant 0 : i32
      %dma_start3A_28 = tpu.memref_slice %arg4[%add3A, %dma_start3A_26, %dma_start3A_27] : memref<32x128x128xf32, #tpu.memory_space<hbm>> -> memref<1x128x128xf32, #tpu.memory_space<hbm>>
      %dma_start3A_29 = tpu.memref_squeeze %dma_start3A_28 : memref<1x128x128xf32, #tpu.memory_space<hbm>> -> memref<128x128xf32, #tpu.memory_space<hbm>>
      tpu.enqueue_dma source(%dma_start3A_29 : memref<128x128xf32, #tpu.memory_space<hbm>>) target(%arg9 : memref<128x128xf32, #tpu.memory_space<vmem>>) target_semaphore(%run_scoped3A : memref<!tpu.dma_semaphore, #tpu.memory_space<semaphore_mem>>)
      %dma_wait3A_30 = arith.constant 0 : i32
      %dma_wait3A_31 = arith.constant 0 : i32
      %dma_wait3A_32 = tpu.memref_slice %arg4[%add3A, %dma_wait3A_30, %dma_wait3A_31] : memref<32x128x128xf32, #tpu.memory_space<hbm>> -> memref<1x128x128xf32, #tpu.memory_space<hbm>>
      %dma_wait3A_33 = tpu.memref_squeeze %dma_wait3A_32 : memref<1x128x128xf32, #tpu.memory_space<hbm>> -> memref<128x128xf32, #tpu.memory_space<hbm>>
      %dma_wait3A_34 = arith.constant 0 : i32
      %dma_wait3A_35 = arith.constant 0 : i32
      %dma_wait3A_36 = tpu.memref_slice %arg4[%add3A, %dma_wait3A_34, %dma_wait3A_35] : memref<32x128x128xf32, #tpu.memory_space<hbm>> -> memref<1x128x128xf32, #tpu.memory_space<hbm>>
      %dma_wait3A_37 = tpu.memref_squeeze %dma_wait3A_36 : memref<1x128x128xf32, #tpu.memory_space<hbm>> -> memref<128x128xf32, #tpu.memory_space<hbm>>
      tpu.wait_dma2 semaphore(%run_scoped3A : memref<!tpu.dma_semaphore, #tpu.memory_space<semaphore_mem>>) src(%dma_wait3A_37 : memref<128x128xf32, #tpu.memory_space<hbm>>) dst(%arg9 : memref<128x128xf32, #tpu.memory_space<vmem>>)
      tpu.yield
    }) : () -> ()
    %dma_start3A = arith.constant 0 : i32
    %dma_start3A_12 = arith.constant 0 : i32
    %dma_start3A_13 = tpu.memref_slice %arg5[%dma_start3A, %dma_start3A_12] : memref<6144x768xf32, #tpu.memory_space<hbm>> -> memref<6144x768xf32, #tpu.memory_space<hbm>>
    tpu.enqueue_indirect_dma source(%arg7 : memref<128x768xf32, #tpu.memory_space<vmem>>) target(%dma_start3A_13 : memref<6144x768xf32, #tpu.memory_space<hbm>>) offsets(%arg8 : memref<128xi32, #tpu.memory_space<vmem>>) semaphore(%arg10 : memref<!tpu.dma_semaphore, #tpu.memory_space<semaphore_mem>>)
    %dma_start3A_14 = arith.constant 0 : i32
    %dma_start3A_15 = arith.constant 0 : i32
    %dma_start3A_16 = tpu.memref_slice %arg6[%dma_start3A_14, %dma_start3A_15] : memref<6144x128xf32, #tpu.memory_space<hbm>> -> memref<6144x128xf32, #tpu.memory_space<hbm>>
    tpu.enqueue_indirect_dma source(%arg9 : memref<128x128xf32, #tpu.memory_space<vmem>>) target(%dma_start3A_16 : memref<6144x128xf32, #tpu.memory_space<hbm>>) offsets(%arg8 : memref<128xi32, #tpu.memory_space<vmem>>) semaphore(%arg11 : memref<!tpu.dma_semaphore, #tpu.memory_space<semaphore_mem>>)
    %dma_wait3A = arith.constant 0 : i32
    %dma_wait3A_17 = arith.constant 0 : i32
    %dma_wait3A_18 = tpu.memref_slice %arg5[%dma_wait3A, %dma_wait3A_17] : memref<6144x768xf32, #tpu.memory_space<hbm>> -> memref<6144x768xf32, #tpu.memory_space<hbm>>
    tpu.wait_indirect_dma semaphore(%arg10 : memref<!tpu.dma_semaphore, #tpu.memory_space<semaphore_mem>>) src(%arg7 : memref<128x768xf32, #tpu.memory_space<vmem>>) dst(%dma_wait3A_18 : memref<6144x768xf32, #tpu.memory_space<hbm>>)
    %dma_wait3A_19 = arith.constant 0 : i32
    %dma_wait3A_20 = arith.constant 0 : i32
    %dma_wait3A_21 = tpu.memref_slice %arg6[%dma_wait3A_19, %dma_wait3A_20] : memref<6144x128xf32, #tpu.memory_space<hbm>> -> memref<6144x128xf32, #tpu.memory_space<hbm>>
    tpu.wait_indirect_dma semaphore(%arg11 : memref<!tpu.dma_semaphore, #tpu.memory_space<semaphore_mem>>) src(%arg9 : memref<128x128xf32, #tpu.memory_space<vmem>>) dst(%dma_wait3A_21 : memref<6144x128xf32, #tpu.memory_space<hbm>>)
    return
  }
}

module attributes {stable_mosaic.version = 14 : i64} {
  func.func @_gate_dispatch_body(%arg0: memref<2048x768xf32, #tpu.memory_space<vmem>>, %arg1: memref<768x8xf32, #tpu.memory_space<vmem>>, %arg2: memref<32x128xi32, #tpu.memory_space<vmem>>, %arg3: memref<32x128x128xf32, #tpu.memory_space<vmem>>, %arg4: memref<5x24xi32, #tpu.memory_space<vmem>>) attributes {dimension_semantics = [], scalar_prefetch = 0 : i64, scratch_operands = 0 : i64, tpu.core_type = #tpu.core_type<tc>} {
    %get3A = arith.constant 0 : index
    %get3A_0 = arith.constant 0 : index
    %get3A_1 = vector.load %arg0[%get3A, %get3A_0] : memref<2048x768xf32, #tpu.memory_space<vmem>>, vector<2048x768xf32>
    %get3A_2 = arith.constant 0 : index
    %get3A_3 = arith.constant 0 : index
    %get3A_4 = vector.load %arg1[%get3A_2, %get3A_3] : memref<768x8xf32, #tpu.memory_space<vmem>>, vector<768x8xf32>
    %dot_general3A = arith.constant dense<0.000000e+00> : vector<2048x8xf32>
    %dot_general3A_5 = tpu.matmul %get3A_1, %get3A_4, %dot_general3A {dimension_numbers = #tpu.dot_dimension_numbers<[1], [0], [0], [1], [0, 0, 1, 1], [], []>, transpose_lhs_hint = false} : vector<2048x768xf32>, vector<768x8xf32>, vector<2048x8xf32> -> vector<2048x8xf32>
    %iota3A = tpu.iota {dimensions = array<i32: 1>} : vector<2048x8xi32>
    %reduce_max3A = arith.constant dense<0xFF800000> : vector<2048xf32>
    %reduce_max3A_6 = vector.multi_reduction <maximumf>, %dot_general3A_5, %reduce_max3A [1] : vector<2048x8xf32> to vector<2048xf32>
    %broadcast_in_dim3A = vector.shape_cast %reduce_max3A_6 : vector<2048xf32> to vector<2048x1xf32>
    %eq3A = vector.broadcast %broadcast_in_dim3A : vector<2048x1xf32> to vector<2048x8xf32>
    %eq3A_7 = arith.cmpf oeq, %dot_general3A_5, %eq3A : vector<2048x8xf32>
    %jit3A = arith.constant 8 : i32
    %broadcast_in_dim3A_8 = vector.broadcast %jit3A : i32 to vector<2048x8xi32>
    %select_n3A = arith.select %eq3A_7, %iota3A, %broadcast_in_dim3A_8 : vector<2048x8xi1>, vector<2048x8xi32>
    %reduce_min3A = arith.constant dense<2147483647> : vector<2048xi32>
    %reduce_min3A_9 = vector.multi_reduction <minsi>, %select_n3A, %reduce_min3A [1] : vector<2048x8xi32> to vector<2048xi32>
    %broadcast_in_dim3A_10 = vector.shape_cast %reduce_min3A_9 : vector<2048xi32> to vector<2048x1xi32>
    %eq3A_11 = vector.broadcast %broadcast_in_dim3A_10 : vector<2048x1xi32> to vector<2048x8xi32>
    %eq3A_12 = arith.cmpi eq, %iota3A, %eq3A_11 : vector<2048x8xi32>
    %jit3A_13 = arith.constant 0xFF800000 : f32
    %broadcast_in_dim3A_14 = vector.broadcast %jit3A_13 : f32 to vector<2048x8xf32>
    %select_n3A_15 = arith.select %eq3A_12, %broadcast_in_dim3A_14, %dot_general3A_5 : vector<2048x8xi1>, vector<2048x8xf32>
    %reduce_max3A_16 = arith.constant dense<0xFF800000> : vector<2048xf32>
    %reduce_max3A_17 = vector.multi_reduction <maximumf>, %select_n3A_15, %reduce_max3A_16 [1] : vector<2048x8xf32> to vector<2048xf32>
    %broadcast_in_dim3A_18 = vector.shape_cast %reduce_max3A_17 : vector<2048xf32> to vector<2048x1xf32>
    %eq3A_19 = vector.broadcast %broadcast_in_dim3A_18 : vector<2048x1xf32> to vector<2048x8xf32>
    %eq3A_20 = arith.cmpf oeq, %select_n3A_15, %eq3A_19 : vector<2048x8xf32>
    %jit3A_21 = arith.constant 8 : i32
    %broadcast_in_dim3A_22 = vector.broadcast %jit3A_21 : i32 to vector<2048x8xi32>
    %select_n3A_23 = arith.select %eq3A_20, %iota3A, %broadcast_in_dim3A_22 : vector<2048x8xi1>, vector<2048x8xi32>
    %reduce_min3A_24 = arith.constant dense<2147483647> : vector<2048xi32>
    %reduce_min3A_25 = vector.multi_reduction <minsi>, %select_n3A_23, %reduce_min3A_24 [1] : vector<2048x8xi32> to vector<2048xi32>
    %broadcast_in_dim3A_26 = vector.shape_cast %reduce_min3A_25 : vector<2048xi32> to vector<2048x1xi32>
    %sub3A = arith.subf %broadcast_in_dim3A_18, %broadcast_in_dim3A : vector<2048x1xf32>
    %exp3A = math.exp %sub3A : vector<2048x1xf32>
    %add3A = arith.constant 1.000000e+00 : f32
    %add3A_27 = vector.broadcast %add3A : f32 to vector<2048x1xf32>
    %add3A_28 = arith.addf %add3A_27, %exp3A : vector<2048x1xf32>
    %div3A = arith.constant 1.000000e+00 : f32
    %div3A_29 = vector.broadcast %div3A : f32 to vector<2048x1xf32>
    %div3A_30 = arith.divf %div3A_29, %add3A_28 : vector<2048x1xf32>
    %add3A_31 = arith.constant 1.000000e+00 : f32
    %add3A_32 = vector.broadcast %add3A_31 : f32 to vector<2048x1xf32>
    %add3A_33 = arith.addf %add3A_32, %exp3A : vector<2048x1xf32>
    %div3A_34 = arith.divf %exp3A, %add3A_33 : vector<2048x1xf32>
    %concatenate3A = tpu.concatenate %broadcast_in_dim3A_10, %broadcast_in_dim3A_26 in 0 : vector<2048x1xi32>, vector<2048x1xi32> -> vector<4096x1xi32>
    %iota3A_35 = tpu.iota {dimensions = array<i32: 1>} : vector<4096x8xi32>
    %eq3A_36 = vector.broadcast %concatenate3A : vector<4096x1xi32> to vector<4096x8xi32>
    %eq3A_37 = arith.cmpi eq, %eq3A_36, %iota3A_35 : vector<4096x8xi32>
    %convert_element_type3A = arith.extui %eq3A_37 : vector<4096x8xi1> to vector<4096x8xi32>
    %convert_element_type3A_38 = arith.sitofp %convert_element_type3A : vector<4096x8xi32> to vector<4096x8xf32>
    %iota3A_39 = tpu.iota {dimensions = array<i32: 0>} : vector<128x128xi32>
    %iota3A_40 = tpu.iota {dimensions = array<i32: 1>} : vector<128x128xi32>
    %gt3A = arith.cmpi sgt, %iota3A_39, %iota3A_40 : vector<128x128xi32>
    %convert_element_type3A_41 = arith.extui %gt3A : vector<128x128xi1> to vector<128x128xi32>
    %convert_element_type3A_42 = arith.sitofp %convert_element_type3A_41 : vector<128x128xi32> to vector<128x128xf32>
    %broadcast_in_dim3A_43 = arith.constant 0.000000e+00 : f32
    %broadcast_in_dim3A_44 = vector.broadcast %broadcast_in_dim3A_43 : f32 to vector<1x8xf32>
    %slice3A = vector.extract_strided_slice %convert_element_type3A_38 {offsets = [0, 0], sizes = [128, 8], strides = [1, 1]} : vector<4096x8xf32> to vector<128x8xf32>
    %dot_general3A_45 = arith.constant dense<0.000000e+00> : vector<128x8xf32>
    %dot_general3A_46 = tpu.matmul %convert_element_type3A_42, %slice3A, %dot_general3A_45 {dimension_numbers = #tpu.dot_dimension_numbers<[1], [0], [0], [1], [0, 0, 1, 1], [], []>, transpose_lhs_hint = false} : vector<128x128xf32>, vector<128x8xf32>, vector<128x8xf32> -> vector<128x8xf32>
    %add3A_47 = vector.broadcast %broadcast_in_dim3A_44 : vector<1x8xf32> to vector<128x8xf32>
    %add3A_48 = arith.addf %dot_general3A_46, %add3A_47 : vector<128x8xf32>
    %reduce_sum3A = arith.constant dense<0.000000e+00> : vector<8xf32>
    %reduce_sum3A_49 = vector.multi_reduction <add>, %slice3A, %reduce_sum3A [0] : vector<128x8xf32> to vector<8xf32>
    %broadcast_in_dim3A_50 = vector.shape_cast %reduce_sum3A_49 : vector<8xf32> to vector<1x8xf32>
    %add3A_51 = arith.addf %broadcast_in_dim3A_44, %broadcast_in_dim3A_50 : vector<1x8xf32>
    %slice3A_52 = vector.extract_strided_slice %convert_element_type3A_38 {offsets = [128, 0], sizes = [128, 8], strides = [1, 1]} : vector<4096x8xf32> to vector<128x8xf32>
    %dot_general3A_53 = arith.constant dense<0.000000e+00> : vector<128x8xf32>
    %dot_general3A_54 = tpu.matmul %convert_element_type3A_42, %slice3A_52, %dot_general3A_53 {dimension_numbers = #tpu.dot_dimension_numbers<[1], [0], [0], [1], [0, 0, 1, 1], [], []>, transpose_lhs_hint = false} : vector<128x128xf32>, vector<128x8xf32>, vector<128x8xf32> -> vector<128x8xf32>
    %add3A_55 = vector.broadcast %add3A_51 : vector<1x8xf32> to vector<128x8xf32>
    %add3A_56 = arith.addf %dot_general3A_54, %add3A_55 : vector<128x8xf32>
    %reduce_sum3A_57 = arith.constant dense<0.000000e+00> : vector<8xf32>
    %reduce_sum3A_58 = vector.multi_reduction <add>, %slice3A_52, %reduce_sum3A_57 [0] : vector<128x8xf32> to vector<8xf32>
    %broadcast_in_dim3A_59 = vector.shape_cast %reduce_sum3A_58 : vector<8xf32> to vector<1x8xf32>
    %add3A_60 = arith.addf %add3A_51, %broadcast_in_dim3A_59 : vector<1x8xf32>
    %slice3A_61 = vector.extract_strided_slice %convert_element_type3A_38 {offsets = [256, 0], sizes = [128, 8], strides = [1, 1]} : vector<4096x8xf32> to vector<128x8xf32>
    %dot_general3A_62 = arith.constant dense<0.000000e+00> : vector<128x8xf32>
    %dot_general3A_63 = tpu.matmul %convert_element_type3A_42, %slice3A_61, %dot_general3A_62 {dimension_numbers = #tpu.dot_dimension_numbers<[1], [0], [0], [1], [0, 0, 1, 1], [], []>, transpose_lhs_hint = false} : vector<128x128xf32>, vector<128x8xf32>, vector<128x8xf32> -> vector<128x8xf32>
    %add3A_64 = vector.broadcast %add3A_60 : vector<1x8xf32> to vector<128x8xf32>
    %add3A_65 = arith.addf %dot_general3A_63, %add3A_64 : vector<128x8xf32>
    %reduce_sum3A_66 = arith.constant dense<0.000000e+00> : vector<8xf32>
    %reduce_sum3A_67 = vector.multi_reduction <add>, %slice3A_61, %reduce_sum3A_66 [0] : vector<128x8xf32> to vector<8xf32>
    %broadcast_in_dim3A_68 = vector.shape_cast %reduce_sum3A_67 : vector<8xf32> to vector<1x8xf32>
    %add3A_69 = arith.addf %add3A_60, %broadcast_in_dim3A_68 : vector<1x8xf32>
    %slice3A_70 = vector.extract_strided_slice %convert_element_type3A_38 {offsets = [384, 0], sizes = [128, 8], strides = [1, 1]} : vector<4096x8xf32> to vector<128x8xf32>
    %dot_general3A_71 = arith.constant dense<0.000000e+00> : vector<128x8xf32>
    %dot_general3A_72 = tpu.matmul %convert_element_type3A_42, %slice3A_70, %dot_general3A_71 {dimension_numbers = #tpu.dot_dimension_numbers<[1], [0], [0], [1], [0, 0, 1, 1], [], []>, transpose_lhs_hint = false} : vector<128x128xf32>, vector<128x8xf32>, vector<128x8xf32> -> vector<128x8xf32>
    %add3A_73 = vector.broadcast %add3A_69 : vector<1x8xf32> to vector<128x8xf32>
    %add3A_74 = arith.addf %dot_general3A_72, %add3A_73 : vector<128x8xf32>
    %reduce_sum3A_75 = arith.constant dense<0.000000e+00> : vector<8xf32>
    %reduce_sum3A_76 = vector.multi_reduction <add>, %slice3A_70, %reduce_sum3A_75 [0] : vector<128x8xf32> to vector<8xf32>
    %broadcast_in_dim3A_77 = vector.shape_cast %reduce_sum3A_76 : vector<8xf32> to vector<1x8xf32>
    %add3A_78 = arith.addf %add3A_69, %broadcast_in_dim3A_77 : vector<1x8xf32>
    %slice3A_79 = vector.extract_strided_slice %convert_element_type3A_38 {offsets = [512, 0], sizes = [128, 8], strides = [1, 1]} : vector<4096x8xf32> to vector<128x8xf32>
    %dot_general3A_80 = arith.constant dense<0.000000e+00> : vector<128x8xf32>
    %dot_general3A_81 = tpu.matmul %convert_element_type3A_42, %slice3A_79, %dot_general3A_80 {dimension_numbers = #tpu.dot_dimension_numbers<[1], [0], [0], [1], [0, 0, 1, 1], [], []>, transpose_lhs_hint = false} : vector<128x128xf32>, vector<128x8xf32>, vector<128x8xf32> -> vector<128x8xf32>
    %add3A_82 = vector.broadcast %add3A_78 : vector<1x8xf32> to vector<128x8xf32>
    %add3A_83 = arith.addf %dot_general3A_81, %add3A_82 : vector<128x8xf32>
    %reduce_sum3A_84 = arith.constant dense<0.000000e+00> : vector<8xf32>
    %reduce_sum3A_85 = vector.multi_reduction <add>, %slice3A_79, %reduce_sum3A_84 [0] : vector<128x8xf32> to vector<8xf32>
    %broadcast_in_dim3A_86 = vector.shape_cast %reduce_sum3A_85 : vector<8xf32> to vector<1x8xf32>
    %add3A_87 = arith.addf %add3A_78, %broadcast_in_dim3A_86 : vector<1x8xf32>
    %slice3A_88 = vector.extract_strided_slice %convert_element_type3A_38 {offsets = [640, 0], sizes = [128, 8], strides = [1, 1]} : vector<4096x8xf32> to vector<128x8xf32>
    %dot_general3A_89 = arith.constant dense<0.000000e+00> : vector<128x8xf32>
    %dot_general3A_90 = tpu.matmul %convert_element_type3A_42, %slice3A_88, %dot_general3A_89 {dimension_numbers = #tpu.dot_dimension_numbers<[1], [0], [0], [1], [0, 0, 1, 1], [], []>, transpose_lhs_hint = false} : vector<128x128xf32>, vector<128x8xf32>, vector<128x8xf32> -> vector<128x8xf32>
    %add3A_91 = vector.broadcast %add3A_87 : vector<1x8xf32> to vector<128x8xf32>
    %add3A_92 = arith.addf %dot_general3A_90, %add3A_91 : vector<128x8xf32>
    %reduce_sum3A_93 = arith.constant dense<0.000000e+00> : vector<8xf32>
    %reduce_sum3A_94 = vector.multi_reduction <add>, %slice3A_88, %reduce_sum3A_93 [0] : vector<128x8xf32> to vector<8xf32>
    %broadcast_in_dim3A_95 = vector.shape_cast %reduce_sum3A_94 : vector<8xf32> to vector<1x8xf32>
    %add3A_96 = arith.addf %add3A_87, %broadcast_in_dim3A_95 : vector<1x8xf32>
    %slice3A_97 = vector.extract_strided_slice %convert_element_type3A_38 {offsets = [768, 0], sizes = [128, 8], strides = [1, 1]} : vector<4096x8xf32> to vector<128x8xf32>
    %dot_general3A_98 = arith.constant dense<0.000000e+00> : vector<128x8xf32>
    %dot_general3A_99 = tpu.matmul %convert_element_type3A_42, %slice3A_97, %dot_general3A_98 {dimension_numbers = #tpu.dot_dimension_numbers<[1], [0], [0], [1], [0, 0, 1, 1], [], []>, transpose_lhs_hint = false} : vector<128x128xf32>, vector<128x8xf32>, vector<128x8xf32> -> vector<128x8xf32>
    %add3A_100 = vector.broadcast %add3A_96 : vector<1x8xf32> to vector<128x8xf32>
    %add3A_101 = arith.addf %dot_general3A_99, %add3A_100 : vector<128x8xf32>
    %reduce_sum3A_102 = arith.constant dense<0.000000e+00> : vector<8xf32>
    %reduce_sum3A_103 = vector.multi_reduction <add>, %slice3A_97, %reduce_sum3A_102 [0] : vector<128x8xf32> to vector<8xf32>
    %broadcast_in_dim3A_104 = vector.shape_cast %reduce_sum3A_103 : vector<8xf32> to vector<1x8xf32>
    %add3A_105 = arith.addf %add3A_96, %broadcast_in_dim3A_104 : vector<1x8xf32>
    %slice3A_106 = vector.extract_strided_slice %convert_element_type3A_38 {offsets = [896, 0], sizes = [128, 8], strides = [1, 1]} : vector<4096x8xf32> to vector<128x8xf32>
    %dot_general3A_107 = arith.constant dense<0.000000e+00> : vector<128x8xf32>
    %dot_general3A_108 = tpu.matmul %convert_element_type3A_42, %slice3A_106, %dot_general3A_107 {dimension_numbers = #tpu.dot_dimension_numbers<[1], [0], [0], [1], [0, 0, 1, 1], [], []>, transpose_lhs_hint = false} : vector<128x128xf32>, vector<128x8xf32>, vector<128x8xf32> -> vector<128x8xf32>
    %add3A_109 = vector.broadcast %add3A_105 : vector<1x8xf32> to vector<128x8xf32>
    %add3A_110 = arith.addf %dot_general3A_108, %add3A_109 : vector<128x8xf32>
    %reduce_sum3A_111 = arith.constant dense<0.000000e+00> : vector<8xf32>
    %reduce_sum3A_112 = vector.multi_reduction <add>, %slice3A_106, %reduce_sum3A_111 [0] : vector<128x8xf32> to vector<8xf32>
    %broadcast_in_dim3A_113 = vector.shape_cast %reduce_sum3A_112 : vector<8xf32> to vector<1x8xf32>
    %add3A_114 = arith.addf %add3A_105, %broadcast_in_dim3A_113 : vector<1x8xf32>
    %slice3A_115 = vector.extract_strided_slice %convert_element_type3A_38 {offsets = [1024, 0], sizes = [128, 8], strides = [1, 1]} : vector<4096x8xf32> to vector<128x8xf32>
    %dot_general3A_116 = arith.constant dense<0.000000e+00> : vector<128x8xf32>
    %dot_general3A_117 = tpu.matmul %convert_element_type3A_42, %slice3A_115, %dot_general3A_116 {dimension_numbers = #tpu.dot_dimension_numbers<[1], [0], [0], [1], [0, 0, 1, 1], [], []>, transpose_lhs_hint = false} : vector<128x128xf32>, vector<128x8xf32>, vector<128x8xf32> -> vector<128x8xf32>
    %add3A_118 = vector.broadcast %add3A_114 : vector<1x8xf32> to vector<128x8xf32>
    %add3A_119 = arith.addf %dot_general3A_117, %add3A_118 : vector<128x8xf32>
    %reduce_sum3A_120 = arith.constant dense<0.000000e+00> : vector<8xf32>
    %reduce_sum3A_121 = vector.multi_reduction <add>, %slice3A_115, %reduce_sum3A_120 [0] : vector<128x8xf32> to vector<8xf32>
    %broadcast_in_dim3A_122 = vector.shape_cast %reduce_sum3A_121 : vector<8xf32> to vector<1x8xf32>
    %add3A_123 = arith.addf %add3A_114, %broadcast_in_dim3A_122 : vector<1x8xf32>
    %slice3A_124 = vector.extract_strided_slice %convert_element_type3A_38 {offsets = [1152, 0], sizes = [128, 8], strides = [1, 1]} : vector<4096x8xf32> to vector<128x8xf32>
    %dot_general3A_125 = arith.constant dense<0.000000e+00> : vector<128x8xf32>
    %dot_general3A_126 = tpu.matmul %convert_element_type3A_42, %slice3A_124, %dot_general3A_125 {dimension_numbers = #tpu.dot_dimension_numbers<[1], [0], [0], [1], [0, 0, 1, 1], [], []>, transpose_lhs_hint = false} : vector<128x128xf32>, vector<128x8xf32>, vector<128x8xf32> -> vector<128x8xf32>
    %add3A_127 = vector.broadcast %add3A_123 : vector<1x8xf32> to vector<128x8xf32>
    %add3A_128 = arith.addf %dot_general3A_126, %add3A_127 : vector<128x8xf32>
    %reduce_sum3A_129 = arith.constant dense<0.000000e+00> : vector<8xf32>
    %reduce_sum3A_130 = vector.multi_reduction <add>, %slice3A_124, %reduce_sum3A_129 [0] : vector<128x8xf32> to vector<8xf32>
    %broadcast_in_dim3A_131 = vector.shape_cast %reduce_sum3A_130 : vector<8xf32> to vector<1x8xf32>
    %add3A_132 = arith.addf %add3A_123, %broadcast_in_dim3A_131 : vector<1x8xf32>
    %slice3A_133 = vector.extract_strided_slice %convert_element_type3A_38 {offsets = [1280, 0], sizes = [128, 8], strides = [1, 1]} : vector<4096x8xf32> to vector<128x8xf32>
    %dot_general3A_134 = arith.constant dense<0.000000e+00> : vector<128x8xf32>
    %dot_general3A_135 = tpu.matmul %convert_element_type3A_42, %slice3A_133, %dot_general3A_134 {dimension_numbers = #tpu.dot_dimension_numbers<[1], [0], [0], [1], [0, 0, 1, 1], [], []>, transpose_lhs_hint = false} : vector<128x128xf32>, vector<128x8xf32>, vector<128x8xf32> -> vector<128x8xf32>
    %add3A_136 = vector.broadcast %add3A_132 : vector<1x8xf32> to vector<128x8xf32>
    %add3A_137 = arith.addf %dot_general3A_135, %add3A_136 : vector<128x8xf32>
    %reduce_sum3A_138 = arith.constant dense<0.000000e+00> : vector<8xf32>
    %reduce_sum3A_139 = vector.multi_reduction <add>, %slice3A_133, %reduce_sum3A_138 [0] : vector<128x8xf32> to vector<8xf32>
    %broadcast_in_dim3A_140 = vector.shape_cast %reduce_sum3A_139 : vector<8xf32> to vector<1x8xf32>
    %add3A_141 = arith.addf %add3A_132, %broadcast_in_dim3A_140 : vector<1x8xf32>
    %slice3A_142 = vector.extract_strided_slice %convert_element_type3A_38 {offsets = [1408, 0], sizes = [128, 8], strides = [1, 1]} : vector<4096x8xf32> to vector<128x8xf32>
    %dot_general3A_143 = arith.constant dense<0.000000e+00> : vector<128x8xf32>
    %dot_general3A_144 = tpu.matmul %convert_element_type3A_42, %slice3A_142, %dot_general3A_143 {dimension_numbers = #tpu.dot_dimension_numbers<[1], [0], [0], [1], [0, 0, 1, 1], [], []>, transpose_lhs_hint = false} : vector<128x128xf32>, vector<128x8xf32>, vector<128x8xf32> -> vector<128x8xf32>
    %add3A_145 = vector.broadcast %add3A_141 : vector<1x8xf32> to vector<128x8xf32>
    %add3A_146 = arith.addf %dot_general3A_144, %add3A_145 : vector<128x8xf32>
    %reduce_sum3A_147 = arith.constant dense<0.000000e+00> : vector<8xf32>
    %reduce_sum3A_148 = vector.multi_reduction <add>, %slice3A_142, %reduce_sum3A_147 [0] : vector<128x8xf32> to vector<8xf32>
    %broadcast_in_dim3A_149 = vector.shape_cast %reduce_sum3A_148 : vector<8xf32> to vector<1x8xf32>
    %add3A_150 = arith.addf %add3A_141, %broadcast_in_dim3A_149 : vector<1x8xf32>
    %slice3A_151 = vector.extract_strided_slice %convert_element_type3A_38 {offsets = [1536, 0], sizes = [128, 8], strides = [1, 1]} : vector<4096x8xf32> to vector<128x8xf32>
    %dot_general3A_152 = arith.constant dense<0.000000e+00> : vector<128x8xf32>
    %dot_general3A_153 = tpu.matmul %convert_element_type3A_42, %slice3A_151, %dot_general3A_152 {dimension_numbers = #tpu.dot_dimension_numbers<[1], [0], [0], [1], [0, 0, 1, 1], [], []>, transpose_lhs_hint = false} : vector<128x128xf32>, vector<128x8xf32>, vector<128x8xf32> -> vector<128x8xf32>
    %add3A_154 = vector.broadcast %add3A_150 : vector<1x8xf32> to vector<128x8xf32>
    %add3A_155 = arith.addf %dot_general3A_153, %add3A_154 : vector<128x8xf32>
    %reduce_sum3A_156 = arith.constant dense<0.000000e+00> : vector<8xf32>
    %reduce_sum3A_157 = vector.multi_reduction <add>, %slice3A_151, %reduce_sum3A_156 [0] : vector<128x8xf32> to vector<8xf32>
    %broadcast_in_dim3A_158 = vector.shape_cast %reduce_sum3A_157 : vector<8xf32> to vector<1x8xf32>
    %add3A_159 = arith.addf %add3A_150, %broadcast_in_dim3A_158 : vector<1x8xf32>
    %slice3A_160 = vector.extract_strided_slice %convert_element_type3A_38 {offsets = [1664, 0], sizes = [128, 8], strides = [1, 1]} : vector<4096x8xf32> to vector<128x8xf32>
    %dot_general3A_161 = arith.constant dense<0.000000e+00> : vector<128x8xf32>
    %dot_general3A_162 = tpu.matmul %convert_element_type3A_42, %slice3A_160, %dot_general3A_161 {dimension_numbers = #tpu.dot_dimension_numbers<[1], [0], [0], [1], [0, 0, 1, 1], [], []>, transpose_lhs_hint = false} : vector<128x128xf32>, vector<128x8xf32>, vector<128x8xf32> -> vector<128x8xf32>
    %add3A_163 = vector.broadcast %add3A_159 : vector<1x8xf32> to vector<128x8xf32>
    %add3A_164 = arith.addf %dot_general3A_162, %add3A_163 : vector<128x8xf32>
    %reduce_sum3A_165 = arith.constant dense<0.000000e+00> : vector<8xf32>
    %reduce_sum3A_166 = vector.multi_reduction <add>, %slice3A_160, %reduce_sum3A_165 [0] : vector<128x8xf32> to vector<8xf32>
    %broadcast_in_dim3A_167 = vector.shape_cast %reduce_sum3A_166 : vector<8xf32> to vector<1x8xf32>
    %add3A_168 = arith.addf %add3A_159, %broadcast_in_dim3A_167 : vector<1x8xf32>
    %slice3A_169 = vector.extract_strided_slice %convert_element_type3A_38 {offsets = [1792, 0], sizes = [128, 8], strides = [1, 1]} : vector<4096x8xf32> to vector<128x8xf32>
    %dot_general3A_170 = arith.constant dense<0.000000e+00> : vector<128x8xf32>
    %dot_general3A_171 = tpu.matmul %convert_element_type3A_42, %slice3A_169, %dot_general3A_170 {dimension_numbers = #tpu.dot_dimension_numbers<[1], [0], [0], [1], [0, 0, 1, 1], [], []>, transpose_lhs_hint = false} : vector<128x128xf32>, vector<128x8xf32>, vector<128x8xf32> -> vector<128x8xf32>
    %add3A_172 = vector.broadcast %add3A_168 : vector<1x8xf32> to vector<128x8xf32>
    %add3A_173 = arith.addf %dot_general3A_171, %add3A_172 : vector<128x8xf32>
    %reduce_sum3A_174 = arith.constant dense<0.000000e+00> : vector<8xf32>
    %reduce_sum3A_175 = vector.multi_reduction <add>, %slice3A_169, %reduce_sum3A_174 [0] : vector<128x8xf32> to vector<8xf32>
    %broadcast_in_dim3A_176 = vector.shape_cast %reduce_sum3A_175 : vector<8xf32> to vector<1x8xf32>
    %add3A_177 = arith.addf %add3A_168, %broadcast_in_dim3A_176 : vector<1x8xf32>
    %slice3A_178 = vector.extract_strided_slice %convert_element_type3A_38 {offsets = [1920, 0], sizes = [128, 8], strides = [1, 1]} : vector<4096x8xf32> to vector<128x8xf32>
    %dot_general3A_179 = arith.constant dense<0.000000e+00> : vector<128x8xf32>
    %dot_general3A_180 = tpu.matmul %convert_element_type3A_42, %slice3A_178, %dot_general3A_179 {dimension_numbers = #tpu.dot_dimension_numbers<[1], [0], [0], [1], [0, 0, 1, 1], [], []>, transpose_lhs_hint = false} : vector<128x128xf32>, vector<128x8xf32>, vector<128x8xf32> -> vector<128x8xf32>
    %add3A_181 = vector.broadcast %add3A_177 : vector<1x8xf32> to vector<128x8xf32>
    %add3A_182 = arith.addf %dot_general3A_180, %add3A_181 : vector<128x8xf32>
    %reduce_sum3A_183 = arith.constant dense<0.000000e+00> : vector<8xf32>
    %reduce_sum3A_184 = vector.multi_reduction <add>, %slice3A_178, %reduce_sum3A_183 [0] : vector<128x8xf32> to vector<8xf32>
    %broadcast_in_dim3A_185 = vector.shape_cast %reduce_sum3A_184 : vector<8xf32> to vector<1x8xf32>
    %add3A_186 = arith.addf %add3A_177, %broadcast_in_dim3A_185 : vector<1x8xf32>
    %slice3A_187 = vector.extract_strided_slice %convert_element_type3A_38 {offsets = [2048, 0], sizes = [128, 8], strides = [1, 1]} : vector<4096x8xf32> to vector<128x8xf32>
    %dot_general3A_188 = arith.constant dense<0.000000e+00> : vector<128x8xf32>
    %dot_general3A_189 = tpu.matmul %convert_element_type3A_42, %slice3A_187, %dot_general3A_188 {dimension_numbers = #tpu.dot_dimension_numbers<[1], [0], [0], [1], [0, 0, 1, 1], [], []>, transpose_lhs_hint = false} : vector<128x128xf32>, vector<128x8xf32>, vector<128x8xf32> -> vector<128x8xf32>
    %add3A_190 = vector.broadcast %add3A_186 : vector<1x8xf32> to vector<128x8xf32>
    %add3A_191 = arith.addf %dot_general3A_189, %add3A_190 : vector<128x8xf32>
    %reduce_sum3A_192 = arith.constant dense<0.000000e+00> : vector<8xf32>
    %reduce_sum3A_193 = vector.multi_reduction <add>, %slice3A_187, %reduce_sum3A_192 [0] : vector<128x8xf32> to vector<8xf32>
    %broadcast_in_dim3A_194 = vector.shape_cast %reduce_sum3A_193 : vector<8xf32> to vector<1x8xf32>
    %add3A_195 = arith.addf %add3A_186, %broadcast_in_dim3A_194 : vector<1x8xf32>
    %slice3A_196 = vector.extract_strided_slice %convert_element_type3A_38 {offsets = [2176, 0], sizes = [128, 8], strides = [1, 1]} : vector<4096x8xf32> to vector<128x8xf32>
    %dot_general3A_197 = arith.constant dense<0.000000e+00> : vector<128x8xf32>
    %dot_general3A_198 = tpu.matmul %convert_element_type3A_42, %slice3A_196, %dot_general3A_197 {dimension_numbers = #tpu.dot_dimension_numbers<[1], [0], [0], [1], [0, 0, 1, 1], [], []>, transpose_lhs_hint = false} : vector<128x128xf32>, vector<128x8xf32>, vector<128x8xf32> -> vector<128x8xf32>
    %add3A_199 = vector.broadcast %add3A_195 : vector<1x8xf32> to vector<128x8xf32>
    %add3A_200 = arith.addf %dot_general3A_198, %add3A_199 : vector<128x8xf32>
    %reduce_sum3A_201 = arith.constant dense<0.000000e+00> : vector<8xf32>
    %reduce_sum3A_202 = vector.multi_reduction <add>, %slice3A_196, %reduce_sum3A_201 [0] : vector<128x8xf32> to vector<8xf32>
    %broadcast_in_dim3A_203 = vector.shape_cast %reduce_sum3A_202 : vector<8xf32> to vector<1x8xf32>
    %add3A_204 = arith.addf %add3A_195, %broadcast_in_dim3A_203 : vector<1x8xf32>
    %slice3A_205 = vector.extract_strided_slice %convert_element_type3A_38 {offsets = [2304, 0], sizes = [128, 8], strides = [1, 1]} : vector<4096x8xf32> to vector<128x8xf32>
    %dot_general3A_206 = arith.constant dense<0.000000e+00> : vector<128x8xf32>
    %dot_general3A_207 = tpu.matmul %convert_element_type3A_42, %slice3A_205, %dot_general3A_206 {dimension_numbers = #tpu.dot_dimension_numbers<[1], [0], [0], [1], [0, 0, 1, 1], [], []>, transpose_lhs_hint = false} : vector<128x128xf32>, vector<128x8xf32>, vector<128x8xf32> -> vector<128x8xf32>
    %add3A_208 = vector.broadcast %add3A_204 : vector<1x8xf32> to vector<128x8xf32>
    %add3A_209 = arith.addf %dot_general3A_207, %add3A_208 : vector<128x8xf32>
    %reduce_sum3A_210 = arith.constant dense<0.000000e+00> : vector<8xf32>
    %reduce_sum3A_211 = vector.multi_reduction <add>, %slice3A_205, %reduce_sum3A_210 [0] : vector<128x8xf32> to vector<8xf32>
    %broadcast_in_dim3A_212 = vector.shape_cast %reduce_sum3A_211 : vector<8xf32> to vector<1x8xf32>
    %add3A_213 = arith.addf %add3A_204, %broadcast_in_dim3A_212 : vector<1x8xf32>
    %slice3A_214 = vector.extract_strided_slice %convert_element_type3A_38 {offsets = [2432, 0], sizes = [128, 8], strides = [1, 1]} : vector<4096x8xf32> to vector<128x8xf32>
    %dot_general3A_215 = arith.constant dense<0.000000e+00> : vector<128x8xf32>
    %dot_general3A_216 = tpu.matmul %convert_element_type3A_42, %slice3A_214, %dot_general3A_215 {dimension_numbers = #tpu.dot_dimension_numbers<[1], [0], [0], [1], [0, 0, 1, 1], [], []>, transpose_lhs_hint = false} : vector<128x128xf32>, vector<128x8xf32>, vector<128x8xf32> -> vector<128x8xf32>
    %add3A_217 = vector.broadcast %add3A_213 : vector<1x8xf32> to vector<128x8xf32>
    %add3A_218 = arith.addf %dot_general3A_216, %add3A_217 : vector<128x8xf32>
    %reduce_sum3A_219 = arith.constant dense<0.000000e+00> : vector<8xf32>
    %reduce_sum3A_220 = vector.multi_reduction <add>, %slice3A_214, %reduce_sum3A_219 [0] : vector<128x8xf32> to vector<8xf32>
    %broadcast_in_dim3A_221 = vector.shape_cast %reduce_sum3A_220 : vector<8xf32> to vector<1x8xf32>
    %add3A_222 = arith.addf %add3A_213, %broadcast_in_dim3A_221 : vector<1x8xf32>
    %slice3A_223 = vector.extract_strided_slice %convert_element_type3A_38 {offsets = [2560, 0], sizes = [128, 8], strides = [1, 1]} : vector<4096x8xf32> to vector<128x8xf32>
    %dot_general3A_224 = arith.constant dense<0.000000e+00> : vector<128x8xf32>
    %dot_general3A_225 = tpu.matmul %convert_element_type3A_42, %slice3A_223, %dot_general3A_224 {dimension_numbers = #tpu.dot_dimension_numbers<[1], [0], [0], [1], [0, 0, 1, 1], [], []>, transpose_lhs_hint = false} : vector<128x128xf32>, vector<128x8xf32>, vector<128x8xf32> -> vector<128x8xf32>
    %add3A_226 = vector.broadcast %add3A_222 : vector<1x8xf32> to vector<128x8xf32>
    %add3A_227 = arith.addf %dot_general3A_225, %add3A_226 : vector<128x8xf32>
    %reduce_sum3A_228 = arith.constant dense<0.000000e+00> : vector<8xf32>
    %reduce_sum3A_229 = vector.multi_reduction <add>, %slice3A_223, %reduce_sum3A_228 [0] : vector<128x8xf32> to vector<8xf32>
    %broadcast_in_dim3A_230 = vector.shape_cast %reduce_sum3A_229 : vector<8xf32> to vector<1x8xf32>
    %add3A_231 = arith.addf %add3A_222, %broadcast_in_dim3A_230 : vector<1x8xf32>
    %slice3A_232 = vector.extract_strided_slice %convert_element_type3A_38 {offsets = [2688, 0], sizes = [128, 8], strides = [1, 1]} : vector<4096x8xf32> to vector<128x8xf32>
    %dot_general3A_233 = arith.constant dense<0.000000e+00> : vector<128x8xf32>
    %dot_general3A_234 = tpu.matmul %convert_element_type3A_42, %slice3A_232, %dot_general3A_233 {dimension_numbers = #tpu.dot_dimension_numbers<[1], [0], [0], [1], [0, 0, 1, 1], [], []>, transpose_lhs_hint = false} : vector<128x128xf32>, vector<128x8xf32>, vector<128x8xf32> -> vector<128x8xf32>
    %add3A_235 = vector.broadcast %add3A_231 : vector<1x8xf32> to vector<128x8xf32>
    %add3A_236 = arith.addf %dot_general3A_234, %add3A_235 : vector<128x8xf32>
    %reduce_sum3A_237 = arith.constant dense<0.000000e+00> : vector<8xf32>
    %reduce_sum3A_238 = vector.multi_reduction <add>, %slice3A_232, %reduce_sum3A_237 [0] : vector<128x8xf32> to vector<8xf32>
    %broadcast_in_dim3A_239 = vector.shape_cast %reduce_sum3A_238 : vector<8xf32> to vector<1x8xf32>
    %add3A_240 = arith.addf %add3A_231, %broadcast_in_dim3A_239 : vector<1x8xf32>
    %slice3A_241 = vector.extract_strided_slice %convert_element_type3A_38 {offsets = [2816, 0], sizes = [128, 8], strides = [1, 1]} : vector<4096x8xf32> to vector<128x8xf32>
    %dot_general3A_242 = arith.constant dense<0.000000e+00> : vector<128x8xf32>
    %dot_general3A_243 = tpu.matmul %convert_element_type3A_42, %slice3A_241, %dot_general3A_242 {dimension_numbers = #tpu.dot_dimension_numbers<[1], [0], [0], [1], [0, 0, 1, 1], [], []>, transpose_lhs_hint = false} : vector<128x128xf32>, vector<128x8xf32>, vector<128x8xf32> -> vector<128x8xf32>
    %add3A_244 = vector.broadcast %add3A_240 : vector<1x8xf32> to vector<128x8xf32>
    %add3A_245 = arith.addf %dot_general3A_243, %add3A_244 : vector<128x8xf32>
    %reduce_sum3A_246 = arith.constant dense<0.000000e+00> : vector<8xf32>
    %reduce_sum3A_247 = vector.multi_reduction <add>, %slice3A_241, %reduce_sum3A_246 [0] : vector<128x8xf32> to vector<8xf32>
    %broadcast_in_dim3A_248 = vector.shape_cast %reduce_sum3A_247 : vector<8xf32> to vector<1x8xf32>
    %add3A_249 = arith.addf %add3A_240, %broadcast_in_dim3A_248 : vector<1x8xf32>
    %slice3A_250 = vector.extract_strided_slice %convert_element_type3A_38 {offsets = [2944, 0], sizes = [128, 8], strides = [1, 1]} : vector<4096x8xf32> to vector<128x8xf32>
    %dot_general3A_251 = arith.constant dense<0.000000e+00> : vector<128x8xf32>
    %dot_general3A_252 = tpu.matmul %convert_element_type3A_42, %slice3A_250, %dot_general3A_251 {dimension_numbers = #tpu.dot_dimension_numbers<[1], [0], [0], [1], [0, 0, 1, 1], [], []>, transpose_lhs_hint = false} : vector<128x128xf32>, vector<128x8xf32>, vector<128x8xf32> -> vector<128x8xf32>
    %add3A_253 = vector.broadcast %add3A_249 : vector<1x8xf32> to vector<128x8xf32>
    %add3A_254 = arith.addf %dot_general3A_252, %add3A_253 : vector<128x8xf32>
    %reduce_sum3A_255 = arith.constant dense<0.000000e+00> : vector<8xf32>
    %reduce_sum3A_256 = vector.multi_reduction <add>, %slice3A_250, %reduce_sum3A_255 [0] : vector<128x8xf32> to vector<8xf32>
    %broadcast_in_dim3A_257 = vector.shape_cast %reduce_sum3A_256 : vector<8xf32> to vector<1x8xf32>
    %add3A_258 = arith.addf %add3A_249, %broadcast_in_dim3A_257 : vector<1x8xf32>
    %slice3A_259 = vector.extract_strided_slice %convert_element_type3A_38 {offsets = [3072, 0], sizes = [128, 8], strides = [1, 1]} : vector<4096x8xf32> to vector<128x8xf32>
    %dot_general3A_260 = arith.constant dense<0.000000e+00> : vector<128x8xf32>
    %dot_general3A_261 = tpu.matmul %convert_element_type3A_42, %slice3A_259, %dot_general3A_260 {dimension_numbers = #tpu.dot_dimension_numbers<[1], [0], [0], [1], [0, 0, 1, 1], [], []>, transpose_lhs_hint = false} : vector<128x128xf32>, vector<128x8xf32>, vector<128x8xf32> -> vector<128x8xf32>
    %add3A_262 = vector.broadcast %add3A_258 : vector<1x8xf32> to vector<128x8xf32>
    %add3A_263 = arith.addf %dot_general3A_261, %add3A_262 : vector<128x8xf32>
    %reduce_sum3A_264 = arith.constant dense<0.000000e+00> : vector<8xf32>
    %reduce_sum3A_265 = vector.multi_reduction <add>, %slice3A_259, %reduce_sum3A_264 [0] : vector<128x8xf32> to vector<8xf32>
    %broadcast_in_dim3A_266 = vector.shape_cast %reduce_sum3A_265 : vector<8xf32> to vector<1x8xf32>
    %add3A_267 = arith.addf %add3A_258, %broadcast_in_dim3A_266 : vector<1x8xf32>
    %slice3A_268 = vector.extract_strided_slice %convert_element_type3A_38 {offsets = [3200, 0], sizes = [128, 8], strides = [1, 1]} : vector<4096x8xf32> to vector<128x8xf32>
    %dot_general3A_269 = arith.constant dense<0.000000e+00> : vector<128x8xf32>
    %dot_general3A_270 = tpu.matmul %convert_element_type3A_42, %slice3A_268, %dot_general3A_269 {dimension_numbers = #tpu.dot_dimension_numbers<[1], [0], [0], [1], [0, 0, 1, 1], [], []>, transpose_lhs_hint = false} : vector<128x128xf32>, vector<128x8xf32>, vector<128x8xf32> -> vector<128x8xf32>
    %add3A_271 = vector.broadcast %add3A_267 : vector<1x8xf32> to vector<128x8xf32>
    %add3A_272 = arith.addf %dot_general3A_270, %add3A_271 : vector<128x8xf32>
    %reduce_sum3A_273 = arith.constant dense<0.000000e+00> : vector<8xf32>
    %reduce_sum3A_274 = vector.multi_reduction <add>, %slice3A_268, %reduce_sum3A_273 [0] : vector<128x8xf32> to vector<8xf32>
    %broadcast_in_dim3A_275 = vector.shape_cast %reduce_sum3A_274 : vector<8xf32> to vector<1x8xf32>
    %add3A_276 = arith.addf %add3A_267, %broadcast_in_dim3A_275 : vector<1x8xf32>
    %slice3A_277 = vector.extract_strided_slice %convert_element_type3A_38 {offsets = [3328, 0], sizes = [128, 8], strides = [1, 1]} : vector<4096x8xf32> to vector<128x8xf32>
    %dot_general3A_278 = arith.constant dense<0.000000e+00> : vector<128x8xf32>
    %dot_general3A_279 = tpu.matmul %convert_element_type3A_42, %slice3A_277, %dot_general3A_278 {dimension_numbers = #tpu.dot_dimension_numbers<[1], [0], [0], [1], [0, 0, 1, 1], [], []>, transpose_lhs_hint = false} : vector<128x128xf32>, vector<128x8xf32>, vector<128x8xf32> -> vector<128x8xf32>
    %add3A_280 = vector.broadcast %add3A_276 : vector<1x8xf32> to vector<128x8xf32>
    %add3A_281 = arith.addf %dot_general3A_279, %add3A_280 : vector<128x8xf32>
    %reduce_sum3A_282 = arith.constant dense<0.000000e+00> : vector<8xf32>
    %reduce_sum3A_283 = vector.multi_reduction <add>, %slice3A_277, %reduce_sum3A_282 [0] : vector<128x8xf32> to vector<8xf32>
    %broadcast_in_dim3A_284 = vector.shape_cast %reduce_sum3A_283 : vector<8xf32> to vector<1x8xf32>
    %add3A_285 = arith.addf %add3A_276, %broadcast_in_dim3A_284 : vector<1x8xf32>
    %slice3A_286 = vector.extract_strided_slice %convert_element_type3A_38 {offsets = [3456, 0], sizes = [128, 8], strides = [1, 1]} : vector<4096x8xf32> to vector<128x8xf32>
    %dot_general3A_287 = arith.constant dense<0.000000e+00> : vector<128x8xf32>
    %dot_general3A_288 = tpu.matmul %convert_element_type3A_42, %slice3A_286, %dot_general3A_287 {dimension_numbers = #tpu.dot_dimension_numbers<[1], [0], [0], [1], [0, 0, 1, 1], [], []>, transpose_lhs_hint = false} : vector<128x128xf32>, vector<128x8xf32>, vector<128x8xf32> -> vector<128x8xf32>
    %add3A_289 = vector.broadcast %add3A_285 : vector<1x8xf32> to vector<128x8xf32>
    %add3A_290 = arith.addf %dot_general3A_288, %add3A_289 : vector<128x8xf32>
    %reduce_sum3A_291 = arith.constant dense<0.000000e+00> : vector<8xf32>
    %reduce_sum3A_292 = vector.multi_reduction <add>, %slice3A_286, %reduce_sum3A_291 [0] : vector<128x8xf32> to vector<8xf32>
    %broadcast_in_dim3A_293 = vector.shape_cast %reduce_sum3A_292 : vector<8xf32> to vector<1x8xf32>
    %add3A_294 = arith.addf %add3A_285, %broadcast_in_dim3A_293 : vector<1x8xf32>
    %slice3A_295 = vector.extract_strided_slice %convert_element_type3A_38 {offsets = [3584, 0], sizes = [128, 8], strides = [1, 1]} : vector<4096x8xf32> to vector<128x8xf32>
    %dot_general3A_296 = arith.constant dense<0.000000e+00> : vector<128x8xf32>
    %dot_general3A_297 = tpu.matmul %convert_element_type3A_42, %slice3A_295, %dot_general3A_296 {dimension_numbers = #tpu.dot_dimension_numbers<[1], [0], [0], [1], [0, 0, 1, 1], [], []>, transpose_lhs_hint = false} : vector<128x128xf32>, vector<128x8xf32>, vector<128x8xf32> -> vector<128x8xf32>
    %add3A_298 = vector.broadcast %add3A_294 : vector<1x8xf32> to vector<128x8xf32>
    %add3A_299 = arith.addf %dot_general3A_297, %add3A_298 : vector<128x8xf32>
    %reduce_sum3A_300 = arith.constant dense<0.000000e+00> : vector<8xf32>
    %reduce_sum3A_301 = vector.multi_reduction <add>, %slice3A_295, %reduce_sum3A_300 [0] : vector<128x8xf32> to vector<8xf32>
    %broadcast_in_dim3A_302 = vector.shape_cast %reduce_sum3A_301 : vector<8xf32> to vector<1x8xf32>
    %add3A_303 = arith.addf %add3A_294, %broadcast_in_dim3A_302 : vector<1x8xf32>
    %slice3A_304 = vector.extract_strided_slice %convert_element_type3A_38 {offsets = [3712, 0], sizes = [128, 8], strides = [1, 1]} : vector<4096x8xf32> to vector<128x8xf32>
    %dot_general3A_305 = arith.constant dense<0.000000e+00> : vector<128x8xf32>
    %dot_general3A_306 = tpu.matmul %convert_element_type3A_42, %slice3A_304, %dot_general3A_305 {dimension_numbers = #tpu.dot_dimension_numbers<[1], [0], [0], [1], [0, 0, 1, 1], [], []>, transpose_lhs_hint = false} : vector<128x128xf32>, vector<128x8xf32>, vector<128x8xf32> -> vector<128x8xf32>
    %add3A_307 = vector.broadcast %add3A_303 : vector<1x8xf32> to vector<128x8xf32>
    %add3A_308 = arith.addf %dot_general3A_306, %add3A_307 : vector<128x8xf32>
    %reduce_sum3A_309 = arith.constant dense<0.000000e+00> : vector<8xf32>
    %reduce_sum3A_310 = vector.multi_reduction <add>, %slice3A_304, %reduce_sum3A_309 [0] : vector<128x8xf32> to vector<8xf32>
    %broadcast_in_dim3A_311 = vector.shape_cast %reduce_sum3A_310 : vector<8xf32> to vector<1x8xf32>
    %add3A_312 = arith.addf %add3A_303, %broadcast_in_dim3A_311 : vector<1x8xf32>
    %slice3A_313 = vector.extract_strided_slice %convert_element_type3A_38 {offsets = [3840, 0], sizes = [128, 8], strides = [1, 1]} : vector<4096x8xf32> to vector<128x8xf32>
    %dot_general3A_314 = arith.constant dense<0.000000e+00> : vector<128x8xf32>
    %dot_general3A_315 = tpu.matmul %convert_element_type3A_42, %slice3A_313, %dot_general3A_314 {dimension_numbers = #tpu.dot_dimension_numbers<[1], [0], [0], [1], [0, 0, 1, 1], [], []>, transpose_lhs_hint = false} : vector<128x128xf32>, vector<128x8xf32>, vector<128x8xf32> -> vector<128x8xf32>
    %add3A_316 = vector.broadcast %add3A_312 : vector<1x8xf32> to vector<128x8xf32>
    %add3A_317 = arith.addf %dot_general3A_315, %add3A_316 : vector<128x8xf32>
    %reduce_sum3A_318 = arith.constant dense<0.000000e+00> : vector<8xf32>
    %reduce_sum3A_319 = vector.multi_reduction <add>, %slice3A_313, %reduce_sum3A_318 [0] : vector<128x8xf32> to vector<8xf32>
    %broadcast_in_dim3A_320 = vector.shape_cast %reduce_sum3A_319 : vector<8xf32> to vector<1x8xf32>
    %add3A_321 = arith.addf %add3A_312, %broadcast_in_dim3A_320 : vector<1x8xf32>
    %slice3A_322 = vector.extract_strided_slice %convert_element_type3A_38 {offsets = [3968, 0], sizes = [128, 8], strides = [1, 1]} : vector<4096x8xf32> to vector<128x8xf32>
    %dot_general3A_323 = arith.constant dense<0.000000e+00> : vector<128x8xf32>
    %dot_general3A_324 = tpu.matmul %convert_element_type3A_42, %slice3A_322, %dot_general3A_323 {dimension_numbers = #tpu.dot_dimension_numbers<[1], [0], [0], [1], [0, 0, 1, 1], [], []>, transpose_lhs_hint = false} : vector<128x128xf32>, vector<128x8xf32>, vector<128x8xf32> -> vector<128x8xf32>
    %add3A_325 = vector.broadcast %add3A_321 : vector<1x8xf32> to vector<128x8xf32>
    %add3A_326 = arith.addf %dot_general3A_324, %add3A_325 : vector<128x8xf32>
    %reduce_sum3A_327 = arith.constant dense<0.000000e+00> : vector<8xf32>
    %reduce_sum3A_328 = vector.multi_reduction <add>, %slice3A_322, %reduce_sum3A_327 [0] : vector<128x8xf32> to vector<8xf32>
    %broadcast_in_dim3A_329 = vector.shape_cast %reduce_sum3A_328 : vector<8xf32> to vector<1x8xf32>
    %add3A_330 = arith.addf %add3A_321, %broadcast_in_dim3A_329 : vector<1x8xf32>
    %concatenate3A_331 = tpu.concatenate %add3A_48, %add3A_56, %add3A_65, %add3A_74, %add3A_83, %add3A_92, %add3A_101, %add3A_110, %add3A_119, %add3A_128, %add3A_137, %add3A_146, %add3A_155, %add3A_164, %add3A_173, %add3A_182, %add3A_191, %add3A_200, %add3A_209, %add3A_218, %add3A_227, %add3A_236, %add3A_245, %add3A_254, %add3A_263, %add3A_272, %add3A_281, %add3A_290, %add3A_299, %add3A_308, %add3A_317, %add3A_326 in 0 : vector<128x8xf32>, vector<128x8xf32>, vector<128x8xf32>, vector<128x8xf32>, vector<128x8xf32>, vector<128x8xf32>, vector<128x8xf32>, vector<128x8xf32>, vector<128x8xf32>, vector<128x8xf32>, vector<128x8xf32>, vector<128x8xf32>, vector<128x8xf32>, vector<128x8xf32>, vector<128x8xf32>, vector<128x8xf32>, vector<128x8xf32>, vector<128x8xf32>, vector<128x8xf32>, vector<128x8xf32>, vector<128x8xf32>, vector<128x8xf32>, vector<128x8xf32>, vector<128x8xf32>, vector<128x8xf32>, vector<128x8xf32>, vector<128x8xf32>, vector<128x8xf32>, vector<128x8xf32>, vector<128x8xf32>, vector<128x8xf32>, vector<128x8xf32> -> vector<4096x8xf32>
    %convert_element_type3A_332 = arith.fptosi %add3A_330 : vector<1x8xf32> to vector<1x8xi32>
    %add3A_333 = arith.constant 255 : i32
    %add3A_334 = vector.broadcast %add3A_333 : i32 to vector<1x8xi32>
    %add3A_335 = arith.addi %convert_element_type3A_332, %add3A_334 : vector<1x8xi32>
    %jit3A_336 = arith.constant 256 : i32
    %div3A_337 = vector.broadcast %jit3A_336 : i32 to vector<1x8xi32>
    %div3A_338 = arith.divsi %add3A_335, %div3A_337 : vector<1x8xi32>
    %sign3A = arith.constant 0 : i32
    %sign3A_339 = vector.broadcast %sign3A : i32 to vector<1x8xi32>
    %sign3A_340 = arith.cmpi sgt, %add3A_335, %sign3A_339 : vector<1x8xi32>
    %sign3A_341 = arith.extui %sign3A_340 : vector<1x8xi1> to vector<1x8xi32>
    %sign3A_342 = arith.constant 0 : i32
    %sign3A_343 = vector.broadcast %sign3A_342 : i32 to vector<1x8xi32>
    %sign3A_344 = arith.cmpi slt, %add3A_335, %sign3A_343 : vector<1x8xi32>
    %sign3A_345 = arith.extui %sign3A_344 : vector<1x8xi1> to vector<1x8xi32>
    %sign3A_346 = arith.subi %sign3A_341, %sign3A_345 : vector<1x8xi32>
    %sign3A_347 = arith.constant 0 : i32
    %sign3A_348 = arith.cmpi sgt, %jit3A_336, %sign3A_347 : i32
    %sign3A_349 = arith.extui %sign3A_348 : i1 to i32
    %sign3A_350 = arith.constant 0 : i32
    %sign3A_351 = arith.cmpi slt, %jit3A_336, %sign3A_350 : i32
    %sign3A_352 = arith.extui %sign3A_351 : i1 to i32
    %sign3A_353 = arith.subi %sign3A_349, %sign3A_352 : i32
    %ne3A = vector.broadcast %sign3A_353 : i32 to vector<1x8xi32>
    %ne3A_354 = arith.cmpi ne, %sign3A_346, %ne3A : vector<1x8xi32>
    %rem3A = vector.broadcast %jit3A_336 : i32 to vector<1x8xi32>
    %rem3A_355 = arith.remsi %add3A_335, %rem3A : vector<1x8xi32>
    %ne3A_356 = arith.constant 0 : i32
    %ne3A_357 = vector.broadcast %ne3A_356 : i32 to vector<1x8xi32>
    %ne3A_358 = arith.cmpi ne, %rem3A_355, %ne3A_357 : vector<1x8xi32>
    %and3A = arith.andi %ne3A_354, %ne3A_358 : vector<1x8xi1>
    %sub3A_359 = arith.constant 1 : i32
    %sub3A_360 = vector.broadcast %sub3A_359 : i32 to vector<1x8xi32>
    %sub3A_361 = arith.subi %div3A_338, %sub3A_360 : vector<1x8xi32>
    %select_n3A_362 = arith.select %and3A, %sub3A_361, %div3A_338 : vector<1x8xi1>, vector<1x8xi32>
    %mul3A = arith.constant 256 : i32
    %mul3A_363 = vector.broadcast %mul3A : i32 to vector<1x8xi32>
    %mul3A_364 = arith.muli %select_n3A_362, %mul3A_363 : vector<1x8xi32>
    %iota3A_365 = tpu.iota {dimensions = array<i32: 0>} : vector<8x8xi32>
    %iota3A_366 = tpu.iota {dimensions = array<i32: 1>} : vector<8x8xi32>
    %lt3A = arith.cmpi slt, %iota3A_365, %iota3A_366 : vector<8x8xi32>
    %convert_element_type3A_367 = arith.extui %lt3A : vector<8x8xi1> to vector<8x8xi32>
    %convert_element_type3A_368 = arith.sitofp %convert_element_type3A_367 : vector<8x8xi32> to vector<8x8xf32>
    %convert_element_type3A_369 = arith.sitofp %mul3A_364 : vector<1x8xi32> to vector<1x8xf32>
    %dot_general3A_370 = arith.constant dense<0.000000e+00> : vector<1x8xf32>
    %dot_general3A_371 = tpu.matmul %convert_element_type3A_369, %convert_element_type3A_368, %dot_general3A_370 {dimension_numbers = #tpu.dot_dimension_numbers<[1], [0], [0], [1], [0, 0, 1, 1], [], []>, transpose_lhs_hint = false} : vector<1x8xf32>, vector<8x8xf32>, vector<1x8xf32> -> vector<1x8xf32>
    %mul3A_372 = arith.mulf %concatenate3A_331, %convert_element_type3A_38 : vector<4096x8xf32>
    %reduce_sum3A_373 = arith.constant dense<0.000000e+00> : vector<4096xf32>
    %reduce_sum3A_374 = vector.multi_reduction <add>, %mul3A_372, %reduce_sum3A_373 [1] : vector<4096x8xf32> to vector<4096xf32>
    %broadcast_in_dim3A_375 = vector.shape_cast %reduce_sum3A_374 : vector<4096xf32> to vector<4096x1xf32>
    %reshape3A = vector.shape_cast %dot_general3A_371 : vector<1x8xf32> to vector<8x1xf32>
    %dot_general3A_376 = arith.constant dense<0.000000e+00> : vector<4096x1xf32>
    %dot_general3A_377 = tpu.matmul %convert_element_type3A_38, %reshape3A, %dot_general3A_376 {dimension_numbers = #tpu.dot_dimension_numbers<[1], [0], [0], [1], [0, 0, 1, 1], [], []>, transpose_lhs_hint = false} : vector<4096x8xf32>, vector<8x1xf32>, vector<4096x1xf32> -> vector<4096x1xf32>
    %add3A_378 = arith.addf %broadcast_in_dim3A_375, %dot_general3A_377 : vector<4096x1xf32>
    %convert_element_type3A_379 = arith.fptosi %add3A_378 : vector<4096x1xf32> to vector<4096x1xi32>
    %reshape3A_380 = vector.shape_cast %convert_element_type3A_379 : vector<4096x1xi32> to vector<32x128xi32>
    %swap3A = arith.constant 0 : index
    %swap3A_381 = arith.constant 0 : index
    %swap3A_382 = vector.load %arg2[%swap3A, %swap3A_381] : memref<32x128xi32, #tpu.memory_space<vmem>>, vector<32x128xi32>
    tpu.vector_store %arg2[%swap3A, %swap3A_381], %reshape3A_380 {strides = array<i32>} : memref<32x128xi32, #tpu.memory_space<vmem>>, vector<32x128xi32>,
    %concatenate3A_383 = tpu.concatenate %div3A_30, %div3A_34 in 0 : vector<2048x1xf32>, vector<2048x1xf32> -> vector<4096x1xf32>
    %reshape3A_384 = vector.shape_cast %concatenate3A_383 : vector<4096x1xf32> to vector<32x128x1xf32>
    %broadcast_in_dim3A_385 = vector.shape_cast %reshape3A_384 : vector<32x128x1xf32> to vector<32x128x1xf32>
    %broadcast_in_dim3A_386 = vector.broadcast %broadcast_in_dim3A_385 : vector<32x128x1xf32> to vector<32x128x128xf32>
    %swap3A_387 = arith.constant 0 : index
    %swap3A_388 = arith.constant 0 : index
    %swap3A_389 = arith.constant 0 : index
    %swap3A_390 = vector.load %arg3[%swap3A_387, %swap3A_388, %swap3A_389] : memref<32x128x128xf32, #tpu.memory_space<vmem>>, vector<32x128x128xf32>
    tpu.vector_store %arg3[%swap3A_387, %swap3A_388, %swap3A_389], %broadcast_in_dim3A_386 {strides = array<i32>} : memref<32x128x128xf32, #tpu.memory_space<vmem>>, vector<32x128x128xf32>,
    %convert_element_type3A_391 = arith.fptosi %dot_general3A_371 : vector<1x8xf32> to vector<1x8xi32>
    %reshape3A_392 = vector.shape_cast %convert_element_type3A_391 : vector<1x8xi32> to vector<8x1xi32>
    %iota3A_393 = tpu.iota {dimensions = array<i32: 1>} : vector<8x24xi32>
    %mul3A_394 = arith.constant 256 : i32
    %mul3A_395 = vector.broadcast %mul3A_394 : i32 to vector<8x24xi32>
    %mul3A_396 = arith.muli %iota3A_393, %mul3A_395 : vector<8x24xi32>
    %ge3A = vector.broadcast %reshape3A_392 : vector<8x1xi32> to vector<8x24xi32>
    %ge3A_397 = arith.cmpi sge, %mul3A_396, %ge3A : vector<8x24xi32>
    %convert_element_type3A_398 = arith.extui %ge3A_397 : vector<8x24xi1> to vector<8x24xi32>
    %reduce_sum3A_399 = arith.constant dense<0> : vector<24xi32>
    %reduce_sum3A_400 = vector.multi_reduction <add>, %convert_element_type3A_398, %reduce_sum3A_399 [0] : vector<8x24xi32> to vector<24xi32>
    %broadcast_in_dim3A_401 = vector.shape_cast %reduce_sum3A_400 : vector<24xi32> to vector<1x24xi32>
    %sub3A_402 = arith.constant 1 : i32
    %sub3A_403 = vector.broadcast %sub3A_402 : i32 to vector<1x24xi32>
    %sub3A_404 = arith.subi %broadcast_in_dim3A_401, %sub3A_403 : vector<1x24xi32>
    %broadcast_in_dim3A_405 = arith.constant -1 : i32
    %broadcast_in_dim3A_406 = vector.broadcast %broadcast_in_dim3A_405 : i32 to vector<1x1xi32>
    %slice3A_407 = vector.extract_strided_slice %sub3A_404 {offsets = [0, 0], sizes = [1, 23], strides = [1, 1]} : vector<1x24xi32> to vector<1x23xi32>
    %concatenate3A_408 = tpu.concatenate %broadcast_in_dim3A_406, %slice3A_407 in 1 : vector<1x1xi32>, vector<1x23xi32> -> vector<1x24xi32>
    %ne3A_409 = arith.cmpi ne, %sub3A_404, %concatenate3A_408 : vector<1x24xi32>
    %convert_element_type3A_410 = arith.extui %ne3A_409 : vector<1x24xi1> to vector<1x24xi32>
    %iota3A_411 = tpu.iota {dimensions = array<i32: 0>} : vector<24x24xi32>
    %iota3A_412 = tpu.iota {dimensions = array<i32: 1>} : vector<24x24xi32>
    %le3A = arith.cmpi sle, %iota3A_411, %iota3A_412 : vector<24x24xi32>
    %convert_element_type3A_413 = arith.extui %le3A : vector<24x24xi1> to vector<24x24xi32>
    %convert_element_type3A_414 = arith.sitofp %convert_element_type3A_413 : vector<24x24xi32> to vector<24x24xf32>
    %convert_element_type3A_415 = arith.sitofp %convert_element_type3A_410 : vector<1x24xi32> to vector<1x24xf32>
    %dot_general3A_416 = arith.constant dense<0.000000e+00> : vector<1x24xf32>
    %dot_general3A_417 = tpu.matmul %convert_element_type3A_415, %convert_element_type3A_414, %dot_general3A_416 {dimension_numbers = #tpu.dot_dimension_numbers<[1], [0], [0], [1], [0, 0, 1, 1], [], []>, transpose_lhs_hint = false} : vector<1x24xf32>, vector<24x24xf32>, vector<1x24xf32> -> vector<1x24xf32>
    %convert_element_type3A_418 = arith.fptosi %dot_general3A_417 : vector<1x24xf32> to vector<1x24xi32>
    %sub3A_419 = arith.constant 1 : i32
    %sub3A_420 = vector.broadcast %sub3A_419 : i32 to vector<1x24xi32>
    %sub3A_421 = arith.subi %convert_element_type3A_418, %sub3A_420 : vector<1x24xi32>
    %jit3A_422 = arith.constant 2 : i32
    %eq3A_423 = arith.constant 0 : i32
    %eq3A_424 = arith.cmpi eq, %jit3A_422, %eq3A_423 : i32
    %jit3A_425 = arith.constant 1 : i32
    %select_n3A_426 = arith.select %eq3A_424, %jit3A_425, %jit3A_422 : i32
    %rem3A_427 = vector.broadcast %select_n3A_426 : i32 to vector<1x24xi32>
    %rem3A_428 = arith.remsi %sub3A_421, %rem3A_427 : vector<1x24xi32>
    %ne3A_429 = arith.constant 0 : i32
    %ne3A_430 = vector.broadcast %ne3A_429 : i32 to vector<1x24xi32>
    %ne3A_431 = arith.cmpi ne, %rem3A_428, %ne3A_430 : vector<1x24xi32>
    %lt3A_432 = arith.constant 0 : i32
    %lt3A_433 = vector.broadcast %lt3A_432 : i32 to vector<1x24xi32>
    %lt3A_434 = arith.cmpi slt, %rem3A_428, %lt3A_433 : vector<1x24xi32>
    %lt3A_435 = arith.constant 0 : i32
    %lt3A_436 = arith.cmpi slt, %select_n3A_426, %lt3A_435 : i32
    %ne3A_437 = vector.broadcast %lt3A_436 : i1 to vector<1x24xi1>
    %ne3A_438 = vector.broadcast %ne3A_437 : vector<1x24xi1> to vector<1x24xi1>
    %ne3A_439 = arith.xori %lt3A_434, %ne3A_438 : vector<1x24xi1>
    %and3A_440 = arith.andi %ne3A_439, %ne3A_431 : vector<1x24xi1>
    %add3A_441 = vector.broadcast %select_n3A_426 : i32 to vector<1x24xi32>
    %add3A_442 = arith.addi %rem3A_428, %add3A_441 : vector<1x24xi32>
    %select_n3A_443 = arith.select %and3A_440, %add3A_442, %rem3A_428 : vector<1x24xi1>, vector<1x24xi32>
    %broadcast_in_dim3A_444 = vector.shape_cast %sub3A_404 : vector<1x24xi32> to vector<1x24xi32>
    %broadcast_in_dim3A_445 = vector.broadcast %broadcast_in_dim3A_444 : vector<1x24xi32> to vector<24x24xi32>
    %reshape3A_446 = vector.shape_cast %sub3A_404 : vector<1x24xi32> to vector<24x1xi32>
    %gt3A_447 = vector.broadcast %reshape3A_446 : vector<24x1xi32> to vector<24x24xi32>
    %gt3A_448 = arith.cmpi sgt, %broadcast_in_dim3A_445, %gt3A_447 : vector<24x24xi32>
    %jit3A_449 = arith.constant 8 : i32
    %broadcast_in_dim3A_450 = vector.broadcast %jit3A_449 : i32 to vector<24x24xi32>
    %select_n3A_451 = arith.select %gt3A_448, %broadcast_in_dim3A_445, %broadcast_in_dim3A_450 : vector<24x24xi1>, vector<24x24xi32>
    %reduce_min3A_452 = arith.constant dense<2147483647> : vector<24xi32>
    %reduce_min3A_453 = vector.multi_reduction <minsi>, %select_n3A_451, %reduce_min3A_452 [1] : vector<24x24xi32> to vector<24xi32>
    %broadcast_in_dim3A_454 = vector.shape_cast %reduce_min3A_453 : vector<24xi32> to vector<24x1xi32>
    %reshape3A_455 = vector.shape_cast %broadcast_in_dim3A_454 : vector<24x1xi32> to vector<1x24xi32>
    %lt3A_456 = arith.constant 8 : i32
    %lt3A_457 = vector.broadcast %lt3A_456 : i32 to vector<1x24xi32>
    %lt3A_458 = arith.cmpi slt, %reshape3A_455, %lt3A_457 : vector<1x24xi32>
    %convert_element_type3A_459 = arith.extui %lt3A_458 : vector<1x24xi1> to vector<1x24xi32>
    %min3A = arith.constant 7 : i32
    %min3A_460 = vector.broadcast %min3A : i32 to vector<1x24xi32>
    %min3A_461 = arith.minsi %reshape3A_455, %min3A_460 : vector<1x24xi32>
    %concatenate3A_462 = tpu.concatenate %sub3A_404, %convert_element_type3A_410, %select_n3A_443, %min3A_461, %convert_element_type3A_459 in 0 : vector<1x24xi32>, vector<1x24xi32>, vector<1x24xi32>, vector<1x24xi32>, vector<1x24xi32> -> vector<5x24xi32>
    %swap3A_463 = arith.constant 0 : index
    %swap3A_464 = arith.constant 0 : index
    %swap3A_465 = vector.load %arg4[%swap3A_463, %swap3A_464] : memref<5x24xi32, #tpu.memory_space<vmem>>, vector<5x24xi32>
    tpu.vector_store %arg4[%swap3A_463, %swap3A_464], %concatenate3A_462 {strides = array<i32>} : memref<5x24xi32, #tpu.memory_space<vmem>>, vector<5x24xi32>,
    return
  }
}

module attributes {stable_mosaic.version = 14 : i64} {
  func.func @_expert_mlp_body(%arg0: i32, %arg1: memref<5x24xi32, #tpu.memory_space<smem>>, %arg2: memref<6144x768xf32, #tpu.memory_space<hbm>>, %arg3: memref<8x768x1024xf32, #tpu.memory_space<hbm>>, %arg4: memref<8x1x1024xf32, #tpu.memory_space<vmem>>, %arg5: memref<8x1024x768xf32, #tpu.memory_space<hbm>>, %arg6: memref<8x1x768xf32, #tpu.memory_space<vmem>>, %arg7: memref<6144x128xf32, #tpu.memory_space<hbm>>, %arg8: memref<6144x768xf32, #tpu.memory_space<hbm>>, %arg9: memref<2x768x1024xf32, #tpu.memory_space<vmem>>, %arg10: memref<2x1024x768xf32, #tpu.memory_space<vmem>>, %arg11: memref<2x2x!tpu.dma_semaphore, #tpu.memory_space<semaphore_mem>>, %arg12: memref<2x256x768xf32, #tpu.memory_space<vmem>>, %arg13: memref<2x256x128xf32, #tpu.memory_space<vmem>>, %arg14: memref<2x256x768xf32, #tpu.memory_space<vmem>>, %arg15: memref<2x2x!tpu.dma_semaphore, #tpu.memory_space<semaphore_mem>>, %arg16: memref<2x!tpu.dma_semaphore, #tpu.memory_space<semaphore_mem>>) attributes {dimension_semantics = [#tpu.dimension_semantics<parallel>], iteration_bounds = array<i64: 24>, scalar_prefetch = 1 : i64, scratch_operands = 8 : i64, tpu.core_type = #tpu.core_type<tc>, window_params = [{}, {}, {pipeline_mode = #tpu.pipeline_mode<synchronous>, transform_indices = @transform_2, window_bounds = array<i64: 8, 1, 1024>}, {}, {pipeline_mode = #tpu.pipeline_mode<synchronous>, transform_indices = @transform_4, window_bounds = array<i64: 8, 1, 768>}, {}, {}]} {
    %get3A = arith.constant 0 : index
    %get3A_0 = arith.index_cast %arg0 : i32 to index
    %get3A_1 = memref.load %arg1[%get3A, %get3A_0] : memref<5x24xi32, #tpu.memory_space<smem>>
    %get3A_2 = arith.constant 1 : index
    %get3A_3 = arith.index_cast %arg0 : i32 to index
    %get3A_4 = memref.load %arg1[%get3A_2, %get3A_3] : memref<5x24xi32, #tpu.memory_space<smem>>
    %get3A_5 = arith.constant 2 : index
    %get3A_6 = arith.index_cast %arg0 : i32 to index
    %get3A_7 = memref.load %arg1[%get3A_5, %get3A_6] : memref<5x24xi32, #tpu.memory_space<smem>>
    %get3A_8 = arith.constant 3 : index
    %get3A_9 = arith.index_cast %arg0 : i32 to index
    %get3A_10 = memref.load %arg1[%get3A_8, %get3A_9] : memref<5x24xi32, #tpu.memory_space<smem>>
    %get3A_11 = arith.constant 4 : index
    %get3A_12 = arith.index_cast %arg0 : i32 to index
    %get3A_13 = memref.load %arg1[%get3A_11, %get3A_12] : memref<5x24xi32, #tpu.memory_space<smem>>
    %jit3A = arith.constant 2 : i32
    %eq3A = arith.constant 0 : i32
    %eq3A_14 = arith.cmpi eq, %jit3A, %eq3A : i32
    %jit3A_15 = arith.constant 1 : i32
    %select_n3A = arith.select %eq3A_14, %jit3A_15, %jit3A : i32
    %rem3A = arith.remsi %arg0, %select_n3A : i32
    %ne3A = arith.constant 0 : i32
    %ne3A_16 = arith.cmpi ne, %rem3A, %ne3A : i32
    %lt3A = arith.constant 0 : i32
    %lt3A_17 = arith.cmpi slt, %rem3A, %lt3A : i32
    %lt3A_18 = arith.constant 0 : i32
    %lt3A_19 = arith.cmpi slt, %select_n3A, %lt3A_18 : i32
    %ne3A_20 = arith.xori %lt3A_17, %lt3A_19 : i1
    %and3A = arith.andi %ne3A_20, %ne3A_16 : i1
    %add3A = arith.addi %rem3A, %select_n3A : i32
    %select_n3A_21 = arith.select %and3A, %add3A, %rem3A : i32
    %eq3A_22 = arith.constant 0 : i32
    %eq3A_23 = arith.cmpi eq, %arg0, %eq3A_22 : i32
    %convert_element_type3A = arith.extui %eq3A_23 : i1 to i32
    %cond3A = arith.constant 0 : i32
    %cond3A_24 = arith.cmpi ne, %convert_element_type3A, %cond3A : i32
    scf.if %cond3A_24 {
      %dma_start3A_127 = arith.constant 0 : i32
      %dma_start3A_128 = tpu.memref_slice %arg11[%get3A_7, %dma_start3A_127] : memref<2x2x!tpu.dma_semaphore, #tpu.memory_space<semaphore_mem>> -> memref<1x1x!tpu.dma_semaphore, #tpu.memory_space<semaphore_mem>>
      %dma_start3A_129 = tpu.memref_squeeze %dma_start3A_128 : memref<1x1x!tpu.dma_semaphore, #tpu.memory_space<semaphore_mem>> -> memref<!tpu.dma_semaphore, #tpu.memory_space<semaphore_mem>>
      %dma_start3A_130 = arith.constant 0 : i32
      %dma_start3A_131 = arith.constant 0 : i32
      %dma_start3A_132 = tpu.memref_slice %arg9[%get3A_7, %dma_start3A_130, %dma_start3A_131] : memref<2x768x1024xf32, #tpu.memory_space<vmem>> -> memref<1x768x1024xf32, #tpu.memory_space<vmem>>
      %dma_start3A_133 = tpu.memref_squeeze %dma_start3A_132 : memref<1x768x1024xf32, #tpu.memory_space<vmem>> -> memref<768x1024xf32, #tpu.memory_space<vmem>>
      %dma_start3A_134 = arith.constant 0 : i32
      %dma_start3A_135 = arith.constant 0 : i32
      %dma_start3A_136 = tpu.memref_slice %arg3[%get3A_1, %dma_start3A_134, %dma_start3A_135] : memref<8x768x1024xf32, #tpu.memory_space<hbm>> -> memref<1x768x1024xf32, #tpu.memory_space<hbm>>
      %dma_start3A_137 = tpu.memref_squeeze %dma_start3A_136 : memref<1x768x1024xf32, #tpu.memory_space<hbm>> -> memref<768x1024xf32, #tpu.memory_space<hbm>>
      tpu.enqueue_dma source(%dma_start3A_137 : memref<768x1024xf32, #tpu.memory_space<hbm>>) target(%dma_start3A_133 : memref<768x1024xf32, #tpu.memory_space<vmem>>) target_semaphore(%dma_start3A_129 : memref<!tpu.dma_semaphore, #tpu.memory_space<semaphore_mem>>)
      %dma_start3A_138 = arith.constant 1 : i32
      %dma_start3A_139 = tpu.memref_slice %arg11[%get3A_7, %dma_start3A_138] : memref<2x2x!tpu.dma_semaphore, #tpu.memory_space<semaphore_mem>> -> memref<1x1x!tpu.dma_semaphore, #tpu.memory_space<semaphore_mem>>
      %dma_start3A_140 = tpu.memref_squeeze %dma_start3A_139 : memref<1x1x!tpu.dma_semaphore, #tpu.memory_space<semaphore_mem>> -> memref<!tpu.dma_semaphore, #tpu.memory_space<semaphore_mem>>
      %dma_start3A_141 = arith.constant 0 : i32
      %dma_start3A_142 = arith.constant 0 : i32
      %dma_start3A_143 = tpu.memref_slice %arg10[%get3A_7, %dma_start3A_141, %dma_start3A_142] : memref<2x1024x768xf32, #tpu.memory_space<vmem>> -> memref<1x1024x768xf32, #tpu.memory_space<vmem>>
      %dma_start3A_144 = tpu.memref_squeeze %dma_start3A_143 : memref<1x1024x768xf32, #tpu.memory_space<vmem>> -> memref<1024x768xf32, #tpu.memory_space<vmem>>
      %dma_start3A_145 = arith.constant 0 : i32
      %dma_start3A_146 = arith.constant 0 : i32
      %dma_start3A_147 = tpu.memref_slice %arg5[%get3A_1, %dma_start3A_145, %dma_start3A_146] : memref<8x1024x768xf32, #tpu.memory_space<hbm>> -> memref<1x1024x768xf32, #tpu.memory_space<hbm>>
      %dma_start3A_148 = tpu.memref_squeeze %dma_start3A_147 : memref<1x1024x768xf32, #tpu.memory_space<hbm>> -> memref<1024x768xf32, #tpu.memory_space<hbm>>
      tpu.enqueue_dma source(%dma_start3A_148 : memref<1024x768xf32, #tpu.memory_space<hbm>>) target(%dma_start3A_144 : memref<1024x768xf32, #tpu.memory_space<vmem>>) target_semaphore(%dma_start3A_140 : memref<!tpu.dma_semaphore, #tpu.memory_space<semaphore_mem>>)
      %dma_start3A_149 = arith.constant 0 : i32
      %dma_start3A_150 = arith.constant 0 : i32
      %dma_start3A_151 = arith.constant 0 : i32
      %dma_start3A_152 = tpu.memref_slice %arg15[%dma_start3A_150, %dma_start3A_151] : memref<2x2x!tpu.dma_semaphore, #tpu.memory_space<semaphore_mem>> -> memref<1x1x!tpu.dma_semaphore, #tpu.memory_space<semaphore_mem>>
      %dma_start3A_153 = tpu.memref_squeeze %dma_start3A_152 : memref<1x1x!tpu.dma_semaphore, #tpu.memory_space<semaphore_mem>> -> memref<!tpu.dma_semaphore, #tpu.memory_space<semaphore_mem>>
      %dma_start3A_154 = arith.constant 0 : i32
      %dma_start3A_155 = arith.constant 0 : i32
      %dma_start3A_156 = tpu.memref_slice %arg12[%dma_start3A_149, %dma_start3A_154, %dma_start3A_155] : memref<2x256x768xf32, #tpu.memory_space<vmem>> -> memref<1x256x768xf32, #tpu.memory_space<vmem>>
      %dma_start3A_157 = tpu.memref_squeeze %dma_start3A_156 : memref<1x256x768xf32, #tpu.memory_space<vmem>> -> memref<256x768xf32, #tpu.memory_space<vmem>>
      %dma_start3A_158 = arith.constant 0 : i32
      %dma_start3A_159 = arith.constant 0 : i32
      %dma_start3A_160 = tpu.memref_slice %arg2[%dma_start3A_158, %dma_start3A_159] : memref<6144x768xf32, #tpu.memory_space<hbm>> -> memref<256x768xf32, #tpu.memory_space<hbm>>
      tpu.enqueue_dma source(%dma_start3A_160 : memref<256x768xf32, #tpu.memory_space<hbm>>) target(%dma_start3A_157 : memref<256x768xf32, #tpu.memory_space<vmem>>) target_semaphore(%dma_start3A_153 : memref<!tpu.dma_semaphore, #tpu.memory_space<semaphore_mem>>)
      %dma_start3A_161 = arith.constant 0 : i32
      %dma_start3A_162 = arith.constant 0 : i32
      %dma_start3A_163 = arith.constant 1 : i32
      %dma_start3A_164 = tpu.memref_slice %arg15[%dma_start3A_162, %dma_start3A_163] : memref<2x2x!tpu.dma_semaphore, #tpu.memory_space<semaphore_mem>> -> memref<1x1x!tpu.dma_semaphore, #tpu.memory_space<semaphore_mem>>
      %dma_start3A_165 = tpu.memref_squeeze %dma_start3A_164 : memref<1x1x!tpu.dma_semaphore, #tpu.memory_space<semaphore_mem>> -> memref<!tpu.dma_semaphore, #tpu.memory_space<semaphore_mem>>
      %dma_start3A_166 = arith.constant 0 : i32
      %dma_start3A_167 = arith.constant 0 : i32
      %dma_start3A_168 = tpu.memref_slice %arg13[%dma_start3A_161, %dma_start3A_166, %dma_start3A_167] : memref<2x256x128xf32, #tpu.memory_space<vmem>> -> memref<1x256x128xf32, #tpu.memory_space<vmem>>
      %dma_start3A_169 = tpu.memref_squeeze %dma_start3A_168 : memref<1x256x128xf32, #tpu.memory_space<vmem>> -> memref<256x128xf32, #tpu.memory_space<vmem>>
      %dma_start3A_170 = arith.constant 0 : i32
      %dma_start3A_171 = arith.constant 0 : i32
      %dma_start3A_172 = tpu.memref_slice %arg7[%dma_start3A_170, %dma_start3A_171] : memref<6144x128xf32, #tpu.memory_space<hbm>> -> memref<256x128xf32, #tpu.memory_space<hbm>>
      tpu.enqueue_dma source(%dma_start3A_172 : memref<256x128xf32, #tpu.memory_space<hbm>>) target(%dma_start3A_169 : memref<256x128xf32, #tpu.memory_space<vmem>>) target_semaphore(%dma_start3A_165 : memref<!tpu.dma_semaphore, #tpu.memory_space<semaphore_mem>>)
    } else {
    }
    %add3A_25 = arith.constant 1 : i32
    %add3A_26 = arith.addi %arg0, %add3A_25 : i32
    %lt3A_27 = arith.constant 24 : i32
    %lt3A_28 = arith.cmpi slt, %add3A_26, %lt3A_27 : i32
    %convert_element_type3A_29 = arith.extui %lt3A_28 : i1 to i32
    %cond3A_30 = arith.constant 0 : i32
    %cond3A_31 = arith.cmpi ne, %convert_element_type3A_29, %cond3A_30 : i32
    scf.if %cond3A_31 {
      %add3A_127 = arith.constant 1 : i32
      %add3A_128 = arith.addi %arg0, %add3A_127 : i32
      %jit3A_129 = arith.constant 2 : i32
      %eq3A_130 = arith.constant 0 : i32
      %eq3A_131 = arith.cmpi eq, %jit3A_129, %eq3A_130 : i32
      %jit3A_132 = arith.constant 1 : i32
      %select_n3A_133 = arith.select %eq3A_131, %jit3A_132, %jit3A_129 : i32
      %rem3A_134 = arith.remsi %add3A_128, %select_n3A_133 : i32
      %ne3A_135 = arith.constant 0 : i32
      %ne3A_136 = arith.cmpi ne, %rem3A_134, %ne3A_135 : i32
      %lt3A_137 = arith.constant 0 : i32
      %lt3A_138 = arith.cmpi slt, %rem3A_134, %lt3A_137 : i32
      %lt3A_139 = arith.constant 0 : i32
      %lt3A_140 = arith.cmpi slt, %select_n3A_133, %lt3A_139 : i32
      %ne3A_141 = arith.xori %lt3A_138, %lt3A_140 : i1
      %and3A_142 = arith.andi %ne3A_141, %ne3A_136 : i1
      %add3A_143 = arith.addi %rem3A_134, %select_n3A_133 : i32
      %select_n3A_144 = arith.select %and3A_142, %add3A_143, %rem3A_134 : i32
      %add3A_145 = arith.constant 1 : i32
      %add3A_146 = arith.addi %arg0, %add3A_145 : i32
      %mul3A_147 = arith.constant 256 : i32
      %mul3A_148 = arith.muli %add3A_146, %mul3A_147 : i32
      %dma_start3A_149 = arith.constant 0 : i32
      %dma_start3A_150 = tpu.memref_slice %arg15[%select_n3A_144, %dma_start3A_149] : memref<2x2x!tpu.dma_semaphore, #tpu.memory_space<semaphore_mem>> -> memref<1x1x!tpu.dma_semaphore, #tpu.memory_space<semaphore_mem>>
      %dma_start3A_151 = tpu.memref_squeeze %dma_start3A_150 : memref<1x1x!tpu.dma_semaphore, #tpu.memory_space<semaphore_mem>> -> memref<!tpu.dma_semaphore, #tpu.memory_space<semaphore_mem>>
      %dma_start3A_152 = arith.constant 0 : i32
      %dma_start3A_153 = arith.constant 0 : i32
      %dma_start3A_154 = tpu.memref_slice %arg12[%select_n3A_144, %dma_start3A_152, %dma_start3A_153] : memref<2x256x768xf32, #tpu.memory_space<vmem>> -> memref<1x256x768xf32, #tpu.memory_space<vmem>>
      %dma_start3A_155 = tpu.memref_squeeze %dma_start3A_154 : memref<1x256x768xf32, #tpu.memory_space<vmem>> -> memref<256x768xf32, #tpu.memory_space<vmem>>
      %dma_start3A_156 = arith.constant 0 : i32
      %dma_start3A_157 = tpu.memref_slice %arg2[%mul3A_148, %dma_start3A_156] : memref<6144x768xf32, #tpu.memory_space<hbm>> -> memref<256x768xf32, #tpu.memory_space<hbm>>
      tpu.enqueue_dma source(%dma_start3A_157 : memref<256x768xf32, #tpu.memory_space<hbm>>) target(%dma_start3A_155 : memref<256x768xf32, #tpu.memory_space<vmem>>) target_semaphore(%dma_start3A_151 : memref<!tpu.dma_semaphore, #tpu.memory_space<semaphore_mem>>)
      %mul3A_158 = arith.constant 256 : i32
      %mul3A_159 = arith.muli %add3A_146, %mul3A_158 : i32
      %dma_start3A_160 = arith.constant 1 : i32
      %dma_start3A_161 = tpu.memref_slice %arg15[%select_n3A_144, %dma_start3A_160] : memref<2x2x!tpu.dma_semaphore, #tpu.memory_space<semaphore_mem>> -> memref<1x1x!tpu.dma_semaphore, #tpu.memory_space<semaphore_mem>>
      %dma_start3A_162 = tpu.memref_squeeze %dma_start3A_161 : memref<1x1x!tpu.dma_semaphore, #tpu.memory_space<semaphore_mem>> -> memref<!tpu.dma_semaphore, #tpu.memory_space<semaphore_mem>>
      %dma_start3A_163 = arith.constant 0 : i32
      %dma_start3A_164 = arith.constant 0 : i32
      %dma_start3A_165 = tpu.memref_slice %arg13[%select_n3A_144, %dma_start3A_163, %dma_start3A_164] : memref<2x256x128xf32, #tpu.memory_space<vmem>> -> memref<1x256x128xf32, #tpu.memory_space<vmem>>
      %dma_start3A_166 = tpu.memref_squeeze %dma_start3A_165 : memref<1x256x128xf32, #tpu.memory_space<vmem>> -> memref<256x128xf32, #tpu.memory_space<vmem>>
      %dma_start3A_167 = arith.constant 0 : i32
      %dma_start3A_168 = tpu.memref_slice %arg7[%mul3A_159, %dma_start3A_167] : memref<6144x128xf32, #tpu.memory_space<hbm>> -> memref<256x128xf32, #tpu.memory_space<hbm>>
      tpu.enqueue_dma source(%dma_start3A_168 : memref<256x128xf32, #tpu.memory_space<hbm>>) target(%dma_start3A_166 : memref<256x128xf32, #tpu.memory_space<vmem>>) target_semaphore(%dma_start3A_162 : memref<!tpu.dma_semaphore, #tpu.memory_space<semaphore_mem>>)
    } else {
    }
    %eq3A_32 = arith.constant 1 : i32
    %eq3A_33 = arith.cmpi eq, %get3A_4, %eq3A_32 : i32
    %convert_element_type3A_34 = arith.extui %eq3A_33 : i1 to i32
    %cond3A_35 = arith.constant 0 : i32
    %cond3A_36 = arith.cmpi ne, %convert_element_type3A_34, %cond3A_35 : i32
    scf.if %cond3A_36 {
      %dma_wait3A_127 = arith.constant 0 : i32
      %dma_wait3A_128 = tpu.memref_slice %arg11[%get3A_7, %dma_wait3A_127] : memref<2x2x!tpu.dma_semaphore, #tpu.memory_space<semaphore_mem>> -> memref<1x1x!tpu.dma_semaphore, #tpu.memory_space<semaphore_mem>>
      %dma_wait3A_129 = tpu.memref_squeeze %dma_wait3A_128 : memref<1x1x!tpu.dma_semaphore, #tpu.memory_space<semaphore_mem>> -> memref<!tpu.dma_semaphore, #tpu.memory_space<semaphore_mem>>
      %dma_wait3A_130 = arith.constant 0 : i32
      %dma_wait3A_131 = arith.constant 0 : i32
      %dma_wait3A_132 = tpu.memref_slice %arg9[%get3A_7, %dma_wait3A_130, %dma_wait3A_131] : memref<2x768x1024xf32, #tpu.memory_space<vmem>> -> memref<1x768x1024xf32, #tpu.memory_space<vmem>>
      %dma_wait3A_133 = tpu.memref_squeeze %dma_wait3A_132 : memref<1x768x1024xf32, #tpu.memory_space<vmem>> -> memref<768x1024xf32, #tpu.memory_space<vmem>>
      %dma_wait3A_134 = arith.constant 0 : i32
      %dma_wait3A_135 = arith.constant 0 : i32
      %dma_wait3A_136 = tpu.memref_slice %arg3[%get3A_1, %dma_wait3A_134, %dma_wait3A_135] : memref<8x768x1024xf32, #tpu.memory_space<hbm>> -> memref<1x768x1024xf32, #tpu.memory_space<hbm>>
      %dma_wait3A_137 = tpu.memref_squeeze %dma_wait3A_136 : memref<1x768x1024xf32, #tpu.memory_space<hbm>> -> memref<768x1024xf32, #tpu.memory_space<hbm>>
      tpu.wait_dma2 semaphore(%dma_wait3A_129 : memref<!tpu.dma_semaphore, #tpu.memory_space<semaphore_mem>>) src(%dma_wait3A_137 : memref<768x1024xf32, #tpu.memory_space<hbm>>) dst(%dma_wait3A_133 : memref<768x1024xf32, #tpu.memory_space<vmem>>)
      %dma_wait3A_138 = arith.constant 1 : i32
      %dma_wait3A_139 = tpu.memref_slice %arg11[%get3A_7, %dma_wait3A_138] : memref<2x2x!tpu.dma_semaphore, #tpu.memory_space<semaphore_mem>> -> memref<1x1x!tpu.dma_semaphore, #tpu.memory_space<semaphore_mem>>
      %dma_wait3A_140 = tpu.memref_squeeze %dma_wait3A_139 : memref<1x1x!tpu.dma_semaphore, #tpu.memory_space<semaphore_mem>> -> memref<!tpu.dma_semaphore, #tpu.memory_space<semaphore_mem>>
      %dma_wait3A_141 = arith.constant 0 : i32
      %dma_wait3A_142 = arith.constant 0 : i32
      %dma_wait3A_143 = tpu.memref_slice %arg10[%get3A_7, %dma_wait3A_141, %dma_wait3A_142] : memref<2x1024x768xf32, #tpu.memory_space<vmem>> -> memref<1x1024x768xf32, #tpu.memory_space<vmem>>
      %dma_wait3A_144 = tpu.memref_squeeze %dma_wait3A_143 : memref<1x1024x768xf32, #tpu.memory_space<vmem>> -> memref<1024x768xf32, #tpu.memory_space<vmem>>
      %dma_wait3A_145 = arith.constant 0 : i32
      %dma_wait3A_146 = arith.constant 0 : i32
      %dma_wait3A_147 = tpu.memref_slice %arg5[%get3A_1, %dma_wait3A_145, %dma_wait3A_146] : memref<8x1024x768xf32, #tpu.memory_space<hbm>> -> memref<1x1024x768xf32, #tpu.memory_space<hbm>>
      %dma_wait3A_148 = tpu.memref_squeeze %dma_wait3A_147 : memref<1x1024x768xf32, #tpu.memory_space<hbm>> -> memref<1024x768xf32, #tpu.memory_space<hbm>>
      tpu.wait_dma2 semaphore(%dma_wait3A_140 : memref<!tpu.dma_semaphore, #tpu.memory_space<semaphore_mem>>) src(%dma_wait3A_148 : memref<1024x768xf32, #tpu.memory_space<hbm>>) dst(%dma_wait3A_144 : memref<1024x768xf32, #tpu.memory_space<vmem>>)
      %eq3A_149 = arith.constant 1 : i32
      %eq3A_150 = arith.cmpi eq, %get3A_13, %eq3A_149 : i32
      %convert_element_type3A_151 = arith.extui %eq3A_150 : i1 to i32
      %cond3A_152 = arith.constant 0 : i32
      %cond3A_153 = arith.cmpi ne, %convert_element_type3A_151, %cond3A_152 : i32
      scf.if %cond3A_153 {
        %sub3A = arith.constant 1 : i32
        %sub3A_154 = arith.subi %sub3A, %get3A_7 : i32
        %dma_start3A_155 = arith.constant 0 : i32
        %dma_start3A_156 = tpu.memref_slice %arg11[%sub3A_154, %dma_start3A_155] : memref<2x2x!tpu.dma_semaphore, #tpu.memory_space<semaphore_mem>> -> memref<1x1x!tpu.dma_semaphore, #tpu.memory_space<semaphore_mem>>
        %dma_start3A_157 = tpu.memref_squeeze %dma_start3A_156 : memref<1x1x!tpu.dma_semaphore, #tpu.memory_space<semaphore_mem>> -> memref<!tpu.dma_semaphore, #tpu.memory_space<semaphore_mem>>
        %dma_start3A_158 = arith.constant 0 : i32
        %dma_start3A_159 = arith.constant 0 : i32
        %dma_start3A_160 = tpu.memref_slice %arg9[%sub3A_154, %dma_start3A_158, %dma_start3A_159] : memref<2x768x1024xf32, #tpu.memory_space<vmem>> -> memref<1x768x1024xf32, #tpu.memory_space<vmem>>
        %dma_start3A_161 = tpu.memref_squeeze %dma_start3A_160 : memref<1x768x1024xf32, #tpu.memory_space<vmem>> -> memref<768x1024xf32, #tpu.memory_space<vmem>>
        %dma_start3A_162 = arith.constant 0 : i32
        %dma_start3A_163 = arith.constant 0 : i32
        %dma_start3A_164 = tpu.memref_slice %arg3[%get3A_10, %dma_start3A_162, %dma_start3A_163] : memref<8x768x1024xf32, #tpu.memory_space<hbm>> -> memref<1x768x1024xf32, #tpu.memory_space<hbm>>
        %dma_start3A_165 = tpu.memref_squeeze %dma_start3A_164 : memref<1x768x1024xf32, #tpu.memory_space<hbm>> -> memref<768x1024xf32, #tpu.memory_space<hbm>>
        tpu.enqueue_dma source(%dma_start3A_165 : memref<768x1024xf32, #tpu.memory_space<hbm>>) target(%dma_start3A_161 : memref<768x1024xf32, #tpu.memory_space<vmem>>) target_semaphore(%dma_start3A_157 : memref<!tpu.dma_semaphore, #tpu.memory_space<semaphore_mem>>)
        %dma_start3A_166 = arith.constant 1 : i32
        %dma_start3A_167 = tpu.memref_slice %arg11[%sub3A_154, %dma_start3A_166] : memref<2x2x!tpu.dma_semaphore, #tpu.memory_space<semaphore_mem>> -> memref<1x1x!tpu.dma_semaphore, #tpu.memory_space<semaphore_mem>>
        %dma_start3A_168 = tpu.memref_squeeze %dma_start3A_167 : memref<1x1x!tpu.dma_semaphore, #tpu.memory_space<semaphore_mem>> -> memref<!tpu.dma_semaphore, #tpu.memory_space<semaphore_mem>>
        %dma_start3A_169 = arith.constant 0 : i32
        %dma_start3A_170 = arith.constant 0 : i32
        %dma_start3A_171 = tpu.memref_slice %arg10[%sub3A_154, %dma_start3A_169, %dma_start3A_170] : memref<2x1024x768xf32, #tpu.memory_space<vmem>> -> memref<1x1024x768xf32, #tpu.memory_space<vmem>>
        %dma_start3A_172 = tpu.memref_squeeze %dma_start3A_171 : memref<1x1024x768xf32, #tpu.memory_space<vmem>> -> memref<1024x768xf32, #tpu.memory_space<vmem>>
        %dma_start3A_173 = arith.constant 0 : i32
        %dma_start3A_174 = arith.constant 0 : i32
        %dma_start3A_175 = tpu.memref_slice %arg5[%get3A_10, %dma_start3A_173, %dma_start3A_174] : memref<8x1024x768xf32, #tpu.memory_space<hbm>> -> memref<1x1024x768xf32, #tpu.memory_space<hbm>>
        %dma_start3A_176 = tpu.memref_squeeze %dma_start3A_175 : memref<1x1024x768xf32, #tpu.memory_space<hbm>> -> memref<1024x768xf32, #tpu.memory_space<hbm>>
        tpu.enqueue_dma source(%dma_start3A_176 : memref<1024x768xf32, #tpu.memory_space<hbm>>) target(%dma_start3A_172 : memref<1024x768xf32, #tpu.memory_space<vmem>>) target_semaphore(%dma_start3A_168 : memref<!tpu.dma_semaphore, #tpu.memory_space<semaphore_mem>>)
      } else {
      }
    } else {
    }
    %dma_wait3A = arith.constant 0 : i32
    %dma_wait3A_37 = tpu.memref_slice %arg15[%select_n3A_21, %dma_wait3A] : memref<2x2x!tpu.dma_semaphore, #tpu.memory_space<semaphore_mem>> -> memref<1x1x!tpu.dma_semaphore, #tpu.memory_space<semaphore_mem>>
    %dma_wait3A_38 = tpu.memref_squeeze %dma_wait3A_37 : memref<1x1x!tpu.dma_semaphore, #tpu.memory_space<semaphore_mem>> -> memref<!tpu.dma_semaphore, #tpu.memory_space<semaphore_mem>>
    %dma_wait3A_39 = arith.constant 0 : i32
    %dma_wait3A_40 = arith.constant 0 : i32
    %dma_wait3A_41 = tpu.memref_slice %arg12[%select_n3A_21, %dma_wait3A_39, %dma_wait3A_40] : memref<2x256x768xf32, #tpu.memory_space<vmem>> -> memref<1x256x768xf32, #tpu.memory_space<vmem>>
    %dma_wait3A_42 = tpu.memref_squeeze %dma_wait3A_41 : memref<1x256x768xf32, #tpu.memory_space<vmem>> -> memref<256x768xf32, #tpu.memory_space<vmem>>
    %dma_wait3A_43 = arith.constant 0 : i32
    %dma_wait3A_44 = arith.constant 0 : i32
    %dma_wait3A_45 = tpu.memref_slice %arg2[%dma_wait3A_43, %dma_wait3A_44] : memref<6144x768xf32, #tpu.memory_space<hbm>> -> memref<256x768xf32, #tpu.memory_space<hbm>>
    tpu.wait_dma2 semaphore(%dma_wait3A_38 : memref<!tpu.dma_semaphore, #tpu.memory_space<semaphore_mem>>) src(%dma_wait3A_45 : memref<256x768xf32, #tpu.memory_space<hbm>>) dst(%dma_wait3A_42 : memref<256x768xf32, #tpu.memory_space<vmem>>)
    %dma_wait3A_46 = arith.constant 1 : i32
    %dma_wait3A_47 = tpu.memref_slice %arg15[%select_n3A_21, %dma_wait3A_46] : memref<2x2x!tpu.dma_semaphore, #tpu.memory_space<semaphore_mem>> -> memref<1x1x!tpu.dma_semaphore, #tpu.memory_space<semaphore_mem>>
    %dma_wait3A_48 = tpu.memref_squeeze %dma_wait3A_47 : memref<1x1x!tpu.dma_semaphore, #tpu.memory_space<semaphore_mem>> -> memref<!tpu.dma_semaphore, #tpu.memory_space<semaphore_mem>>
    %dma_wait3A_49 = arith.constant 0 : i32
    %dma_wait3A_50 = arith.constant 0 : i32
    %dma_wait3A_51 = tpu.memref_slice %arg13[%select_n3A_21, %dma_wait3A_49, %dma_wait3A_50] : memref<2x256x128xf32, #tpu.memory_space<vmem>> -> memref<1x256x128xf32, #tpu.memory_space<vmem>>
    %dma_wait3A_52 = tpu.memref_squeeze %dma_wait3A_51 : memref<1x256x128xf32, #tpu.memory_space<vmem>> -> memref<256x128xf32, #tpu.memory_space<vmem>>
    %dma_wait3A_53 = arith.constant 0 : i32
    %dma_wait3A_54 = arith.constant 0 : i32
    %dma_wait3A_55 = tpu.memref_slice %arg7[%dma_wait3A_53, %dma_wait3A_54] : memref<6144x128xf32, #tpu.memory_space<hbm>> -> memref<256x128xf32, #tpu.memory_space<hbm>>
    tpu.wait_dma2 semaphore(%dma_wait3A_48 : memref<!tpu.dma_semaphore, #tpu.memory_space<semaphore_mem>>) src(%dma_wait3A_55 : memref<256x128xf32, #tpu.memory_space<hbm>>) dst(%dma_wait3A_52 : memref<256x128xf32, #tpu.memory_space<vmem>>)
    %ge3A = arith.constant 2 : i32
    %ge3A_56 = arith.cmpi sge, %arg0, %ge3A : i32
    %convert_element_type3A_57 = arith.extui %ge3A_56 : i1 to i32
    %cond3A_58 = arith.constant 0 : i32
    %cond3A_59 = arith.cmpi ne, %convert_element_type3A_57, %cond3A_58 : i32
    scf.if %cond3A_59 {
      %dma_wait3A_127 = tpu.memref_slice %arg16[%select_n3A_21] : memref<2x!tpu.dma_semaphore, #tpu.memory_space<semaphore_mem>> -> memref<1x!tpu.dma_semaphore, #tpu.memory_space<semaphore_mem>>
      %dma_wait3A_128 = tpu.memref_squeeze %dma_wait3A_127 : memref<1x!tpu.dma_semaphore, #tpu.memory_space<semaphore_mem>> -> memref<!tpu.dma_semaphore, #tpu.memory_space<semaphore_mem>>
      %dma_wait3A_129 = arith.constant 0 : i32
      %dma_wait3A_130 = arith.constant 0 : i32
      %dma_wait3A_131 = tpu.memref_slice %arg8[%dma_wait3A_129, %dma_wait3A_130] : memref<6144x768xf32, #tpu.memory_space<hbm>> -> memref<256x768xf32, #tpu.memory_space<hbm>>
      %dma_wait3A_132 = arith.constant 0 : i32
      %dma_wait3A_133 = arith.constant 0 : i32
      %dma_wait3A_134 = tpu.memref_slice %arg14[%select_n3A_21, %dma_wait3A_132, %dma_wait3A_133] : memref<2x256x768xf32, #tpu.memory_space<vmem>> -> memref<1x256x768xf32, #tpu.memory_space<vmem>>
      %dma_wait3A_135 = tpu.memref_squeeze %dma_wait3A_134 : memref<1x256x768xf32, #tpu.memory_space<vmem>> -> memref<256x768xf32, #tpu.memory_space<vmem>>
      tpu.wait_dma2 semaphore(%dma_wait3A_128 : memref<!tpu.dma_semaphore, #tpu.memory_space<semaphore_mem>>) src(%dma_wait3A_135 : memref<256x768xf32, #tpu.memory_space<vmem>>) dst(%dma_wait3A_131 : memref<256x768xf32, #tpu.memory_space<hbm>>)
    } else {
    }
    %get3A_60 = arith.index_cast %select_n3A_21 : i32 to index
    %get3A_61 = arith.constant 0 : index
    %get3A_62 = arith.constant 0 : index
    %get3A_63 = vector.load %arg12[%get3A_60, %get3A_61, %get3A_62] : memref<2x256x768xf32, #tpu.memory_space<vmem>>, vector<1x256x768xf32>
    %get3A_64 = vector.shape_cast %get3A_63 : vector<1x256x768xf32> to vector<256x768xf32>
    %get3A_65 = arith.index_cast %get3A_7 : i32 to index
    %get3A_66 = arith.constant 0 : index
    %get3A_67 = arith.constant 0 : index
    %get3A_68 = vector.load %arg9[%get3A_65, %get3A_66, %get3A_67] : memref<2x768x1024xf32, #tpu.memory_space<vmem>>, vector<1x768x1024xf32>
    %get3A_69 = vector.shape_cast %get3A_68 : vector<1x768x1024xf32> to vector<768x1024xf32>
    %dot_general3A = arith.constant dense<0.000000e+00> : vector<256x1024xf32>
    %dot_general3A_70 = tpu.matmul %get3A_64, %get3A_69, %dot_general3A {dimension_numbers = #tpu.dot_dimension_numbers<[1], [0], [0], [1], [0, 0, 1, 1], [], []>, transpose_lhs_hint = false} : vector<256x768xf32>, vector<768x1024xf32>, vector<256x1024xf32> -> vector<256x1024xf32>
    %get3A_71 = arith.index_cast %get3A_1 : i32 to index
    %get3A_72 = arith.constant 0 : index
    %get3A_73 = arith.constant 0 : index
    %get3A_74 = vector.load %arg4[%get3A_71, %get3A_72, %get3A_73] : memref<8x1x1024xf32, #tpu.memory_space<vmem>>, vector<1x1x1024xf32>
    %get3A_75 = vector.shape_cast %get3A_74 : vector<1x1x1024xf32> to vector<1x1024xf32>
    %add3A_76 = vector.broadcast %get3A_75 : vector<1x1024xf32> to vector<256x1024xf32>
    %add3A_77 = arith.addf %dot_general3A_70, %add3A_76 : vector<256x1024xf32>
    %mul3A = arith.constant 5.000000e-01 : f32
    %mul3A_78 = vector.broadcast %mul3A : f32 to vector<256x1024xf32>
    %mul3A_79 = arith.mulf %mul3A_78, %add3A_77 : vector<256x1024xf32>
    %mul3A_80 = arith.constant 0.707106769 : f32
    %mul3A_81 = vector.broadcast %mul3A_80 : f32 to vector<256x1024xf32>
    %mul3A_82 = arith.mulf %add3A_77, %mul3A_81 : vector<256x1024xf32>
    %erf3A = math.erf %mul3A_82 : vector<256x1024xf32>
    %add3A_83 = arith.constant 1.000000e+00 : f32
    %add3A_84 = vector.broadcast %add3A_83 : f32 to vector<256x1024xf32>
    %add3A_85 = arith.addf %add3A_84, %erf3A : vector<256x1024xf32>
    %mul3A_86 = arith.mulf %mul3A_79, %add3A_85 : vector<256x1024xf32>
    %get3A_87 = arith.index_cast %get3A_7 : i32 to index
    %get3A_88 = arith.constant 0 : index
    %get3A_89 = arith.constant 0 : index
    %get3A_90 = vector.load %arg10[%get3A_87, %get3A_88, %get3A_89] : memref<2x1024x768xf32, #tpu.memory_space<vmem>>, vector<1x1024x768xf32>
    %get3A_91 = vector.shape_cast %get3A_90 : vector<1x1024x768xf32> to vector<1024x768xf32>
    %dot_general3A_92 = arith.constant dense<0.000000e+00> : vector<256x768xf32>
    %dot_general3A_93 = tpu.matmul %mul3A_86, %get3A_91, %dot_general3A_92 {dimension_numbers = #tpu.dot_dimension_numbers<[1], [0], [0], [1], [0, 0, 1, 1], [], []>, transpose_lhs_hint = false} : vector<256x1024xf32>, vector<1024x768xf32>, vector<256x768xf32> -> vector<256x768xf32>
    %get3A_94 = arith.index_cast %get3A_1 : i32 to index
    %get3A_95 = arith.constant 0 : index
    %get3A_96 = arith.constant 0 : index
    %get3A_97 = vector.load %arg6[%get3A_94, %get3A_95, %get3A_96] : memref<8x1x768xf32, #tpu.memory_space<vmem>>, vector<1x1x768xf32>
    %get3A_98 = vector.shape_cast %get3A_97 : vector<1x1x768xf32> to vector<1x768xf32>
    %add3A_99 = vector.broadcast %get3A_98 : vector<1x768xf32> to vector<256x768xf32>
    %add3A_100 = arith.addf %dot_general3A_93, %add3A_99 : vector<256x768xf32>
    %get3A_101 = arith.index_cast %select_n3A_21 : i32 to index
    %get3A_102 = arith.constant 0 : index
    %get3A_103 = arith.constant 0 : index
    %get3A_104 = vector.load %arg13[%get3A_101, %get3A_102, %get3A_103] : memref<2x256x128xf32, #tpu.memory_space<vmem>>, vector<1x256x128xf32>
    %get3A_105 = vector.shape_cast %get3A_104 : vector<1x256x128xf32> to vector<256x128xf32>
    %slice3A = vector.extract_strided_slice %get3A_105 {offsets = [0, 0], sizes = [256, 1], strides = [1, 1]} : vector<256x128xf32> to vector<256x1xf32>
    %mul3A_106 = vector.broadcast %slice3A : vector<256x1xf32> to vector<256x768xf32>
    %mul3A_107 = arith.mulf %add3A_100, %mul3A_106 : vector<256x768xf32>
    %swap3A = arith.index_cast %select_n3A_21 : i32 to index
    %swap3A_108 = arith.constant 0 : index
    %swap3A_109 = arith.constant 0 : index
    %swap3A_110 = vector.load %arg14[%swap3A, %swap3A_108, %swap3A_109] : memref<2x256x768xf32, #tpu.memory_space<vmem>>, vector<1x256x768xf32>
    %swap3A_111 = vector.shape_cast %swap3A_110 : vector<1x256x768xf32> to vector<256x768xf32>
    %swap3A_112 = vector.shape_cast %mul3A_107 : vector<256x768xf32> to vector<1x256x768xf32>
    tpu.vector_store %arg14[%swap3A, %swap3A_108, %swap3A_109], %swap3A_112 {strides = array<i32>} : memref<2x256x768xf32, #tpu.memory_space<vmem>>, vector<1x256x768xf32>,
    %mul3A_113 = arith.constant 256 : i32
    %mul3A_114 = arith.muli %arg0, %mul3A_113 : i32
    %dma_start3A = tpu.memref_slice %arg16[%select_n3A_21] : memref<2x!tpu.dma_semaphore, #tpu.memory_space<semaphore_mem>> -> memref<1x!tpu.dma_semaphore, #tpu.memory_space<semaphore_mem>>
    %dma_start3A_115 = tpu.memref_squeeze %dma_start3A : memref<1x!tpu.dma_semaphore, #tpu.memory_space<semaphore_mem>> -> memref<!tpu.dma_semaphore, #tpu.memory_space<semaphore_mem>>
    %dma_start3A_116 = arith.constant 0 : i32
    %dma_start3A_117 = tpu.memref_slice %arg8[%mul3A_114, %dma_start3A_116] : memref<6144x768xf32, #tpu.memory_space<hbm>> -> memref<256x768xf32, #tpu.memory_space<hbm>>
    %dma_start3A_118 = arith.constant 0 : i32
    %dma_start3A_119 = arith.constant 0 : i32
    %dma_start3A_120 = tpu.memref_slice %arg14[%select_n3A_21, %dma_start3A_118, %dma_start3A_119] : memref<2x256x768xf32, #tpu.memory_space<vmem>> -> memref<1x256x768xf32, #tpu.memory_space<vmem>>
    %dma_start3A_121 = tpu.memref_squeeze %dma_start3A_120 : memref<1x256x768xf32, #tpu.memory_space<vmem>> -> memref<256x768xf32, #tpu.memory_space<vmem>>
    tpu.enqueue_dma source(%dma_start3A_121 : memref<256x768xf32, #tpu.memory_space<vmem>>) target(%dma_start3A_117 : memref<256x768xf32, #tpu.memory_space<hbm>>) target_semaphore(%dma_start3A_115 : memref<!tpu.dma_semaphore, #tpu.memory_space<semaphore_mem>>)
    %eq3A_122 = arith.constant 23 : i32
    %eq3A_123 = arith.cmpi eq, %arg0, %eq3A_122 : i32
    %convert_element_type3A_124 = arith.extui %eq3A_123 : i1 to i32
    %cond3A_125 = arith.constant 0 : i32
    %cond3A_126 = arith.cmpi ne, %convert_element_type3A_124, %cond3A_125 : i32
    scf.if %cond3A_126 {
      %sub3A = arith.constant 1 : i32
      %sub3A_127 = arith.subi %sub3A, %select_n3A_21 : i32
      %dma_wait3A_128 = tpu.memref_slice %arg16[%sub3A_127] : memref<2x!tpu.dma_semaphore, #tpu.memory_space<semaphore_mem>> -> memref<1x!tpu.dma_semaphore, #tpu.memory_space<semaphore_mem>>
      %dma_wait3A_129 = tpu.memref_squeeze %dma_wait3A_128 : memref<1x!tpu.dma_semaphore, #tpu.memory_space<semaphore_mem>> -> memref<!tpu.dma_semaphore, #tpu.memory_space<semaphore_mem>>
      %dma_wait3A_130 = arith.constant 0 : i32
      %dma_wait3A_131 = arith.constant 0 : i32
      %dma_wait3A_132 = tpu.memref_slice %arg8[%dma_wait3A_130, %dma_wait3A_131] : memref<6144x768xf32, #tpu.memory_space<hbm>> -> memref<256x768xf32, #tpu.memory_space<hbm>>
      %dma_wait3A_133 = arith.constant 0 : i32
      %dma_wait3A_134 = arith.constant 0 : i32
      %dma_wait3A_135 = tpu.memref_slice %arg14[%sub3A_127, %dma_wait3A_133, %dma_wait3A_134] : memref<2x256x768xf32, #tpu.memory_space<vmem>> -> memref<1x256x768xf32, #tpu.memory_space<vmem>>
      %dma_wait3A_136 = tpu.memref_squeeze %dma_wait3A_135 : memref<1x256x768xf32, #tpu.memory_space<vmem>> -> memref<256x768xf32, #tpu.memory_space<vmem>>
      tpu.wait_dma2 semaphore(%dma_wait3A_129 : memref<!tpu.dma_semaphore, #tpu.memory_space<semaphore_mem>>) src(%dma_wait3A_136 : memref<256x768xf32, #tpu.memory_space<vmem>>) dst(%dma_wait3A_132 : memref<256x768xf32, #tpu.memory_space<hbm>>)
      %dma_wait3A_137 = tpu.memref_slice %arg16[%select_n3A_21] : memref<2x!tpu.dma_semaphore, #tpu.memory_space<semaphore_mem>> -> memref<1x!tpu.dma_semaphore, #tpu.memory_space<semaphore_mem>>
      %dma_wait3A_138 = tpu.memref_squeeze %dma_wait3A_137 : memref<1x!tpu.dma_semaphore, #tpu.memory_space<semaphore_mem>> -> memref<!tpu.dma_semaphore, #tpu.memory_space<semaphore_mem>>
      %dma_wait3A_139 = arith.constant 0 : i32
      %dma_wait3A_140 = arith.constant 0 : i32
      %dma_wait3A_141 = tpu.memref_slice %arg8[%dma_wait3A_139, %dma_wait3A_140] : memref<6144x768xf32, #tpu.memory_space<hbm>> -> memref<256x768xf32, #tpu.memory_space<hbm>>
      %dma_wait3A_142 = arith.constant 0 : i32
      %dma_wait3A_143 = arith.constant 0 : i32
      %dma_wait3A_144 = tpu.memref_slice %arg14[%select_n3A_21, %dma_wait3A_142, %dma_wait3A_143] : memref<2x256x768xf32, #tpu.memory_space<vmem>> -> memref<1x256x768xf32, #tpu.memory_space<vmem>>
      %dma_wait3A_145 = tpu.memref_squeeze %dma_wait3A_144 : memref<1x256x768xf32, #tpu.memory_space<vmem>> -> memref<256x768xf32, #tpu.memory_space<vmem>>
      tpu.wait_dma2 semaphore(%dma_wait3A_138 : memref<!tpu.dma_semaphore, #tpu.memory_space<semaphore_mem>>) src(%dma_wait3A_145 : memref<256x768xf32, #tpu.memory_space<vmem>>) dst(%dma_wait3A_141 : memref<256x768xf32, #tpu.memory_space<hbm>>)
    } else {
    }
    return
  }
  func.func @transform_2(%arg0: i32, %arg1: memref<5x24xi32, #tpu.memory_space<smem>>) -> (i32, i32, i32) {
    %c0_i32 = arith.constant 0 : i32
    %c0_i32_0 = arith.constant 0 : i32
    %c0_i32_1 = arith.constant 0 : i32
    %c0_i32_2 = arith.constant 0 : i32
    return %c0_i32, %c0_i32_0, %c0_i32_1 : i32, i32, i32
  }
  func.func @transform_4(%arg0: i32, %arg1: memref<5x24xi32, #tpu.memory_space<smem>>) -> (i32, i32, i32) {
    %c0_i32 = arith.constant 0 : i32
    %c0_i32_0 = arith.constant 0 : i32
    %c0_i32_1 = arith.constant 0 : i32
    %c0_i32_2 = arith.constant 0 : i32
    return %c0_i32, %c0_i32_0, %c0_i32_1 : i32, i32, i32
  }
}

</mosaic_0001>

<sc_bundles>
// kernel: kernel.6.cloned.1.call-start
scs
__scs_entry_jumppad:
0x0: {  	(pc) =	sbr.rel $0x88, $3  }
0x1: {  	(tag) =	ssettag $0x0;
	lr =	simm.s32 $0x1  }
0x2: {  	[smem:$0x3F9B] =	sst lr;
	_ =	strace $0xD0000000  }
0x3: {  	_ = 	snop  }
0x4: {  	_ = 	snop  }
0x5: {  	_ = 	snop  }
0x6: {  	_ = 	snop  }
0x7: {  	_ = 	snop  }
__scs_overlays_trampoline_lowered:
0x8: {  	[smem:$0x3FAA] =	sst s0  }
0x9: {  	[smem:$0x3FAB] =	sst s1  }
0xa: {  	[smem:$0x3FAC] =	sst s2  }
0xb: {  	[smem:$0x3FAD] =	sst s3  }
0xc: {  	[smem:$0x3FAE] =	sst s4  }
0xd: {  	[smem:$0x3FAF] =	sst s5  }
0xe: {  	[smem:$0x3FB0] =	sst s6  }
0xf: {  	[smem:$0x3FB1] =	sst s7  }
0x10: {  	[smem:$0x3FB2] =	sst s8  }
0x11: {  	[smem:$0x3FB3] =	sst s9;
	s0 =	simm.s32 @!p0 $0x0  }
0x12: {  	s1 =	sld [smem:$0x3F99];
	s0 =	simm.s32 @p0 $0x1  }
0x13: {  	[smem:$0x3FB4] =	sst s0;
	s0 =	simm.s32 @!p1 $0x0  }
0x14: {  	s2 =	sld [smem:$0x3F98];
	s0 =	simm.s32 @p1 $0x1  }
0x15: {  	[smem:$0x3FB5] =	sst s0;
	s0 =	simm.s32 @!p2 $0x0  }
0x16: {  	s3 =	sld [smem:$0x3FDB];
	s0 =	simm.s32 @p2 $0x1  }
0x17: {  	s4 =	simm.s32 $0x1BF5;
	[smem:$0x3FB7] =	sst s0  }
0x18: {  	s0 =	sld [smem:$0x3F9A];
	_ =	swait.ge [sflag:s4], $0x0  }
0x19: {  	s7 =	sld [smem:$0x3F9B]  }
0x1a: {  	s8 =	sadd.s32 $0xFFFFE003, lr  }
0x1b: {  	s9 =	sadd.s32 $0xFFFFFEF7, lr;
	s5 =	simm.s32 $0xFFFFFFFF;
	p2 =	slt.u32 s8, $0xFFFFF086  }
0x1c: {  	p1 =	slt.u32 s9, $0xF7A;
	s5 =	simm.s32 @!p2 $0x0  }
0x1d: {  	s5 =	simm.s32 @p1 $0x1;
	p0 =	seq.s32 s7, s2  }
0x1e: {  	s7 =	smul.u32 @!p0 $0xF7A, s2;
	p2 =	seq.s32 @!p0 s5, $0x0  }
0x1f: {  	s9 =	smul.u32 $0xF7A, s1;
	s8 =	simm.s32 @!p0 $0x1BF5;
	p2 =	por !p2, p0  }
0x20: {  	[sflag:s8] =	ssyncset.s32 @!p0 $0xFFFFF086;
	s6 =	sadd.s32 @!p0 s3, s7;
	s7 =	simm.s32 @!p0 $0x108  }
0x21: {  	s3 =	sadd.s32 s3, s9;
	s6 =	sadd.s32 @!p0 $0x88, s6;
	s7 =	simm.s32 @p2 $0x1082  }
0x22: {  	[simem:s7], [sflag:s8] =	dma.local @!p0 [hbm:s6], $0xF7A  }
0x23: {  	s9 =	sor.u32 $0xD0000000, s2;
	s6 =	simm.s32 $0x108;
	_ =	swait.ge @!p0 [sflag:s8], $0x0  }
0x24: {  	s3 =	sadd.s32 $0x88, s3;
	s6 =	simm.s32 @!p1 $0x1082;
	[sflag:s4] =	ssyncset.s32 $0xFFFFF086  }
0x25: {  	[simem:s6], [sflag:s4] =	dma.local [hbm:s3], $0xF7A  }
0x26: {  	[smem:$0x3F9B] =	sst s1;
	(tag) =	ssettag s2;
	_ =	strace s9  }
0x27: {  	s1 =	sld [smem:$0x3FAB]  }
0x28: {  	s2 =	sld [smem:$0x3FAC]  }
0x29: {  	s4 =	sld [smem:$0x3FAE]  }
0x2a: {  	p0 =	seq.s32 s5, $0x0;
	s5 =	sld [smem:$0x3FAF]  }
0x2b: {  	s6 =	sld [smem:$0x3FB0]  }
0x2c: {  	s7 =	sld [smem:$0x3FB1]  }
0x2d: {  	s3 =	simm.s32 $0x108;
	s8 =	sld [smem:$0x3FB2]  }
0x2e: {  	s3 =	simm.s32 @!p0 $0x1082;
	s9 =	sld [smem:$0x3FB3]  }
0x2f: {  	lr =	sadd.s32 s0, s3;
	s0 =	sld [smem:$0x3FAA]  }
0x30: {  	s3 =	sld [smem:$0x3FAD]  }
0x31: {  	[smem:$0x3FB6] =	sst s10  }
0x32: {  	s10 =	sld [smem:$0x3FB4];
	_ =	sdelay $0x3  }
0x33: {  	p0 =	seq.s32 s10, $0x1;
	s10 =	sld [smem:$0x3FB6];
	_ =	sdelay $0x3  }
0x34: {  	[smem:$0x3FB6] =	sst s10  }
0x35: {  	s10 =	sld [smem:$0x3FB5];
	_ =	sdelay $0x3  }
0x36: {  	p1 =	seq.s32 s10, $0x1;
	s10 =	sld [smem:$0x3FB6];
	_ =	sdelay $0x3  }
0x37: {  	[smem:$0x3FB6] =	sst s10  }
0x38: {  	s10 =	sld [smem:$0x3FB7]  }
0x39: {  	_ = 	snop;
	(pc) =	sbr.ind lr, $3  }
0x3a: {  	_ = 	snop  }
0x3b: {  	_ = 	snop  }
0x3c: {  	p2 =	seq.s32 s10, $0x1;
	s10 =	sld [smem:$0x3FB6]  }
0x3d: {  	_ =	shalt  }
0x3e: {  	_ =	shalt  }
0x3f: {  	_ =	shalt  }
0x40: {  	_ =	shalt  }
0x41: {  	_ =	shalt  }
0x42: {  	_ =	shalt  }
0x43: {  	_ =	shalt  }
0x44: {  	_ =	shalt  }
0x45: {  	_ =	shalt  }
0x46: {  	_ =	shalt  }
0x47: {  	_ =	shalt  }
0x48: {  	_ =	shalt  }
0x49: {  	_ =	shalt  }
0x4a: {  	_ =	shalt  }
0x4b: {  	_ =	shalt  }
0x4c: {  	_ =	shalt  }
0x4d: {  	_ =	shalt  }
0x4e: {  	_ =	shalt  }
0x4f: {  	_ =	shalt  }
0x50: {  	_ =	shalt  }
0x51: {  	_ =	shalt  }
0x52: {  	_ =	shalt  }
0x53: {  	_ =	shalt  }
0x54: {  	_ =	shalt  }
0x55: {  	_ =	shalt  }
0x56: {  	_ =	shalt  }
0x57: {  	_ =	shalt  }
0x58: {  	_ =	shalt  }
0x59: {  	_ =	shalt  }
0x5a: {  	_ =	shalt  }
0x5b: {  	_ =	shalt  }
0x5c: {  	_ =	shalt  }
0x5d: {  	_ =	shalt  }
0x5e: {  	_ =	shalt  }
0x5f: {  	_ =	shalt  }
0x60: {  	_ =	shalt  }
0x61: {  	_ =	shalt  }
0x62: {  	_ =	shalt  }
0x63: {  	_ =	shalt  }
0x64: {  	_ =	shalt  }
0x65: {  	_ =	shalt  }
0x66: {  	_ =	shalt  }
0x67: {  	_ =	shalt  }
0x68: {  	_ =	shalt  }
0x69: {  	_ =	shalt  }
0x6a: {  	_ =	shalt  }
0x6b: {  	_ =	shalt  }
0x6c: {  	_ =	shalt  }
0x6d: {  	_ =	shalt  }
0x6e: {  	_ =	shalt  }
0x6f: {  	_ =	shalt  }
0x70: {  	_ =	shalt  }
0x71: {  	_ =	shalt  }
0x72: {  	_ =	shalt  }
0x73: {  	_ =	shalt  }
0x74: {  	_ =	shalt  }
0x75: {  	_ =	shalt  }
0x76: {  	_ =	shalt  }
0x77: {  	_ =	shalt  }
0x78: {  	_ =	shalt  }
0x79: {  	_ =	shalt  }
0x7a: {  	_ =	shalt  }
0x7b: {  	_ =	shalt  }
0x7c: {  	_ =	shalt  }
0x7d: {  	_ =	shalt  }
0x7e: {  	_ =	shalt  }
0x7f: {  	_ =	shalt  }
0x80: {  	_ =	shalt  }
0x81: {  	_ =	shalt  }
0x82: {  	_ =	shalt  }
0x83: {  	_ =	shalt  }
0x84: {  	_ =	shalt  }
0x85: {  	_ =	shalt  }
0x86: {  	_ =	shalt  }
0x87: {  	_ =	shalt  }
.Lfunc_end0:
.L_simem_size_0:
called_computation_lowered:
.L_overlay_start_0:
0x88: {  	s2 =	sld [smem:$0x3FD9]  }
0x89: {  	s3 =	sld [smem:$0x3FFE];
	_ =	sdelay $0x1  }
0x8a: {  	s1 =	srdreg.scid  }
0x8b: {  	s0 =	sand.u32 $0x1, s1  }
0x8c: {  	s17 =	sshll.u32 s0, $0xA;
	s2 =	sadd.s32 s3, s2  }
0x8d: {  	s2 =	sadd.s32 s2, s17  }
0x8e: {  	[smem:$0x3FC2] =	sst s2  }
0x8f: {  	_ = 	snop  }
0x90: {  	s2 =	sld [smem:$0x3FC9]  }
0x91: {  	s18 =	sld [smem:$0x3FD0];
	(tm) =	ssettm $0x1  }
0x92: {  	s4 =	sld [smem:$0x3FFB];
	_ =	sdelay $0x3  }
0x93: {  	_ =	strace s4  }
0x94: {  	s4 =	sld [smem:$0x3FFC];
	_ =	sdelay $0x3  }
0x95: {  	_ =	strace s4  }
0x96: {  	s4 =	sld [smem:$0x3FFD];
	_ =	sdelay $0x3  }
0x97: {  	_ =	strace s4  }
0x98: {  	_ =	strace $0x8FFFFFFF  }
0x99: {  	s19 =	sld [smem:$0x3FDB];
	_ =	sdelay $0x1  }
0x9a: {  	s5 =	simm.s32 $_scs_section_size  }
0x9b: {  	s6 =	simm.s32 $_size__tile_overlayer_lowered;
	s7 =	simm.s32 $_tile_overlayer_lowered  }
0x9c: {  	s22 =	simm.s32 $0x1BFF;
	s21 =	sshll.u32 s7, $0x1;
	s4 =	sadd.s32 s5, s19  }
0x9d: {  	s8 =	simm.s32 $0x0;
	s20 =	sshll.u32 s6, $0x1;
	s6 =	sadd.s32 s21, s4  }
0x9e: {  	[timem:s8], [sflag:s22] =	dma.local [hbm:s6], s20  }
0x9f: {  	_ =	swait.ge [sflag:s22], s20  }
0xa0: {  	s5 =	ssub.s32 $0x0, s20;
	[sflag:s22] =	ssyncset.done $0x0  }
0xa1: {  	[sflag:s22] =	ssyncadd.s32 s5;
	_ =	sdelay $0x1  }
0xa2: {  	s23 =	simm.s32 $0x1B8B  }
0xa3: {  	_ =	swait.ge [sflag:s23], $0x1  }
0xa4: {  	[sflag:s23] =	ssyncset.done $0x0  }
0xa5: {  	s25 =	simm.s32 $0x1B8E;
	s24 =	sld [smem:$0x3FFE];
	[sflag:s23] =	ssyncadd.s32 $0xFFFFFFFF  }
0xa6: {  	s26 =	simm.s32 $execute0_lowered;
	[smem:$0x3FD2] =	sst s25  }
0xa7: {  	s6 =	sshll.u32 s26, $0x1;
	_ =	strace $0x80000046;
	[dreg:$0x1] =	wrdreg $0xFFFFFFFF  }
0xa8: {  	s28 =	simm.s32 $_size_execute0_lowered;
	s4 =	sadd.s32 s4, s6;
	[dreg:$0x0] =	wrdreg $0x0  }
0xa9: {  	s6 =	sshll.u32 s28, $0x1;
	[dreg:$0x2] =	wrdreg s4  }
0xaa: {  	[dreg:$0x3] =	wrdreg s6  }
0xab: {  	[dreg:$0x4] =	wrdreg $0xC0  }
0xac: {  	_ =	task [dreg:s8], $0x5FFFF  }
0xad: {  	[dreg:$0x1] =	wrdreg $0xFFFFFFFF  }
0xae: {  	[dreg:$0x0] =	wrdreg $0x60  }
0xaf: {  	[dreg:$0x2] =	wrdreg s2  }
0xb0: {  	[dreg:$0x3] =	wrdreg s24  }
0xb1: {  	[dreg:$0x4] =	wrdreg s18  }
0xb2: {  	[dreg:$0x5] =	wrdreg $0x9  }
0xb3: {  	_ =	task.clear_ibuf [dreg:s8], $0x6FFFF;
	_ =	strace $0x90000046  }
0xb4: {  	s29 =	simm.s32 $0x9;
	_ =	strace $0x80000048  }
0xb5: {  	_ =	swait.ge [sflag:s29], $0x1  }
0xb6: {  	[sflag:s29] =	ssyncadd.s32 $0xFFFFFFFF  }
0xb7: {  	_ =	strace $0x90000048  }
0xb8: {  	_ =	sfence  }
0xb9: {  	s30 =	sld [smem:$0x0];
	_ =	sdelay $0x2  }
0xba: {  	s31 =	sshll.u32 s1, $0xD;
	s1 =	sshrl.u32 s1, $0x2  }
0xbb: {  	s3 =	sand.u32 $0x4000, s31;
	s1 =	sadd.s32 s1, s30  }
0xbc: {  	s0 =	sor.u32 s3, s0;
	s1 =	sshll.u32 s1, $0x11  }
0xbd: {  	s0 =	sor.u32 s1, s0  }
0xbe: {  	s0 =	sadd.s32 $0x8F2B, s0  }
0xbf: {  	[sflag:s0] =	ssyncadd.remote.s32 $0x1  }
0xc0: {  	_ =	sfence.sel $0xFFFF  }
0xc1: {  	[dreg:$0x0] =	wrdreg $0xFFFFFFFF;
	(pc) =	sbr.abs _section_cstart, $3  }
0xc2: {  	[dreg:$0x1] =	wrdreg $0xFFFFFFFF  }
0xc3: {  	_ =	task.clear_ibuf [dreg:s8], $0x2FFFF;
	_ =	strace $0x9FFFFFFF  }
0xc4: {  	(tm) =	ssettm $0x7FFFFFFF  }
0xc5: {  	_ =	shalt  }
tec
execute0_lowered:
.L_overlay_start_1:
0x0: {  	(tag) =	ssettag $0x1  }
0x1: {  	s3 =	rddreg [dreg:$0x0]  }
0x2: {  	s1 =	rddreg [dreg:$0x1]  }
0x3: {  	s2 =	srdreg.scid;
	s5 =	rddreg [dreg:$0x2]  }
0x4: {  	s4 =	sand.u32 $0x1, s2;
	[dreg:$0x4] =	wrdreg s5;
	s2 =	simm.s32 $0x0  }
0x5: {  	s21 =	simm.s32 $0x800;
	[smem:$0x7FF] =	sst s2  }
0x6: {  	s22 =	simm.s32 $0x1000;
	_ =	strace $0x80000047;
	[dreg:$0x8] =	wrdreg s21  }
0x7: {  	s23 =	simm.s32 $0x1800;
	[dreg:$0x9] =	wrdreg s22  }
0x8: {  	s24 =	simm.s32 $0x2000;
	[dreg:$0xa] =	wrdreg s23  }
0x9: {  	s25 =	simm.s32 $0x2800;
	[dreg:$0xb] =	wrdreg s24  }
0xa: {  	s0 =	stileid.u32;
	s26 =	simm.s32 $0x3000;
	[dreg:$0xc] =	wrdreg s25  }
0xb: {  	s17 =	sshll.u32 s0, $0x1;
	s0 =	simm.s32 $0x3800;
	[dreg:$0xd] =	wrdreg s26  }
0xc: {  	s8 =	simm.s32 $0x5800;
	[dreg:$0xe] =	wrdreg s0  }
0xd: {  	s9 =	simm.s32 $0x6000;
	[dreg:$0x12] =	wrdreg s8  }
0xe: {  	s10 =	simm.s32 $0x6800;
	[dreg:$0x13] =	wrdreg s9  }
0xf: {  	s11 =	simm.s32 $0x7000;
	s12 =	simm.s32 $0x7800;
	[dreg:$0x14] =	wrdreg s10  }
0x10: {  	s13 =	simm.s32 $0x8000;
	s14 =	simm.s32 $0x8800;
	[dreg:$0x15] =	wrdreg s11  }
0x11: {  	s15 =	simm.s32 $0x9000;
	s16 =	simm.s32 $0x9800;
	[dreg:$0x16] =	wrdreg s12  }
0x12: {  	s28 =	simm.s32 $0x17000;
	s29 =	simm.s32 $0x17800;
	[dreg:$0x17] =	wrdreg s13  }
0x13: {  	s30 =	simm.s32 $0x80;
	s31 =	simm.s32 $0x1;
	[dreg:$0x18] =	wrdreg s14  }
0x14: {  	s6 =	sor.u32 s4, s17;
	s17 =	simm.s32 $0xA000;
	[dreg:$0x19] =	wrdreg s15  }
0x15: {  	s4 =	ssub.s32 $0x2, s4;
	s18 =	sshll.u32 s6, $0x4;
	[dreg:$0x1a] =	wrdreg s16  }
0x16: {  	s6 =	sshll.u32 s6, $0xB;
	[dreg:$0x1b] =	wrdreg s17;
	s21 =	simm.s32 $0xB800  }
0x17: {  	s22 =	simm.s32 $0xC000;
	s23 =	simm.s32 $0xC800;
	s24 =	simm.s32 $0xD000  }
0x18: {  	s25 =	simm.s32 $0xD800;
	s8 =	simm.s32 $0x18000;
	s26 =	simm.s32 $0xE000  }
0x19: {  	s9 =	simm.s32 $0x18080;
	s11 =	simm.s32 $0xF000;
	[dreg:$0x1e] =	wrdreg s21  }
0x1a: {  	s12 =	simm.s32 $0xF800;
	s13 =	simm.s32 $0x10000;
	[dreg:$0x1f] =	wrdreg s22  }
0x1b: {  	s14 =	simm.s32 $0x10800;
	s15 =	simm.s32 $0x11000;
	[smem:$0x7FA] =	sst s23  }
0x1c: {  	s16 =	simm.s32 $0x11800;
	s17 =	simm.s32 $0x12000;
	[smem:$0x7FB] =	sst s24  }
0x1d: {  	s7 =	sand.u32 $0xF0, s18;
	s5 =	sadd.s32 s18, s1;
	[smem:$0x7FC] =	sst s25  }
0x1e: {  	s6 =	sadd.s32 s6, s1;
	s18 =	simm.s32 $0xA800;
	[smem:$0x7FD] =	sst s26  }
0x1f: {  	s21 =	simm.s32 $0x14000;
	s22 =	simm.s32 $0x14800;
	s23 =	simm.s32 $0x15000  }
0x20: {  	s24 =	simm.s32 $0x15800;
	s19 =	sadd.s32 $0x11C00, s5;
	[dreg:$0x1c] =	wrdreg s18  }
0x21: {  	s25 =	simm.s32 $0x16000;
	s20 =	sadd.s32 $0x1C00, s6;
	[dreg:$0x6] =	wrdreg s19  }
0x22: {  	s26 =	simm.s32 $0x16800;
	s5 =	simm.s32 $0x4000;
	[dreg:$0x7] =	wrdreg s20  }
0x23: {  	s7 =	smul.u32 $0x300, s7;
	s6 =	simm.s32 $0x4800;
	[dreg:$0xf] =	wrdreg s5  }
0x24: {  	s18 =	simm.s32 $0x12800;
	[dreg:$0x10] =	wrdreg s6;
	s19 =	sshrl.u32 s4, $0x1  }
0x25: {  	s20 =	simm.s32 $0xB000;
	s5 =	sadd.s32 $0x12000, s1;
	s3 =	sadd.s32 s3, s7  }
0x26: {  	s7 =	simm.s32 $0x5000;
	s6 =	ssub.s32 s4, s19;
	[dreg:$0x1d] =	wrdreg s20  }
0x27: {  	v2 =	vlaneseq.u32;
	s4 =	sadd.s32 $0x11F00, s1;
	s19 =	simm.s32 $0x13000;
	[dreg:$0x5] =	wrdreg s3  }
0x28: {  	vm0 =	vmmov $0xffff;
	v1 =	vshrl.u32 v2, $0x3;
	s20 =	simm.s32 $0x13800;
	[dreg:$0x11] =	wrdreg s7;
	s3 =	sadd.s32 $0x11E00, s1  }
0x29: {  	v0 =	vand.u32 $0x7, v2;
	v2 =	vor.u32 $0x8, v2;
	v1 =	vmul.u32 $0x8, v1;
	s6 =	smax.u32 s6, $0x1;
	s7 =	simm.s32 $0x3;
	s1 =	simm.s32 $0x2  }
.LBB2_1:
0x2a: {  	s0 =	rddreg [dreg:$0x5]  }
0x2b: {  	[tilespmem:s2], [sflag:$0x3] =	stream.linear.gather [hbm4b:s0+s2], $0x18000, $0x38;
	[tilespmem:$0x1C080] =	vst v63  }
0x2c: {  	_ =	swait.ge [sflag:s7], $0x18000  }
0x2d: {  	[sflag:s7] =	ssyncset.done $0x0  }
0x2e: {  	s10 =	rddreg [dreg:$0x6];
	[sflag:s7] =	ssyncadd.s32 $0xFFFE8000  }
0x2f: {  	[tilespmem:s8], [sflag:$0x3] =	stream.linear.gather [hbm4b:s10+s2], $0x80, $0x38;
	[tilespmem:$0x1C080] =	vst v63  }
0x30: {  	_ =	swait.ge [sflag:s7], $0x80  }
0x31: {  	[sflag:s7] =	ssyncset.done $0x0  }
0x32: {  	s10 =	rddreg [dreg:$0x7];
	[sflag:s7] =	ssyncadd.s32 $0xFFFFFF80  }
0x33: {  	[tilespmem:s9], [sflag:$0x3] =	stream.linear.gather [hbm4b:s10+s2], $0x4000, $0x38;
	[tilespmem:$0x1C080] =	vst v63  }
0x34: {  	_ =	swait.ge [sflag:s7], $0x4000  }
0x35: {  	[sflag:s7] =	ssyncset.done $0x0  }
0x36: {  	[sflag:s7] =	ssyncadd.s32 $0xFFFFC000  }
0x37: {  	v3 =	vld [tilespmem:$0x18000];
	_ =	sdelay $0x4  }
0x38: {  	v4 =	vshrl.u32 v3, $0x3  }
0x39: {  	v4 =	vmul.u32 $0x30, v4  }
0x3a: {  	v3 =	vand.u32 $0x7, v3  }
0x3b: {  	v3 =	vor.u32 v3, v4  }
0x3c: {  	v4 =	vperm.xlane v3, v0;
	_ =	sdelay $0x1  }
0x3d: {  	v4 =	vadd.s32 v1, v4;
	_ =	sdelay $0x3  }
0x3e: {  	v3 =	vperm.xlane v3, v2  }
0x3f: {  	[hbm4b:s3+s2] =	stream.indirect_vreg.scatter [tilespmem:s2], [sflag:$0x1], $0x80, v4, vm0, $0xb8;
	[tilespmem:$0x1C080] =	vst v63  }
0x40: {  	s0 =	rddreg [dreg:$0x8];
	v3 =	vadd.s32 v1, v3  }
0x41: {  	[hbm4b:s4+s2] =	stream.indirect_vreg.scatter [tilespmem:s0], [sflag:$0x1], $0x80, v4, vm0, $0xb8;
	[tilespmem:$0x1C080] =	vst v63  }
0x42: {  	s10 =	rddreg [dreg:$0x9]  }
0x43: {  	[hbm4b:s5+s2] =	stream.indirect_vreg.scatter [tilespmem:s10], [sflag:$0x1], $0x80, v4, vm0, $0xb8;
	[tilespmem:$0x1C080] =	vst v63  }
0x44: {  	s0 =	rddreg [dreg:$0xa]  }
0x45: {  	[hbm4b:s3+s2] =	stream.indirect_vreg.scatter [tilespmem:s0], [sflag:$0x1], $0x80, v3, vm0, $0xb8;
	[tilespmem:$0x1C080] =	vst v63  }
0x46: {  	s10 =	rddreg [dreg:$0xb]  }
0x47: {  	[hbm4b:s4+s2] =	stream.indirect_vreg.scatter [tilespmem:s10], [sflag:$0x1], $0x80, v3, vm0, $0xb8;
	[tilespmem:$0x1C080] =	vst v63  }
0x48: {  	s0 =	rddreg [dreg:$0xc]  }
0x49: {  	[hbm4b:s5+s2] =	stream.indirect_vreg.scatter [tilespmem:s0], [sflag:$0x1], $0x80, v3, vm0, $0xb8;
	[tilespmem:$0x1C080] =	vst v63  }
0x4a: {  	v3 =	vld [tilespmem:$0x18010];
	_ =	sdelay $0x4  }
0x4b: {  	v57 =	vshrl.u32 v3, $0x3  }
0x4c: {  	v4 =	vmul.u32 $0x30, v57  }
0x4d: {  	v3 =	vand.u32 $0x7, v3  }
0x4e: {  	v3 =	vor.u32 v3, v4  }
0x4f: {  	v4 =	vperm.xlane v3, v0;
	_ =	sdelay $0x1  }
0x50: {  	v4 =	vadd.s32 v1, v4;
	_ =	sdelay $0x3  }
0x51: {  	s0 =	rddreg [dreg:$0xd];
	v3 =	vperm.xlane v3, v2  }
0x52: {  	[hbm4b:s3+s2] =	stream.indirect_vreg.scatter [tilespmem:s0], [sflag:$0x1], $0x80, v4, vm0, $0xb8;
	[tilespmem:$0x1C080] =	vst v63  }
0x53: {  	s10 =	rddreg [dreg:$0xe];
	v3 =	vadd.s32 v1, v3  }
0x54: {  	[hbm4b:s4+s2] =	stream.indirect_vreg.scatter [tilespmem:s10], [sflag:$0x1], $0x80, v4, vm0, $0xb8;
	[tilespmem:$0x1C080] =	vst v63  }
0x55: {  	s0 =	rddreg [dreg:$0xf]  }
0x56: {  	[hbm4b:s5+s2] =	stream.indirect_vreg.scatter [tilespmem:s0], [sflag:$0x1], $0x80, v4, vm0, $0xb8;
	[tilespmem:$0x1C080] =	vst v63  }
0x57: {  	s10 =	rddreg [dreg:$0x10]  }
0x58: {  	[hbm4b:s3+s2] =	stream.indirect_vreg.scatter [tilespmem:s10], [sflag:$0x1], $0x80, v3, vm0, $0xb8;
	[tilespmem:$0x1C080] =	vst v63  }
0x59: {  	s0 =	rddreg [dreg:$0x11]  }
0x5a: {  	[hbm4b:s4+s2] =	stream.indirect_vreg.scatter [tilespmem:s0], [sflag:$0x1], $0x80, v3, vm0, $0xb8;
	[tilespmem:$0x1C080] =	vst v63  }
0x5b: {  	s10 =	rddreg [dreg:$0x12]  }
0x5c: {  	[hbm4b:s5+s2] =	stream.indirect_vreg.scatter [tilespmem:s10], [sflag:$0x1], $0x80, v3, vm0, $0xb8;
	[tilespmem:$0x1C080] =	vst v63  }
0x5d: {  	v3 =	vld [tilespmem:$0x18020];
	_ =	sdelay $0x4  }
0x5e: {  	v58 =	vshrl.u32 v3, $0x3  }
0x5f: {  	v4 =	vmul.u32 $0x30, v58  }
0x60: {  	v3 =	vand.u32 $0x7, v3  }
0x61: {  	v3 =	vor.u32 v3, v4  }
0x62: {  	v4 =	vperm.xlane v3, v0;
	_ =	sdelay $0x1  }
0x63: {  	v4 =	vadd.s32 v1, v4;
	_ =	sdelay $0x3  }
0x64: {  	s0 =	rddreg [dreg:$0x13];
	v3 =	vperm.xlane v3, v2  }
0x65: {  	[hbm4b:s3+s2] =	stream.indirect_vreg.scatter [tilespmem:s0], [sflag:$0x1], $0x80, v4, vm0, $0xb8;
	[tilespmem:$0x1C080] =	vst v63  }
0x66: {  	s10 =	rddreg [dreg:$0x14];
	v3 =	vadd.s32 v1, v3  }
0x67: {  	[hbm4b:s4+s2] =	stream.indirect_vreg.scatter [tilespmem:s10], [sflag:$0x1], $0x80, v4, vm0, $0xb8;
	[tilespmem:$0x1C080] =	vst v63  }
0x68: {  	s0 =	rddreg [dreg:$0x15]  }
0x69: {  	[hbm4b:s5+s2] =	stream.indirect_vreg.scatter [tilespmem:s0], [sflag:$0x1], $0x80, v4, vm0, $0xb8;
	[tilespmem:$0x1C080] =	vst v63  }
0x6a: {  	s10 =	rddreg [dreg:$0x16]  }
0x6b: {  	[hbm4b:s3+s2] =	stream.indirect_vreg.scatter [tilespmem:s10], [sflag:$0x1], $0x80, v3, vm0, $0xb8;
	[tilespmem:$0x1C080] =	vst v63  }
0x6c: {  	s0 =	rddreg [dreg:$0x17]  }
0x6d: {  	[hbm4b:s4+s2] =	stream.indirect_vreg.scatter [tilespmem:s0], [sflag:$0x1], $0x80, v3, vm0, $0xb8;
	[tilespmem:$0x1C080] =	vst v63  }
0x6e: {  	s10 =	rddreg [dreg:$0x18]  }
0x6f: {  	[hbm4b:s5+s2] =	stream.indirect_vreg.scatter [tilespmem:s10], [sflag:$0x1], $0x80, v3, vm0, $0xb8;
	[tilespmem:$0x1C080] =	vst v63  }
0x70: {  	v3 =	vld [tilespmem:$0x18030];
	_ =	sdelay $0x4  }
0x71: {  	v59 =	vshrl.u32 v3, $0x3  }
0x72: {  	v4 =	vmul.u32 $0x30, v59  }
0x73: {  	v3 =	vand.u32 $0x7, v3  }
0x74: {  	v3 =	vor.u32 v3, v4  }
0x75: {  	v4 =	vperm.xlane v3, v0;
	_ =	sdelay $0x1  }
0x76: {  	v4 =	vadd.s32 v1, v4;
	_ =	sdelay $0x3  }
0x77: {  	s0 =	rddreg [dreg:$0x19];
	v3 =	vperm.xlane v3, v2  }
0x78: {  	[hbm4b:s3+s2] =	stream.indirect_vreg.scatter [tilespmem:s0], [sflag:$0x1], $0x80, v4, vm0, $0xb8;
	[tilespmem:$0x1C080] =	vst v63  }
0x79: {  	s10 =	rddreg [dreg:$0x1a];
	v3 =	vadd.s32 v1, v3  }
0x7a: {  	[hbm4b:s4+s2] =	stream.indirect_vreg.scatter [tilespmem:s10], [sflag:$0x1], $0x80, v4, vm0, $0xb8;
	[tilespmem:$0x1C080] =	vst v63  }
0x7b: {  	s0 =	rddreg [dreg:$0x1b]  }
0x7c: {  	[hbm4b:s5+s2] =	stream.indirect_vreg.scatter [tilespmem:s0], [sflag:$0x1], $0x80, v4, vm0, $0xb8;
	[tilespmem:$0x1C080] =	vst v63  }
0x7d: {  	s10 =	rddreg [dreg:$0x1c]  }
0x7e: {  	[hbm4b:s3+s2] =	stream.indirect_vreg.scatter [tilespmem:s10], [sflag:$0x1], $0x80, v3, vm0, $0xb8;
	[tilespmem:$0x1C080] =	vst v63  }
0x7f: {  	s0 =	rddreg [dreg:$0x1d]  }
0x80: {  	[hbm4b:s4+s2] =	stream.indirect_vreg.scatter [tilespmem:s0], [sflag:$0x1], $0x80, v3, vm0, $0xb8;
	[tilespmem:$0x1C080] =	vst v63  }
0x81: {  	s10 =	rddreg [dreg:$0x1e]  }
0x82: {  	[hbm4b:s5+s2] =	stream.indirect_vreg.scatter [tilespmem:s10], [sflag:$0x1], $0x80, v3, vm0, $0xb8;
	[tilespmem:$0x1C080] =	vst v63  }
0x83: {  	v3 =	vld [tilespmem:$0x18040];
	_ =	sdelay $0x4  }
0x84: {  	v60 =	vshrl.u32 v3, $0x3  }
0x85: {  	v4 =	vmul.u32 $0x30, v60  }
0x86: {  	v3 =	vand.u32 $0x7, v3  }
0x87: {  	v3 =	vor.u32 v3, v4  }
0x88: {  	v4 =	vperm.xlane v3, v0;
	_ =	sdelay $0x1  }
0x89: {  	v4 =	vadd.s32 v1, v4;
	_ =	sdelay $0x2  }
0x8a: {  	s0 =	rddreg [dreg:$0x1f]  }
0x8b: {  	s10 =	sld [smem:$0x7FA];
	v3 =	vperm.xlane v3, v2  }
0x8c: {  	[hbm4b:s3+s2] =	stream.indirect_vreg.scatter [tilespmem:s0], [sflag:$0x1], $0x80, v4, vm0, $0xb8;
	[tilespmem:$0x1C080] =	vst v63  }
0x8d: {  	v3 =	vadd.s32 v1, v3;
	s0 =	sld [smem:$0x7FB]  }
0x8e: {  	[hbm4b:s4+s2] =	stream.indirect_vreg.scatter [tilespmem:s10], [sflag:$0x1], $0x80, v4, vm0, $0xb8;
	[tilespmem:$0x1C080] =	vst v63  }
0x8f: {  	s10 =	sld [smem:$0x7FC]  }
0x90: {  	[hbm4b:s5+s2] =	stream.indirect_vreg.scatter [tilespmem:s0], [sflag:$0x1], $0x80, v4, vm0, $0xb8;
	[tilespmem:$0x1C080] =	vst v63  }
0x91: {  	s0 =	sld [smem:$0x7FD]  }
0x92: {  	[hbm4b:s3+s2] =	stream.indirect_vreg.scatter [tilespmem:s10], [sflag:$0x1], $0x80, v3, vm0, $0xb8;
	[tilespmem:$0x1C080] =	vst v63  }
0x93: {  	_ = 	snop  }
0x94: {  	[hbm4b:s4+s2] =	stream.indirect_vreg.scatter [tilespmem:s0], [sflag:$0x1], $0x80, v3, vm0, $0xb8;
	[tilespmem:$0x1C080] =	vst v63  }
0x95: {  	s10 =	simm.s32 $0xE800  }
0x96: {  	[hbm4b:s5+s2] =	stream.indirect_vreg.scatter [tilespmem:s10], [sflag:$0x1], $0x80, v3, vm0, $0xb8;
	[tilespmem:$0x1C080] =	vst v63  }
0x97: {  	v3 =	vld [tilespmem:$0x18050];
	_ =	sdelay $0x4  }
0x98: {  	v61 =	vshrl.u32 v3, $0x3  }
0x99: {  	v4 =	vmul.u32 $0x30, v61  }
0x9a: {  	v3 =	vand.u32 $0x7, v3  }
0x9b: {  	v3 =	vor.u32 v3, v4  }
0x9c: {  	v4 =	vperm.xlane v3, v0;
	_ =	sdelay $0x1  }
0x9d: {  	v4 =	vadd.s32 v1, v4;
	_ =	sdelay $0x3  }
0x9e: {  	v3 =	vperm.xlane v3, v2  }
0x9f: {  	[hbm4b:s3+s2] =	stream.indirect_vreg.scatter [tilespmem:s11], [sflag:$0x1], $0x80, v4, vm0, $0xb8;
	[tilespmem:$0x1C080] =	vst v63  }
0xa0: {  	v3 =	vadd.s32 v1, v3  }
0xa1: {  	[hbm4b:s4+s2] =	stream.indirect_vreg.scatter [tilespmem:s12], [sflag:$0x1], $0x80, v4, vm0, $0xb8;
	[tilespmem:$0x1C080] =	vst v63  }
0xa2: {  	_ = 	snop  }
0xa3: {  	[hbm4b:s5+s2] =	stream.indirect_vreg.scatter [tilespmem:s13], [sflag:$0x1], $0x80, v4, vm0, $0xb8;
	[tilespmem:$0x1C080] =	vst v63  }
0xa4: {  	_ = 	snop  }
0xa5: {  	[hbm4b:s3+s2] =	stream.indirect_vreg.scatter [tilespmem:s14], [sflag:$0x1], $0x80, v3, vm0, $0xb8;
	[tilespmem:$0x1C080] =	vst v63  }
0xa6: {  	_ = 	snop  }
0xa7: {  	[hbm4b:s4+s2] =	stream.indirect_vreg.scatter [tilespmem:s15], [sflag:$0x1], $0x80, v3, vm0, $0xb8;
	[tilespmem:$0x1C080] =	vst v63  }
0xa8: {  	_ = 	snop  }
0xa9: {  	[hbm4b:s5+s2] =	stream.indirect_vreg.scatter [tilespmem:s16], [sflag:$0x1], $0x80, v3, vm0, $0xb8;
	[tilespmem:$0x1C080] =	vst v63  }
0xaa: {  	v3 =	vld [tilespmem:$0x18060];
	_ =	sdelay $0x4  }
0xab: {  	v62 =	vshrl.u32 v3, $0x3  }
0xac: {  	v4 =	vmul.u32 $0x30, v62  }
0xad: {  	v3 =	vand.u32 $0x7, v3  }
0xae: {  	v3 =	vor.u32 v3, v4  }
0xaf: {  	v4 =	vperm.xlane v3, v0;
	_ =	sdelay $0x1  }
0xb0: {  	v4 =	vadd.s32 v1, v4;
	_ =	sdelay $0x3  }
0xb1: {  	v3 =	vperm.xlane v3, v2  }
0xb2: {  	[hbm4b:s3+s2] =	stream.indirect_vreg.scatter [tilespmem:s17], [sflag:$0x1], $0x80, v4, vm0, $0xb8;
	[tilespmem:$0x1C080] =	vst v63  }
0xb3: {  	v3 =	vadd.s32 v1, v3  }
0xb4: {  	[hbm4b:s4+s2] =	stream.indirect_vreg.scatter [tilespmem:s18], [sflag:$0x1], $0x80, v4, vm0, $0xb8;
	[tilespmem:$0x1C080] =	vst v63  }
0xb5: {  	_ = 	snop  }
0xb6: {  	[hbm4b:s5+s2] =	stream.indirect_vreg.scatter [tilespmem:s19], [sflag:$0x1], $0x80, v4, vm0, $0xb8;
	[tilespmem:$0x1C080] =	vst v63  }
0xb7: {  	_ = 	snop  }
0xb8: {  	[hbm4b:s3+s2] =	stream.indirect_vreg.scatter [tilespmem:s20], [sflag:$0x1], $0x80, v3, vm0, $0xb8;
	[tilespmem:$0x1C080] =	vst v63  }
0xb9: {  	_ = 	snop  }
0xba: {  	[hbm4b:s4+s2] =	stream.indirect_vreg.scatter [tilespmem:s21], [sflag:$0x1], $0x80, v3, vm0, $0xb8;
	[tilespmem:$0x1C080] =	vst v63  }
0xbb: {  	_ = 	snop  }
0xbc: {  	[hbm4b:s5+s2] =	stream.indirect_vreg.scatter [tilespmem:s22], [sflag:$0x1], $0x80, v3, vm0, $0xb8;
	[tilespmem:$0x1C080] =	vst v63  }
0xbd: {  	v3 =	vld [tilespmem:$0x18070];
	_ =	sdelay $0x4  }
0xbe: {  	v63 =	vshrl.u32 v3, $0x3  }
0xbf: {  	v4 =	vmul.u32 $0x30, v63  }
0xc0: {  	v3 =	vand.u32 $0x7, v3  }
0xc1: {  	v3 =	vor.u32 v3, v4  }
0xc2: {  	v4 =	vperm.xlane v3, v0;
	_ =	sdelay $0x1  }
0xc3: {  	v4 =	vadd.s32 v1, v4;
	_ =	sdelay $0x3  }
0xc4: {  	v3 =	vperm.xlane v3, v2  }
0xc5: {  	[hbm4b:s3+s2] =	stream.indirect_vreg.scatter [tilespmem:s23], [sflag:$0x1], $0x80, v4, vm0, $0xb8;
	[tilespmem:$0x1C080] =	vst v63  }
0xc6: {  	v3 =	vadd.s32 v1, v3  }
0xc7: {  	[hbm4b:s4+s2] =	stream.indirect_vreg.scatter [tilespmem:s24], [sflag:$0x1], $0x80, v4, vm0, $0xb8;
	[tilespmem:$0x1C080] =	vst v63  }
0xc8: {  	_ = 	snop  }
0xc9: {  	[hbm4b:s5+s2] =	stream.indirect_vreg.scatter [tilespmem:s25], [sflag:$0x1], $0x80, v4, vm0, $0xb8;
	[tilespmem:$0x1C080] =	vst v63  }
0xca: {  	_ = 	snop  }
0xcb: {  	[hbm4b:s3+s2] =	stream.indirect_vreg.scatter [tilespmem:s26], [sflag:$0x1], $0x80, v3, vm0, $0xb8;
	[tilespmem:$0x1C080] =	vst v63  }
0xcc: {  	_ = 	snop  }
0xcd: {  	[hbm4b:s4+s2] =	stream.indirect_vreg.scatter [tilespmem:s28], [sflag:$0x1], $0x80, v3, vm0, $0xb8;
	[tilespmem:$0x1C080] =	vst v63  }
0xce: {  	_ = 	snop  }
0xcf: {  	[hbm4b:s5+s2] =	stream.indirect_vreg.scatter [tilespmem:s29], [sflag:$0x1], $0x80, v3, vm0, $0xb8;
	[tilespmem:$0x1C080] =	vst v63  }
0xd0: {  	s10 =	rddreg [dreg:$0x4]  }
0xd1: {  	[hbm4b:s10+s30] =	stream.indirect.scatter [tilespmem:s9], [sflag:$0x2], $0x80, s8, s30, $0xb8;
	[tilespmem:$0x1C080] =	vst v63  }
0xd2: {  	p0 =	sne.s32 s6, $0x1;
	_ =	swait.ge [sflag:s31], $0x18000  }
.Ltmp0:
0xd3: {  	[sflag:s31] =	ssyncset.done $0x0;
	(pc) =	sbr.rel @p0 .LBB2_1-.Ltmp0, $4  }
0xd4: {  	[sflag:s31] =	ssyncadd.s32 $0xFFFE8000  }
0xd5: {  	_ =	swait.ge [sflag:s1], $0x4000  }
0xd6: {  	[sflag:s1] =	ssyncset.done $0x0  }
0xd7: {  	s6 =	sadd.s32 $0xFFFFFFFF, s6;
	[sflag:s1] =	ssyncadd.s32 $0xFFFFC000  }
0xd8: {  	_ =	sfence.sel $0x180000  }
0xd9: {  	[bflag:$0x0] =	sbarrier.arrive $0xFFFF  }
0xda: {  	_ =	strace $0x90000047  }
0xdb: {  	s0 =	stileid.u32;
	[bflag:$0x2] =	sbarrier.arrive $0xFFFF  }
0xdc: {  	p0 =	sne.s32 s0, $0x0;
	s0 =	rddreg [dreg:$0x3]  }
0xdd: {  	s0 =	sadd.s32 @!p0 $0x100000, s0  }
0xde: {  	[sflag:s0] =	ssyncadd.tile.s32 @!p0 $0x1;
	_ =	shalt  }
.Lfunc_end2:
_tile_overlayer_lowered:
.L_overlay_start_2:
0xdf: {  	(tag) =	ssettag $0x2  }
0xe0: {  	s0 =	rddreg [dreg:$0x0];
	s2 =	stileid.u32  }
0xe1: {  	s1 =	rddreg [dreg:$0x1];
	p0 =	sne.s32 s2, $0x0  }
0xe2: {  	s3 =	rddreg [dreg:$0x2];
	[bflag:$0x3] =	sbarrier.arrive $0xFFFF;
	s2 =	simm.s32 @!p0 $0x1C03  }
0xe3: {  	[timem:s3], [sflag:s2] =	dma.local @!p0 [hbm:s0], s1  }
0xe4: {  	s0 =	simm.s32 @!p0 $0x3  }
0xe5: {  	_ =	swait.ge @!p0 [sflag:s0], s1  }
0xe6: {  	s1 =	ssub.s32 @!p0 $0x0, s1;
	[sflag:s0] =	ssyncset.done @!p0 $0x0  }
0xe7: {  	[sflag:s0] =	ssyncadd.s32 @!p0 s1  }
0xe8: {  	[bflag:$0x3] =	sbarrier.arrive $0xFFFF  }
0xe9: {  	_ =	shalt  }

// kernel: kernel.9.cloned.1.call-start
scs
__scs_entry_jumppad:
0x0: {  	(pc) =	sbr.rel $0x88, $3  }
0x1: {  	(tag) =	ssettag $0x0;
	lr =	simm.s32 $0x1  }
0x2: {  	[smem:$0x3F9B] =	sst lr;
	_ =	strace $0xD0000000  }
0x3: {  	_ = 	snop  }
0x4: {  	_ = 	snop  }
0x5: {  	_ = 	snop  }
0x6: {  	_ = 	snop  }
0x7: {  	_ = 	snop  }
__scs_overlays_trampoline_lowered:
0x8: {  	[smem:$0x3FAA] =	sst s0  }
0x9: {  	[smem:$0x3FAB] =	sst s1  }
0xa: {  	[smem:$0x3FAC] =	sst s2  }
0xb: {  	[smem:$0x3FAD] =	sst s3  }
0xc: {  	[smem:$0x3FAE] =	sst s4  }
0xd: {  	[smem:$0x3FAF] =	sst s5  }
0xe: {  	[smem:$0x3FB0] =	sst s6  }
0xf: {  	[smem:$0x3FB1] =	sst s7  }
0x10: {  	[smem:$0x3FB2] =	sst s8  }
0x11: {  	[smem:$0x3FB3] =	sst s9;
	s0 =	simm.s32 @!p0 $0x0  }
0x12: {  	s1 =	sld [smem:$0x3F99];
	s0 =	simm.s32 @p0 $0x1  }
0x13: {  	[smem:$0x3FB4] =	sst s0;
	s0 =	simm.s32 @!p1 $0x0  }
0x14: {  	s2 =	sld [smem:$0x3F98];
	s0 =	simm.s32 @p1 $0x1  }
0x15: {  	[smem:$0x3FB5] =	sst s0;
	s0 =	simm.s32 @!p2 $0x0  }
0x16: {  	s3 =	sld [smem:$0x3FDB];
	s0 =	simm.s32 @p2 $0x1  }
0x17: {  	s4 =	simm.s32 $0x1BF5;
	[smem:$0x3FB7] =	sst s0  }
0x18: {  	s0 =	sld [smem:$0x3F9A];
	_ =	swait.ge [sflag:s4], $0x0  }
0x19: {  	s7 =	sld [smem:$0x3F9B]  }
0x1a: {  	s8 =	sadd.s32 $0xFFFFE003, lr  }
0x1b: {  	s9 =	sadd.s32 $0xFFFFFEF7, lr;
	s5 =	simm.s32 $0xFFFFFFFF;
	p2 =	slt.u32 s8, $0xFFFFF086  }
0x1c: {  	p1 =	slt.u32 s9, $0xF7A;
	s5 =	simm.s32 @!p2 $0x0  }
0x1d: {  	s5 =	simm.s32 @p1 $0x1;
	p0 =	seq.s32 s7, s2  }
0x1e: {  	s7 =	smul.u32 @!p0 $0xF7A, s2;
	p2 =	seq.s32 @!p0 s5, $0x0  }
0x1f: {  	s9 =	smul.u32 $0xF7A, s1;
	s8 =	simm.s32 @!p0 $0x1BF5;
	p2 =	por !p2, p0  }
0x20: {  	[sflag:s8] =	ssyncset.s32 @!p0 $0xFFFFF086;
	s6 =	sadd.s32 @!p0 s3, s7;
	s7 =	simm.s32 @!p0 $0x108  }
0x21: {  	s3 =	sadd.s32 s3, s9;
	s6 =	sadd.s32 @!p0 $0x88, s6;
	s7 =	simm.s32 @p2 $0x1082  }
0x22: {  	[simem:s7], [sflag:s8] =	dma.local @!p0 [hbm:s6], $0xF7A  }
0x23: {  	s9 =	sor.u32 $0xD0000000, s2;
	s6 =	simm.s32 $0x108;
	_ =	swait.ge @!p0 [sflag:s8], $0x0  }
0x24: {  	s3 =	sadd.s32 $0x88, s3;
	s6 =	simm.s32 @!p1 $0x1082;
	[sflag:s4] =	ssyncset.s32 $0xFFFFF086  }
0x25: {  	[simem:s6], [sflag:s4] =	dma.local [hbm:s3], $0xF7A  }
0x26: {  	[smem:$0x3F9B] =	sst s1;
	(tag) =	ssettag s2;
	_ =	strace s9  }
0x27: {  	s1 =	sld [smem:$0x3FAB]  }
0x28: {  	s2 =	sld [smem:$0x3FAC]  }
0x29: {  	s4 =	sld [smem:$0x3FAE]  }
0x2a: {  	p0 =	seq.s32 s5, $0x0;
	s5 =	sld [smem:$0x3FAF]  }
0x2b: {  	s6 =	sld [smem:$0x3FB0]  }
0x2c: {  	s7 =	sld [smem:$0x3FB1]  }
0x2d: {  	s3 =	simm.s32 $0x108;
	s8 =	sld [smem:$0x3FB2]  }
0x2e: {  	s3 =	simm.s32 @!p0 $0x1082;
	s9 =	sld [smem:$0x3FB3]  }
0x2f: {  	lr =	sadd.s32 s0, s3;
	s0 =	sld [smem:$0x3FAA]  }
0x30: {  	s3 =	sld [smem:$0x3FAD]  }
0x31: {  	[smem:$0x3FB6] =	sst s10  }
0x32: {  	s10 =	sld [smem:$0x3FB4];
	_ =	sdelay $0x3  }
0x33: {  	p0 =	seq.s32 s10, $0x1;
	s10 =	sld [smem:$0x3FB6];
	_ =	sdelay $0x3  }
0x34: {  	[smem:$0x3FB6] =	sst s10  }
0x35: {  	s10 =	sld [smem:$0x3FB5];
	_ =	sdelay $0x3  }
0x36: {  	p1 =	seq.s32 s10, $0x1;
	s10 =	sld [smem:$0x3FB6];
	_ =	sdelay $0x3  }
0x37: {  	[smem:$0x3FB6] =	sst s10  }
0x38: {  	s10 =	sld [smem:$0x3FB7]  }
0x39: {  	_ = 	snop;
	(pc) =	sbr.ind lr, $3  }
0x3a: {  	_ = 	snop  }
0x3b: {  	_ = 	snop  }
0x3c: {  	p2 =	seq.s32 s10, $0x1;
	s10 =	sld [smem:$0x3FB6]  }
0x3d: {  	_ =	shalt  }
0x3e: {  	_ =	shalt  }
0x3f: {  	_ =	shalt  }
0x40: {  	_ =	shalt  }
0x41: {  	_ =	shalt  }
0x42: {  	_ =	shalt  }
0x43: {  	_ =	shalt  }
0x44: {  	_ =	shalt  }
0x45: {  	_ =	shalt  }
0x46: {  	_ =	shalt  }
0x47: {  	_ =	shalt  }
0x48: {  	_ =	shalt  }
0x49: {  	_ =	shalt  }
0x4a: {  	_ =	shalt  }
0x4b: {  	_ =	shalt  }
0x4c: {  	_ =	shalt  }
0x4d: {  	_ =	shalt  }
0x4e: {  	_ =	shalt  }
0x4f: {  	_ =	shalt  }
0x50: {  	_ =	shalt  }
0x51: {  	_ =	shalt  }
0x52: {  	_ =	shalt  }
0x53: {  	_ =	shalt  }
0x54: {  	_ =	shalt  }
0x55: {  	_ =	shalt  }
0x56: {  	_ =	shalt  }
0x57: {  	_ =	shalt  }
0x58: {  	_ =	shalt  }
0x59: {  	_ =	shalt  }
0x5a: {  	_ =	shalt  }
0x5b: {  	_ =	shalt  }
0x5c: {  	_ =	shalt  }
0x5d: {  	_ =	shalt  }
0x5e: {  	_ =	shalt  }
0x5f: {  	_ =	shalt  }
0x60: {  	_ =	shalt  }
0x61: {  	_ =	shalt  }
0x62: {  	_ =	shalt  }
0x63: {  	_ =	shalt  }
0x64: {  	_ =	shalt  }
0x65: {  	_ =	shalt  }
0x66: {  	_ =	shalt  }
0x67: {  	_ =	shalt  }
0x68: {  	_ =	shalt  }
0x69: {  	_ =	shalt  }
0x6a: {  	_ =	shalt  }
0x6b: {  	_ =	shalt  }
0x6c: {  	_ =	shalt  }
0x6d: {  	_ =	shalt  }
0x6e: {  	_ =	shalt  }
0x6f: {  	_ =	shalt  }
0x70: {  	_ =	shalt  }
0x71: {  	_ =	shalt  }
0x72: {  	_ =	shalt  }
0x73: {  	_ =	shalt  }
0x74: {  	_ =	shalt  }
0x75: {  	_ =	shalt  }
0x76: {  	_ =	shalt  }
0x77: {  	_ =	shalt  }
0x78: {  	_ =	shalt  }
0x79: {  	_ =	shalt  }
0x7a: {  	_ =	shalt  }
0x7b: {  	_ =	shalt  }
0x7c: {  	_ =	shalt  }
0x7d: {  	_ =	shalt  }
0x7e: {  	_ =	shalt  }
0x7f: {  	_ =	shalt  }
0x80: {  	_ =	shalt  }
0x81: {  	_ =	shalt  }
0x82: {  	_ =	shalt  }
0x83: {  	_ =	shalt  }
0x84: {  	_ =	shalt  }
0x85: {  	_ =	shalt  }
0x86: {  	_ =	shalt  }
0x87: {  	_ =	shalt  }
.Lfunc_end0:
.L_simem_size_0:
called_computation.1_lowered:
.L_overlay_start_0:
0x88: {  	s2 =	sld [smem:$0x3FD9]  }
0x89: {  	s3 =	sld [smem:$0x3FFE];
	_ =	sdelay $0x1  }
0x8a: {  	s1 =	srdreg.scid  }
0x8b: {  	s0 =	sand.u32 $0x1, s1  }
0x8c: {  	s17 =	sshll.u32 s0, $0xA;
	s2 =	sadd.s32 s3, s2  }
0x8d: {  	s2 =	sadd.s32 s2, s17  }
0x8e: {  	[smem:$0x3FC2] =	sst s2  }
0x8f: {  	_ = 	snop  }
0x90: {  	s2 =	sld [smem:$0x3FD0];
	(tm) =	ssettm $0x1  }
0x91: {  	s18 =	sld [smem:$0x3FFB];
	_ =	sdelay $0x3  }
0x92: {  	_ =	strace s18  }
0x93: {  	s3 =	sld [smem:$0x3FFC];
	_ =	sdelay $0x3  }
0x94: {  	_ =	strace s3  }
0x95: {  	s3 =	sld [smem:$0x3FFD];
	_ =	sdelay $0x3  }
0x96: {  	_ =	strace s3  }
0x97: {  	_ =	strace $0x8FFFFFFF  }
0x98: {  	s19 =	sld [smem:$0x3FDB];
	_ =	sdelay $0x1  }
0x99: {  	s4 =	simm.s32 $_scs_section_size  }
0x9a: {  	s5 =	simm.s32 $_size__tile_overlayer_lowered;
	s6 =	simm.s32 $_tile_overlayer_lowered  }
0x9b: {  	s22 =	simm.s32 $0x1BFF;
	s21 =	sshll.u32 s6, $0x1;
	s3 =	sadd.s32 s4, s19  }
0x9c: {  	s7 =	simm.s32 $0x0;
	s20 =	sshll.u32 s5, $0x1;
	s5 =	sadd.s32 s21, s3  }
0x9d: {  	[timem:s7], [sflag:s22] =	dma.local [hbm:s5], s20  }
0x9e: {  	_ =	swait.ge [sflag:s22], s20  }
0x9f: {  	s4 =	ssub.s32 $0x0, s20;
	[sflag:s22] =	ssyncset.done $0x0  }
0xa0: {  	[sflag:s22] =	ssyncadd.s32 s4;
	_ =	sdelay $0x1  }
0xa1: {  	s23 =	simm.s32 $0x1B8B  }
0xa2: {  	_ =	swait.ge [sflag:s23], $0x1  }
0xa3: {  	[sflag:s23] =	ssyncset.done $0x0  }
0xa4: {  	s25 =	simm.s32 $0x1B8E;
	s24 =	sld [smem:$0x3FFE];
	[sflag:s23] =	ssyncadd.s32 $0xFFFFFFFF  }
0xa5: {  	s26 =	simm.s32 $execute0_lowered;
	[smem:$0x3FD2] =	sst s25  }
0xa6: {  	s5 =	sshll.u32 s26, $0x1;
	_ =	strace $0x80000049;
	[dreg:$0x1] =	wrdreg $0xFFFFFFFF  }
0xa7: {  	s28 =	simm.s32 $_size_execute0_lowered;
	s3 =	sadd.s32 s3, s5;
	[dreg:$0x0] =	wrdreg $0x0  }
0xa8: {  	s5 =	sshll.u32 s28, $0x1;
	[dreg:$0x2] =	wrdreg s3  }
0xa9: {  	[dreg:$0x3] =	wrdreg s5  }
0xaa: {  	[dreg:$0x4] =	wrdreg $0xC0  }
0xab: {  	_ =	task [dreg:s7], $0x5FFFF  }
0xac: {  	[dreg:$0x1] =	wrdreg $0xFFFFFFFF  }
0xad: {  	[dreg:$0x0] =	wrdreg $0x60  }
0xae: {  	[dreg:$0x2] =	wrdreg s24  }
0xaf: {  	[dreg:$0x3] =	wrdreg s2  }
0xb0: {  	[dreg:$0x4] =	wrdreg $0x9  }
0xb1: {  	_ =	task.clear_ibuf [dreg:s7], $0x5FFFF;
	_ =	strace $0x90000049  }
0xb2: {  	s29 =	simm.s32 $0x9;
	_ =	strace $0x8000004B  }
0xb3: {  	_ =	swait.ge [sflag:s29], $0x1  }
0xb4: {  	[sflag:s29] =	ssyncadd.s32 $0xFFFFFFFF  }
0xb5: {  	_ =	strace $0x9000004B  }
0xb6: {  	_ =	sfence  }
0xb7: {  	s30 =	sld [smem:$0x0];
	_ =	sdelay $0x2  }
0xb8: {  	s31 =	sshll.u32 s1, $0xD;
	s1 =	sshrl.u32 s1, $0x2  }
0xb9: {  	s3 =	sand.u32 $0x4000, s31;
	s1 =	sadd.s32 s1, s30  }
0xba: {  	s0 =	sor.u32 s3, s0;
	s1 =	sshll.u32 s1, $0x11  }
0xbb: {  	s0 =	sor.u32 s1, s0  }
0xbc: {  	s0 =	sadd.s32 $0x8F2B, s0  }
0xbd: {  	[sflag:s0] =	ssyncadd.remote.s32 $0x1  }
0xbe: {  	_ =	sfence.sel $0xFFFF  }
0xbf: {  	[dreg:$0x0] =	wrdreg $0xFFFFFFFF;
	(pc) =	sbr.abs _section_cstart, $3  }
0xc0: {  	[dreg:$0x1] =	wrdreg $0xFFFFFFFF  }
0xc1: {  	_ =	task.clear_ibuf [dreg:s7], $0x2FFFF;
	_ =	strace $0x9FFFFFFF  }
0xc2: {  	(tm) =	ssettm $0x7FFFFFFF  }
0xc3: {  	_ =	shalt  }
tec
execute0_lowered:
.L_overlay_start_1:
0x0: {  	(tag) =	ssettag $0x1  }
0x1: {  	s0 =	srdreg.scid;
	s8 =	rddreg [dreg:$0x0]  }
0x2: {  	s5 =	stileid.u32;
	s9 =	rddreg [dreg:$0x1];
	s2 =	simm.s32 $0x0  }
0x3: {  	s4 =	simm.s32 $0x1;
	s12 =	simm.s32 $0x2;
	s28 =	simm.s32 $0x11800  }
0x4: {  	s29 =	simm.s32 $0x12000;
	s30 =	simm.s32 $0x12800;
	s31 =	simm.s32 $0x13000  }
0x5: {  	s11 =	simm.s32 $0x14800;
	s13 =	simm.s32 $0x15000;
	s14 =	simm.s32 $0x15800  }
0x6: {  	s15 =	simm.s32 $0x16000;
	s16 =	simm.s32 $0x16800;
	s17 =	simm.s32 $0x17000  }
0x7: {  	s18 =	simm.s32 $0x17800;
	s0 =	sand.u32 $0x1, s0;
	s1 =	sshll.u32 s5, $0x1  }
0x8: {  	s19 =	simm.s32 $0x0;
	[smem:$0x7FF] =	sst s2;
	s1 =	sor.u32 s0, s1  }
0x9: {  	s3 =	sadd.s32 $0x11E00, s8;
	p1 =	seq.s32 s0, $0x1;
	p0 =	seq.s32 s1, $0x0  }
0xa: {  	s6 =	sadd.s32 $0x11C00, s8;
	_ =	strace $0x8000004A;
	p0 =	por !p0, !p1  }
0xb: {  	s24 =	ssub.s32 $0x2, s0;
	s0 =	sshll.u32 s0, $0x6;
	p0 =	por !p0, !p0  }
0xc: {  	s7 =	sshrl.u32 s24, $0x1;
	s1 =	smul.u32 $0x1800, s1;
	s4 =	simm.s32 @!p0 $0x0  }
0xd: {  	s10 =	ssub.s32 s24, s7;
	s7 =	sadd.s32 $0x11F00, s8;
	s4 =	ssub.s32 s5, s4  }
0xe: {  	s8 =	sadd.s32 $0x12000, s8;
	s9 =	sadd.s32 s9, s1;
	s4 =	sshll.u32 s4, $0x7  }
0xf: {  	s10 =	smax.u32 s10, $0x1;
	s1 =	simm.s32 $0x13800;
	s0 =	sor.u32 s0, s4  }
0x10: {  	v2 =	vlaneseq.u32;
	s4 =	simm.s32 $0x1;
	s25 =	sadd.s32 $0x800, s0;
	s0 =	sshrl.u32 s0, $0x3  }
0x11: {  	vm0 =	vmmov $0xffff;
	v1 =	vshrl.u32 v2, $0x3;
	s26 =	sshrl.u32 s25, $0x3;
	s5 =	sadd.s32 s6, s0;
	s25 =	simm.s32 $0x10800  }
0x12: {  	v0 =	vand.u32 $0x7, v2;
	v2 =	vor.u32 $0x8, v2;
	v1 =	vmul.u32 $0x8, v1;
	s0 =	simm.s32 $0x14000;
	s6 =	sadd.s32 s6, s26;
	s26 =	simm.s32 $0x11000  }
.LBB2_1:
0x13: {  	s20 =	simm.s32 $0x18000  }
0x14: {  	[tilespmem:s20], [sflag:$0x2] =	stream.linear.gather [hbm4b:s5+s2], $0x40, $0x38;
	[tilespmem:$0x18100] =	vst v63  }
0x15: {  	_ =	swait.ge [sflag:s12], $0x40  }
0x16: {  	[sflag:s12] =	ssyncset.done $0x0  }
0x17: {  	s23 =	simm.s32 $0x18080;
	[sflag:s12] =	ssyncadd.s32 $0xFFFFFFC0  }
0x18: {  	[tilespmem:s23], [sflag:$0x2] =	stream.linear.gather [hbm4b:s6+s2], $0x40, $0x38;
	[tilespmem:$0x18100] =	vst v63  }
0x19: {  	_ =	swait.ge [sflag:s12], $0x40  }
0x1a: {  	[sflag:s12] =	ssyncset.done $0x0  }
0x1b: {  	[sflag:s12] =	ssyncadd.s32 $0xFFFFFFC0  }
0x1c: {  	v3 =	vld [tilespmem:$0x18000];
	_ =	sdelay $0x4  }
0x1d: {  	v4 =	vshrl.u32 v3, $0x3  }
0x1e: {  	v4 =	vmul.u32 $0x30, v4  }
0x1f: {  	v3 =	vand.u32 $0x7, v3  }
0x20: {  	v3 =	vor.u32 v3, v4  }
0x21: {  	v4 =	vperm.xlane v3, v0;
	_ =	sdelay $0x1  }
0x22: {  	v4 =	vadd.s32 v1, v4;
	_ =	sdelay $0x3  }
0x23: {  	v3 =	vperm.xlane v3, v2  }
0x24: {  	[tilespmem:s2], [sflag:$0x1] =	stream.indirect_vreg.gather [hbm4b:s3+s2], $0x80, v4, vm0, $0xb8;
	[tilespmem:$0x18100] =	vst v63  }
0x25: {  	s24 =	simm.s32 $0x800;
	v3 =	vadd.s32 v1, v3  }
0x26: {  	[tilespmem:s24], [sflag:$0x1] =	stream.indirect_vreg.gather [hbm4b:s7+s2], $0x80, v4, vm0, $0xb8;
	[tilespmem:$0x18100] =	vst v63  }
0x27: {  	s21 =	simm.s32 $0x1000  }
0x28: {  	[tilespmem:s21], [sflag:$0x1] =	stream.indirect_vreg.gather [hbm4b:s8+s2], $0x80, v4, vm0, $0xb8;
	[tilespmem:$0x18100] =	vst v63  }
0x29: {  	s22 =	simm.s32 $0x1800  }
0x2a: {  	[tilespmem:s22], [sflag:$0x1] =	stream.indirect_vreg.gather [hbm4b:s3+s2], $0x80, v3, vm0, $0xb8;
	[tilespmem:$0x18100] =	vst v63  }
0x2b: {  	s23 =	simm.s32 $0x2000  }
0x2c: {  	[tilespmem:s23], [sflag:$0x1] =	stream.indirect_vreg.gather [hbm4b:s7+s2], $0x80, v3, vm0, $0xb8;
	[tilespmem:$0x18100] =	vst v63  }
0x2d: {  	s24 =	simm.s32 $0x2800  }
0x2e: {  	[tilespmem:s24], [sflag:$0x1] =	stream.indirect_vreg.gather [hbm4b:s8+s2], $0x80, v3, vm0, $0xb8;
	[tilespmem:$0x18100] =	vst v63  }
0x2f: {  	v3 =	vld [tilespmem:$0x18010];
	_ =	sdelay $0x4  }
0x30: {  	v4 =	vshrl.u32 v3, $0x3  }
0x31: {  	v4 =	vmul.u32 $0x30, v4  }
0x32: {  	v3 =	vand.u32 $0x7, v3  }
0x33: {  	v3 =	vor.u32 v3, v4  }
0x34: {  	v4 =	vperm.xlane v3, v0;
	_ =	sdelay $0x1  }
0x35: {  	v4 =	vadd.s32 v1, v4;
	_ =	sdelay $0x3  }
0x36: {  	s21 =	simm.s32 $0x3000;
	v3 =	vperm.xlane v3, v2  }
0x37: {  	[tilespmem:s21], [sflag:$0x1] =	stream.indirect_vreg.gather [hbm4b:s3+s2], $0x80, v4, vm0, $0xb8;
	[tilespmem:$0x18100] =	vst v63  }
0x38: {  	s22 =	simm.s32 $0x3800;
	v3 =	vadd.s32 v1, v3  }
0x39: {  	[tilespmem:s22], [sflag:$0x1] =	stream.indirect_vreg.gather [hbm4b:s7+s2], $0x80, v4, vm0, $0xb8;
	[tilespmem:$0x18100] =	vst v63  }
0x3a: {  	s23 =	simm.s32 $0x4000  }
0x3b: {  	[tilespmem:s23], [sflag:$0x1] =	stream.indirect_vreg.gather [hbm4b:s8+s2], $0x80, v4, vm0, $0xb8;
	[tilespmem:$0x18100] =	vst v63  }
0x3c: {  	s24 =	simm.s32 $0x4800  }
0x3d: {  	[tilespmem:s24], [sflag:$0x1] =	stream.indirect_vreg.gather [hbm4b:s3+s2], $0x80, v3, vm0, $0xb8;
	[tilespmem:$0x18100] =	vst v63  }
0x3e: {  	s21 =	simm.s32 $0x5000  }
0x3f: {  	[tilespmem:s21], [sflag:$0x1] =	stream.indirect_vreg.gather [hbm4b:s7+s2], $0x80, v3, vm0, $0xb8;
	[tilespmem:$0x18100] =	vst v63  }
0x40: {  	s22 =	simm.s32 $0x5800  }
0x41: {  	[tilespmem:s22], [sflag:$0x1] =	stream.indirect_vreg.gather [hbm4b:s8+s2], $0x80, v3, vm0, $0xb8;
	[tilespmem:$0x18100] =	vst v63  }
0x42: {  	v3 =	vld [tilespmem:$0x18020];
	_ =	sdelay $0x4  }
0x43: {  	v4 =	vshrl.u32 v3, $0x3  }
0x44: {  	v4 =	vmul.u32 $0x30, v4  }
0x45: {  	v3 =	vand.u32 $0x7, v3  }
0x46: {  	v3 =	vor.u32 v3, v4  }
0x47: {  	v4 =	vperm.xlane v3, v0;
	_ =	sdelay $0x1  }
0x48: {  	v4 =	vadd.s32 v1, v4;
	_ =	sdelay $0x3  }
0x49: {  	s23 =	simm.s32 $0x6000;
	v3 =	vperm.xlane v3, v2  }
0x4a: {  	[tilespmem:s23], [sflag:$0x1] =	stream.indirect_vreg.gather [hbm4b:s3+s2], $0x80, v4, vm0, $0xb8;
	[tilespmem:$0x18100] =	vst v63  }
0x4b: {  	s24 =	simm.s32 $0x6800;
	v3 =	vadd.s32 v1, v3  }
0x4c: {  	[tilespmem:s24], [sflag:$0x1] =	stream.indirect_vreg.gather [hbm4b:s7+s2], $0x80, v4, vm0, $0xb8;
	[tilespmem:$0x18100] =	vst v63  }
0x4d: {  	s21 =	simm.s32 $0x7000  }
0x4e: {  	[tilespmem:s21], [sflag:$0x1] =	stream.indirect_vreg.gather [hbm4b:s8+s2], $0x80, v4, vm0, $0xb8;
	[tilespmem:$0x18100] =	vst v63  }
0x4f: {  	s22 =	simm.s32 $0x7800  }
0x50: {  	[tilespmem:s22], [sflag:$0x1] =	stream.indirect_vreg.gather [hbm4b:s3+s2], $0x80, v3, vm0, $0xb8;
	[tilespmem:$0x18100] =	vst v63  }
0x51: {  	s23 =	simm.s32 $0x8000  }
0x52: {  	[tilespmem:s23], [sflag:$0x1] =	stream.indirect_vreg.gather [hbm4b:s7+s2], $0x80, v3, vm0, $0xb8;
	[tilespmem:$0x18100] =	vst v63  }
0x53: {  	s24 =	simm.s32 $0x8800  }
0x54: {  	[tilespmem:s24], [sflag:$0x1] =	stream.indirect_vreg.gather [hbm4b:s8+s2], $0x80, v3, vm0, $0xb8;
	[tilespmem:$0x18100] =	vst v63  }
0x55: {  	v3 =	vld [tilespmem:$0x18030];
	_ =	sdelay $0x4  }
0x56: {  	v4 =	vshrl.u32 v3, $0x3  }
0x57: {  	v4 =	vmul.u32 $0x30, v4  }
0x58: {  	v3 =	vand.u32 $0x7, v3  }
0x59: {  	v3 =	vor.u32 v3, v4  }
0x5a: {  	v4 =	vperm.xlane v3, v0;
	_ =	sdelay $0x1  }
0x5b: {  	v4 =	vadd.s32 v1, v4;
	_ =	sdelay $0x3  }
0x5c: {  	s21 =	simm.s32 $0x9000;
	v3 =	vperm.xlane v3, v2  }
0x5d: {  	[tilespmem:s21], [sflag:$0x1] =	stream.indirect_vreg.gather [hbm4b:s3+s2], $0x80, v4, vm0, $0xb8;
	[tilespmem:$0x18100] =	vst v63  }
0x5e: {  	s22 =	simm.s32 $0x9800;
	v3 =	vadd.s32 v1, v3  }
0x5f: {  	[tilespmem:s22], [sflag:$0x1] =	stream.indirect_vreg.gather [hbm4b:s7+s2], $0x80, v4, vm0, $0xb8;
	[tilespmem:$0x18100] =	vst v63  }
0x60: {  	s23 =	simm.s32 $0xA000  }
0x61: {  	[tilespmem:s23], [sflag:$0x1] =	stream.indirect_vreg.gather [hbm4b:s8+s2], $0x80, v4, vm0, $0xb8;
	[tilespmem:$0x18100] =	vst v63  }
0x62: {  	s24 =	simm.s32 $0xA800  }
0x63: {  	[tilespmem:s24], [sflag:$0x1] =	stream.indirect_vreg.gather [hbm4b:s3+s2], $0x80, v3, vm0, $0xb8;
	[tilespmem:$0x18100] =	vst v63  }
0x64: {  	s21 =	simm.s32 $0xB000  }
0x65: {  	[tilespmem:s21], [sflag:$0x1] =	stream.indirect_vreg.gather [hbm4b:s7+s2], $0x80, v3, vm0, $0xb8;
	[tilespmem:$0x18100] =	vst v63  }
0x66: {  	s22 =	simm.s32 $0xB800  }
0x67: {  	[tilespmem:s22], [sflag:$0x1] =	stream.indirect_vreg.gather [hbm4b:s8+s2], $0x80, v3, vm0, $0xb8;
	[tilespmem:$0x18100] =	vst v63  }
0x68: {  	v3 =	vld [tilespmem:$0x18080];
	_ =	sdelay $0x4  }
0x69: {  	v4 =	vshrl.u32 v3, $0x3  }
0x6a: {  	v4 =	vmul.u32 $0x30, v4  }
0x6b: {  	v3 =	vand.u32 $0x7, v3  }
0x6c: {  	v3 =	vor.u32 v3, v4  }
0x6d: {  	v4 =	vperm.xlane v3, v0;
	_ =	sdelay $0x1  }
0x6e: {  	v4 =	vadd.s32 v1, v4;
	_ =	sdelay $0x3  }
0x6f: {  	s23 =	simm.s32 $0xC000;
	v3 =	vperm.xlane v3, v2  }
0x70: {  	[tilespmem:s23], [sflag:$0x1] =	stream.indirect_vreg.gather [hbm4b:s3+s2], $0x80, v4, vm0, $0xb8;
	[tilespmem:$0x18100] =	vst v63  }
0x71: {  	s24 =	simm.s32 $0xC800;
	v3 =	vadd.s32 v1, v3  }
0x72: {  	[tilespmem:s24], [sflag:$0x1] =	stream.indirect_vreg.gather [hbm4b:s7+s2], $0x80, v4, vm0, $0xb8;
	[tilespmem:$0x18100] =	vst v63  }
0x73: {  	s21 =	simm.s32 $0xD000  }
0x74: {  	[tilespmem:s21], [sflag:$0x1] =	stream.indirect_vreg.gather [hbm4b:s8+s2], $0x80, v4, vm0, $0xb8;
	[tilespmem:$0x18100] =	vst v63  }
0x75: {  	s22 =	simm.s32 $0xD800  }
0x76: {  	[tilespmem:s22], [sflag:$0x1] =	stream.indirect_vreg.gather [hbm4b:s3+s2], $0x80, v3, vm0, $0xb8;
	[tilespmem:$0x18100] =	vst v63  }
0x77: {  	s23 =	simm.s32 $0xE000  }
0x78: {  	[tilespmem:s23], [sflag:$0x1] =	stream.indirect_vreg.gather [hbm4b:s7+s2], $0x80, v3, vm0, $0xb8;
	[tilespmem:$0x18100] =	vst v63  }
0x79: {  	s24 =	simm.s32 $0xE800  }
0x7a: {  	[tilespmem:s24], [sflag:$0x1] =	stream.indirect_vreg.gather [hbm4b:s8+s2], $0x80, v3, vm0, $0xb8;
	[tilespmem:$0x18100] =	vst v63  }
0x7b: {  	v3 =	vld [tilespmem:$0x18090];
	_ =	sdelay $0x4  }
0x7c: {  	v4 =	vshrl.u32 v3, $0x3  }
0x7d: {  	v4 =	vmul.u32 $0x30, v4  }
0x7e: {  	v3 =	vand.u32 $0x7, v3  }
0x7f: {  	v3 =	vor.u32 v3, v4  }
0x80: {  	v4 =	vperm.xlane v3, v0;
	_ =	sdelay $0x1  }
0x81: {  	v4 =	vadd.s32 v1, v4;
	_ =	sdelay $0x3  }
0x82: {  	s21 =	simm.s32 $0xF000;
	v3 =	vperm.xlane v3, v2  }
0x83: {  	[tilespmem:s21], [sflag:$0x1] =	stream.indirect_vreg.gather [hbm4b:s3+s2], $0x80, v4, vm0, $0xb8;
	[tilespmem:$0x18100] =	vst v63  }
0x84: {  	s22 =	simm.s32 $0xF800;
	v3 =	vadd.s32 v1, v3  }
0x85: {  	[tilespmem:s22], [sflag:$0x1] =	stream.indirect_vreg.gather [hbm4b:s7+s2], $0x80, v4, vm0, $0xb8;
	[tilespmem:$0x18100] =	vst v63  }
0x86: {  	s23 =	simm.s32 $0x10000  }
0x87: {  	[tilespmem:s23], [sflag:$0x1] =	stream.indirect_vreg.gather [hbm4b:s8+s2], $0x80, v4, vm0, $0xb8;
	[tilespmem:$0x18100] =	vst v63  }
0x88: {  	_ = 	snop  }
0x89: {  	[tilespmem:s25], [sflag:$0x1] =	stream.indirect_vreg.gather [hbm4b:s3+s2], $0x80, v3, vm0, $0xb8;
	[tilespmem:$0x18100] =	vst v63  }
0x8a: {  	_ = 	snop  }
0x8b: {  	[tilespmem:s26], [sflag:$0x1] =	stream.indirect_vreg.gather [hbm4b:s7+s2], $0x80, v3, vm0, $0xb8;
	[tilespmem:$0x18100] =	vst v63  }
0x8c: {  	_ = 	snop  }
0x8d: {  	[tilespmem:s28], [sflag:$0x1] =	stream.indirect_vreg.gather [hbm4b:s8+s2], $0x80, v3, vm0, $0xb8;
	[tilespmem:$0x18100] =	vst v63  }
0x8e: {  	v3 =	vld [tilespmem:$0x180A0];
	_ =	sdelay $0x4  }
0x8f: {  	v4 =	vshrl.u32 v3, $0x3  }
0x90: {  	v4 =	vmul.u32 $0x30, v4  }
0x91: {  	v3 =	vand.u32 $0x7, v3  }
0x92: {  	v3 =	vor.u32 v3, v4  }
0x93: {  	v4 =	vperm.xlane v3, v0;
	_ =	sdelay $0x1  }
0x94: {  	v4 =	vadd.s32 v1, v4;
	_ =	sdelay $0x3  }
0x95: {  	v3 =	vperm.xlane v3, v2  }
0x96: {  	[tilespmem:s29], [sflag:$0x1] =	stream.indirect_vreg.gather [hbm4b:s3+s2], $0x80, v4, vm0, $0xb8;
	[tilespmem:$0x18100] =	vst v63  }
0x97: {  	v3 =	vadd.s32 v1, v3  }
0x98: {  	[tilespmem:s30], [sflag:$0x1] =	stream.indirect_vreg.gather [hbm4b:s7+s2], $0x80, v4, vm0, $0xb8;
	[tilespmem:$0x18100] =	vst v63  }
0x99: {  	_ = 	snop  }
0x9a: {  	[tilespmem:s31], [sflag:$0x1] =	stream.indirect_vreg.gather [hbm4b:s8+s2], $0x80, v4, vm0, $0xb8;
	[tilespmem:$0x18100] =	vst v63  }
0x9b: {  	_ = 	snop  }
0x9c: {  	[tilespmem:s1], [sflag:$0x1] =	stream.indirect_vreg.gather [hbm4b:s3+s2], $0x80, v3, vm0, $0xb8;
	[tilespmem:$0x18100] =	vst v63  }
0x9d: {  	_ = 	snop  }
0x9e: {  	[tilespmem:s0], [sflag:$0x1] =	stream.indirect_vreg.gather [hbm4b:s7+s2], $0x80, v3, vm0, $0xb8;
	[tilespmem:$0x18100] =	vst v63  }
0x9f: {  	_ = 	snop  }
0xa0: {  	[tilespmem:s11], [sflag:$0x1] =	stream.indirect_vreg.gather [hbm4b:s8+s2], $0x80, v3, vm0, $0xb8;
	[tilespmem:$0x18100] =	vst v63  }
0xa1: {  	v3 =	vld [tilespmem:$0x180B0];
	_ =	sdelay $0x4  }
0xa2: {  	v4 =	vshrl.u32 v3, $0x3  }
0xa3: {  	v4 =	vmul.u32 $0x30, v4  }
0xa4: {  	v3 =	vand.u32 $0x7, v3  }
0xa5: {  	v3 =	vor.u32 v3, v4  }
0xa6: {  	v4 =	vperm.xlane v3, v0;
	_ =	sdelay $0x1  }
0xa7: {  	v4 =	vadd.s32 v1, v4;
	_ =	sdelay $0x3  }
0xa8: {  	v3 =	vperm.xlane v3, v2  }
0xa9: {  	[tilespmem:s13], [sflag:$0x1] =	stream.indirect_vreg.gather [hbm4b:s3+s2], $0x80, v4, vm0, $0xb8;
	[tilespmem:$0x18100] =	vst v63  }
0xaa: {  	v3 =	vadd.s32 v1, v3  }
0xab: {  	[tilespmem:s14], [sflag:$0x1] =	stream.indirect_vreg.gather [hbm4b:s7+s2], $0x80, v4, vm0, $0xb8;
	[tilespmem:$0x18100] =	vst v63  }
0xac: {  	_ = 	snop  }
0xad: {  	[tilespmem:s15], [sflag:$0x1] =	stream.indirect_vreg.gather [hbm4b:s8+s2], $0x80, v4, vm0, $0xb8;
	[tilespmem:$0x18100] =	vst v63  }
0xae: {  	_ = 	snop  }
0xaf: {  	[tilespmem:s16], [sflag:$0x1] =	stream.indirect_vreg.gather [hbm4b:s3+s2], $0x80, v3, vm0, $0xb8;
	[tilespmem:$0x18100] =	vst v63  }
0xb0: {  	_ = 	snop  }
0xb1: {  	[tilespmem:s17], [sflag:$0x1] =	stream.indirect_vreg.gather [hbm4b:s7+s2], $0x80, v3, vm0, $0xb8;
	[tilespmem:$0x18100] =	vst v63  }
0xb2: {  	_ = 	snop  }
0xb3: {  	[tilespmem:s18], [sflag:$0x1] =	stream.indirect_vreg.gather [hbm4b:s8+s2], $0x80, v3, vm0, $0xb8;
	[tilespmem:$0x18100] =	vst v63  }
0xb4: {  	_ =	swait.ge [sflag:s4], $0xC000  }
0xb5: {  	[sflag:s4] =	ssyncset.done $0x0  }
0xb6: {  	s24 =	simm.s32 $0x0;
	[sflag:s4] =	ssyncadd.s32 $0xFFFF4000  }
0xb7: {  	s20 =	smul.u32 $0x1800, s24;
	_ =	swait.ge [sflag:s4], $0xC000  }
0xb8: {  	s21 =	sand.u32 $0x380, s2;
	[sflag:s4] =	ssyncset.done $0x0  }
0xb9: {  	s20 =	sor.u32 s21, s20;
	[sflag:s4] =	ssyncadd.s32 $0xFFFF4000  }
0xba: {  	v12 =	vld [tilespmem:s20+$0xC000]  }
0xbb: {  	v13 =	vld [tilespmem:s20+$0xC010]  }
0xbc: {  	v14 =	vld [tilespmem:s20+$0xC020]  }
0xbd: {  	v15 =	vld [tilespmem:s20+$0xC030]  }
0xbe: {  	v16 =	vld [tilespmem:s20+$0xC040]  }
0xbf: {  	v17 =	vld [tilespmem:s20+$0xC050]  }
0xc0: {  	v18 =	vld [tilespmem:s20+$0xC060]  }
0xc1: {  	v19 =	vld [tilespmem:s20+$0xC070]  }
0xc2: {  	v20 =	vld [tilespmem:s20+$0xC400]  }
0xc3: {  	v21 =	vld [tilespmem:s20+$0xC410]  }
0xc4: {  	v22 =	vld [tilespmem:s20+$0xC420]  }
0xc5: {  	v23 =	vld [tilespmem:s20+$0xC430]  }
0xc6: {  	v24 =	vld [tilespmem:s20+$0xC440]  }
0xc7: {  	v25 =	vld [tilespmem:s20+$0xC450]  }
0xc8: {  	v26 =	vld [tilespmem:s20+$0xC460]  }
0xc9: {  	v27 =	vld [tilespmem:s20+$0xC470]  }
0xca: {  	v28 =	vld [tilespmem:s20+$0xC800]  }
0xcb: {  	v29 =	vld [tilespmem:s20+$0xC810]  }
0xcc: {  	v30 =	vld [tilespmem:s20+$0xC820]  }
0xcd: {  	v31 =	vld [tilespmem:s20+$0xC830]  }
0xce: {  	v32 =	vld [tilespmem:s20+$0xC840]  }
0xcf: {  	v33 =	vld [tilespmem:s20+$0xC850]  }
0xd0: {  	v34 =	vld [tilespmem:s20+$0xC860]  }
0xd1: {  	v35 =	vld [tilespmem:s20+$0xC870]  }
0xd2: {  	v36 =	vld [tilespmem:s20+$0xCC00]  }
0xd3: {  	v37 =	vld [tilespmem:s20+$0xCC10]  }
0xd4: {  	v38 =	vld [tilespmem:s20+$0xCC20]  }
0xd5: {  	v39 =	vld [tilespmem:s20+$0xCC30]  }
0xd6: {  	v40 =	vld [tilespmem:s20+$0xCC40]  }
0xd7: {  	v41 =	vld [tilespmem:s20+$0xCC50]  }
0xd8: {  	v42 =	vld [tilespmem:s20+$0xCC60]  }
0xd9: {  	v43 =	vld [tilespmem:s20+$0xCC70]  }
0xda: {  	v44 =	vld [tilespmem:s20+$0xD000]  }
0xdb: {  	v45 =	vld [tilespmem:s20+$0xD010]  }
0xdc: {  	v46 =	vld [tilespmem:s20+$0xD020]  }
0xdd: {  	v47 =	vld [tilespmem:s20+$0xD030]  }
0xde: {  	v48 =	vld [tilespmem:s20+$0xD040]  }
0xdf: {  	v49 =	vld [tilespmem:s20+$0xD050]  }
0xe0: {  	v50 =	vld [tilespmem:s20+$0xD060]  }
0xe1: {  	v11 =	vld [tilespmem:s20+$0xD070]  }
0xe2: {  	v10 =	vld [tilespmem:s20+$0xD400]  }
0xe3: {  	v9 =	vld [tilespmem:s20+$0xD410]  }
0xe4: {  	v8 =	vld [tilespmem:s20+$0xD420]  }
0xe5: {  	v7 =	vld [tilespmem:s20+$0xD430]  }
0xe6: {  	v6 =	vld [tilespmem:s20+$0xD440]  }
0xe7: {  	v51 =	vld [tilespmem:s20+$0x0]  }
0xe8: {  	v52 =	vld [tilespmem:s20+$0x10]  }
0xe9: {  	v53 =	vld [tilespmem:s20+$0x20]  }
0xea: {  	v54 =	vld [tilespmem:s20+$0x30]  }
0xeb: {  	v55 =	vld [tilespmem:s20+$0x40]  }
0xec: {  	v62 =	vld [tilespmem:s20+$0x50];
	v12 =	vadd.f32 v12, v51  }
0xed: {  	v63 =	vld [tilespmem:s20+$0x60];
	v13 =	vadd.f32 v13, v52  }
0xee: {  	[tilespmem:s20+$0x0] =	vst v12;
	v12 =	vadd.f32 v14, v53;
	v14 =	vld [tilespmem:s20+$0x70]  }
0xef: {  	[tilespmem:s20+$0x10] =	vst v13;
	v13 =	vadd.f32 v15, v54;
	v15 =	vld [tilespmem:s20+$0x400]  }
0xf0: {  	[tilespmem:s20+$0x20] =	vst v12;
	v12 =	vadd.f32 v16, v55;
	v16 =	vld [tilespmem:s20+$0x410]  }
0xf1: {  	[tilespmem:s20+$0x30] =	vst v13;
	v13 =	vadd.f32 v17, v62;
	v17 =	vld [tilespmem:s20+$0x420]  }
0xf2: {  	v5 =	vld [tilespmem:s20+$0xD450]  }
0xf3: {  	[tilespmem:s20+$0x40] =	vst v12;
	v12 =	vadd.f32 v18, v63;
	v18 =	vld [tilespmem:s20+$0x470]  }
0xf4: {  	[tilespmem:s20+$0x50] =	vst v13;
	v13 =	vadd.f32 v19, v14;
	v14 =	vld [tilespmem:s20+$0x430]  }
0xf5: {  	[tilespmem:s20+$0x60] =	vst v12;
	v12 =	vadd.f32 v20, v15;
	v15 =	vld [tilespmem:s20+$0x440]  }
0xf6: {  	[tilespmem:s20+$0x70] =	vst v13;
	v13 =	vadd.f32 v21, v16;
	v16 =	vadd.f32 v22, v17;
	v17 =	vld [tilespmem:s20+$0x460]  }
0xf7: {  	[tilespmem:s20+$0x400] =	vst v12;
	v12 =	vld [tilespmem:s20+$0x450]  }
0xf8: {  	[tilespmem:s20+$0x410] =	vst v13;
	v13 =	vld [tilespmem:s20+$0x800];
	v18 =	vadd.f32 v27, v18  }
0xf9: {  	[tilespmem:s20+$0x420] =	vst v16;
	v16 =	vld [tilespmem:s20+$0x810];
	v14 =	vadd.f32 v23, v14  }
0xfa: {  	v4 =	vld [tilespmem:s20+$0xD460];
	v15 =	vadd.f32 v24, v15;
	[tilespmem:s20+$0x470] =	vst v18  }
0xfb: {  	[tilespmem:s20+$0x430] =	vst v14;
	v14 =	vld [tilespmem:s20+$0x820];
	v17 =	vadd.f32 v26, v17  }
0xfc: {  	v12 =	vadd.f32 v25, v12;
	[tilespmem:s20+$0x440] =	vst v15;
	v15 =	vld [tilespmem:s20+$0x830]  }
0xfd: {  	v18 =	vld [tilespmem:s20+$0x870];
	[tilespmem:s20+$0x460] =	vst v17;
	v13 =	vadd.f32 v28, v13  }
0xfe: {  	v16 =	vadd.f32 v29, v16;
	[tilespmem:s20+$0x450] =	vst v12;
	v12 =	vld [tilespmem:s20+$0x840]  }
0xff: {  	v17 =	vld [tilespmem:s20+$0x850];
	[tilespmem:s20+$0x800] =	vst v13  }
0x100: {  	[tilespmem:s20+$0x810] =	vst v16;
	v16 =	vld [tilespmem:s20+$0x860];
	v13 =	vadd.f32 v30, v14  }
0x101: {  	v14 =	vld [tilespmem:s20+$0xC00];
	v15 =	vadd.f32 v31, v15  }
0x102: {  	[tilespmem:s20+$0x820] =	vst v13;
	v13 =	vld [tilespmem:s20+$0xC10]  }
0x103: {  	v12 =	vadd.f32 v32, v12;
	[tilespmem:s20+$0x830] =	vst v15;
	v15 =	vld [tilespmem:s20+$0xC20]  }
0x104: {  	v3 =	vld [tilespmem:s20+$0xD470];
	v17 =	vadd.f32 v33, v17  }
0x105: {  	v16 =	vadd.f32 v34, v16;
	[tilespmem:s20+$0x840] =	vst v12;
	v12 =	vld [tilespmem:s20+$0xC30]  }
0x106: {  	[tilespmem:s20+$0x850] =	vst v17;
	v17 =	vld [tilespmem:s20+$0xC40];
	v14 =	vadd.f32 v36, v14  }
0x107: {  	v18 =	vadd.f32 v35, v18;
	[tilespmem:s20+$0x860] =	vst v16;
	v16 =	vld [tilespmem:s20+$0xC50]  }
0x108: {  	v13 =	vadd.f32 v37, v13;
	[tilespmem:s20+$0xC00] =	vst v14;
	v14 =	vadd.f32 v38, v15;
	v15 =	vld [tilespmem:s20+$0xC60]  }
0x109: {  	[tilespmem:s20+$0x870] =	vst v18;
	v18 =	vld [tilespmem:s20+$0xC70]  }
0x10a: {  	[tilespmem:s20+$0xC10] =	vst v13;
	v13 =	vld [tilespmem:s20+$0x1000];
	v12 =	vadd.f32 v39, v12  }
0x10b: {  	v17 =	vadd.f32 v40, v17;
	[tilespmem:s20+$0xC20] =	vst v14;
	v14 =	vld [tilespmem:s20+$0x1010]  }
0x10c: {  	v16 =	vadd.f32 v41, v16;
	[tilespmem:s20+$0xC30] =	vst v12;
	v12 =	vld [tilespmem:s20+$0x1020]  }
0x10d: {  	[tilespmem:s20+$0xC40] =	vst v17;
	v17 =	vld [tilespmem:s20+$0x1030];
	v15 =	vadd.f32 v42, v15  }
0x10e: {  	v19 =	vld [tilespmem:s20+$0x1040];
	[tilespmem:s20+$0xC50] =	vst v16;
	v16 =	vadd.f32 v43, v18  }
0x10f: {  	v18 =	vld [tilespmem:s20+$0x1050];
	v13 =	vadd.f32 v44, v13;
	[tilespmem:s20+$0xC60] =	vst v15  }
0x110: {  	v20 =	vld [tilespmem:s20+$0x1060];
	[tilespmem:s20+$0xC70] =	vst v16;
	v14 =	vadd.f32 v45, v14  }
0x111: {  	v16 =	vld [tilespmem:s20+$0x1070];
	[tilespmem:s20+$0x1000] =	vst v13;
	v12 =	vadd.f32 v46, v12  }
0x112: {  	v15 =	vld [tilespmem:s20+$0x1400];
	v13 =	vadd.f32 v47, v17;
	[tilespmem:s20+$0x1010] =	vst v14  }
0x113: {  	v14 =	vld [tilespmem:s20+$0x1410];
	[tilespmem:s20+$0x1020] =	vst v12;
	v12 =	vadd.f32 v48, v19  }
0x114: {  	[tilespmem:s20+$0x1030] =	vst v13;
	v13 =	vld [tilespmem:s20+$0x1420];
	v18 =	vadd.f32 v49, v18  }
0x115: {  	s21 =	simm.s32 $0x1;
	s22 =	simm.s32 $0x0;
	v17 =	vadd.f32 v50, v20;
	[tilespmem:s20+$0x1040] =	vst v12;
	v12 =	vld [tilespmem:s20+$0x1430]  }
.LBB2_2:
0x116: {  	s23 =	sshrl.u32 s21, $0x3;
	p0 =	sne.s32 s21, $0x3F;
	[tilespmem:s20+$0x1050] =	vst v18;
	v11 =	vadd.f32 v11, v16;
	v16 =	vld [tilespmem:s20+$0x1440]  }
0x117: {  	s22 =	sadd.s32 $0x80, s22;
	s23 =	smul.u32 $0x1800, s23;
	[tilespmem:s20+$0x1060] =	vst v17;
	v10 =	vadd.f32 v10, v15;
	v15 =	vld [tilespmem:s20+$0x1450]  }
0x118: {  	s24 =	sand.u32 $0x380, s22;
	[tilespmem:s20+$0x1070] =	vst v11;
	v9 =	vadd.f32 v9, v14;
	v11 =	vld [tilespmem:s20+$0x1460]  }
0x119: {  	s23 =	sor.u32 s24, s23;
	[tilespmem:s20+$0x1400] =	vst v10;
	v8 =	vadd.f32 v8, v13;
	v10 =	vld [tilespmem:s20+$0x1470]  }
0x11a: {  	v39 =	vld [tilespmem:s23+$0xC000];
	[tilespmem:s20+$0x1410] =	vst v9;
	v7 =	vadd.f32 v7, v12  }
0x11b: {  	v40 =	vld [tilespmem:s23+$0xC010];
	[tilespmem:s20+$0x1420] =	vst v8;
	v6 =	vadd.f32 v6, v16  }
0x11c: {  	v41 =	vld [tilespmem:s23+$0xC020];
	[tilespmem:s20+$0x1430] =	vst v7;
	v5 =	vadd.f32 v5, v15  }
0x11d: {  	v42 =	vld [tilespmem:s23+$0xC030];
	[tilespmem:s20+$0x1440] =	vst v6;
	v4 =	vadd.f32 v4, v11  }
0x11e: {  	v43 =	vld [tilespmem:s23+$0xC040];
	[tilespmem:s20+$0x1450] =	vst v5;
	v3 =	vadd.f32 v3, v10  }
0x11f: {  	v44 =	vld [tilespmem:s23+$0xC050];
	[tilespmem:s20+$0x1460] =	vst v4  }
0x120: {  	v45 =	vld [tilespmem:s23+$0xC060];
	[tilespmem:s20+$0x1470] =	vst v3;
	s20 =	smov.u32 s23  }
0x121: {  	v46 =	vld [tilespmem:s20+$0xC070]  }
0x122: {  	v47 =	vld [tilespmem:s20+$0xC400]  }
0x123: {  	v48 =	vld [tilespmem:s20+$0xC410]  }
0x124: {  	v49 =	vld [tilespmem:s20+$0xC420]  }
0x125: {  	v50 =	vld [tilespmem:s20+$0xC430]  }
0x126: {  	v38 =	vld [tilespmem:s20+$0xC440]  }
0x127: {  	v37 =	vld [tilespmem:s20+$0xC450]  }
0x128: {  	v36 =	vld [tilespmem:s20+$0xC460]  }
0x129: {  	v35 =	vld [tilespmem:s20+$0xC470]  }
0x12a: {  	v34 =	vld [tilespmem:s20+$0xC800]  }
0x12b: {  	v33 =	vld [tilespmem:s20+$0xC810]  }
0x12c: {  	v32 =	vld [tilespmem:s20+$0xC820]  }
0x12d: {  	v31 =	vld [tilespmem:s20+$0xC830]  }
0x12e: {  	v30 =	vld [tilespmem:s20+$0xC840]  }
0x12f: {  	v29 =	vld [tilespmem:s20+$0xC850]  }
0x130: {  	v28 =	vld [tilespmem:s20+$0xC860]  }
0x131: {  	v27 =	vld [tilespmem:s20+$0xC870]  }
0x132: {  	v26 =	vld [tilespmem:s20+$0xCC00]  }
0x133: {  	v25 =	vld [tilespmem:s20+$0xCC10]  }
0x134: {  	v24 =	vld [tilespmem:s20+$0xCC20]  }
0x135: {  	v23 =	vld [tilespmem:s20+$0xCC30]  }
0x136: {  	v22 =	vld [tilespmem:s20+$0xCC40]  }
0x137: {  	v21 =	vld [tilespmem:s20+$0xCC50]  }
0x138: {  	v20 =	vld [tilespmem:s20+$0xCC60]  }
0x139: {  	v19 =	vld [tilespmem:s20+$0xCC70]  }
0x13a: {  	v18 =	vld [tilespmem:s20+$0xD000]  }
0x13b: {  	v17 =	vld [tilespmem:s20+$0xD010]  }
0x13c: {  	v16 =	vld [tilespmem:s20+$0xD020]  }
0x13d: {  	v15 =	vld [tilespmem:s20+$0xD030]  }
0x13e: {  	v14 =	vld [tilespmem:s20+$0xD040]  }
0x13f: {  	v13 =	vld [tilespmem:s20+$0xD050]  }
0x140: {  	v12 =	vld [tilespmem:s20+$0xD060]  }
0x141: {  	v11 =	vld [tilespmem:s20+$0xD070]  }
0x142: {  	v10 =	vld [tilespmem:s20+$0xD400]  }
0x143: {  	v9 =	vld [tilespmem:s20+$0xD410]  }
0x144: {  	v8 =	vld [tilespmem:s20+$0xD420]  }
0x145: {  	v7 =	vld [tilespmem:s20+$0xD430]  }
0x146: {  	v6 =	vld [tilespmem:s20+$0xD440]  }
0x147: {  	v5 =	vld [tilespmem:s20+$0xD450]  }
0x148: {  	v4 =	vld [tilespmem:s20+$0xD460]  }
0x149: {  	v3 =	vld [tilespmem:s20+$0xD470]  }
0x14a: {  	v51 =	vld [tilespmem:s20+$0x0]  }
0x14b: {  	v52 =	vld [tilespmem:s20+$0x10]  }
0x14c: {  	v53 =	vld [tilespmem:s20+$0x20]  }
0x14d: {  	v54 =	vld [tilespmem:s20+$0x30]  }
0x14e: {  	v55 =	vld [tilespmem:s20+$0x40]  }
0x14f: {  	v39 =	vadd.f32 v39, v51;
	v51 =	vld [tilespmem:s20+$0x50]  }
0x150: {  	v40 =	vadd.f32 v40, v52;
	v52 =	vld [tilespmem:s20+$0x60]  }
0x151: {  	[tilespmem:s20+$0x0] =	vst v39;
	v39 =	vadd.f32 v41, v53;
	v41 =	vld [tilespmem:s20+$0x70]  }
0x152: {  	[tilespmem:s20+$0x10] =	vst v40;
	v40 =	vadd.f32 v42, v54;
	v42 =	vld [tilespmem:s20+$0x400]  }
0x153: {  	[tilespmem:s20+$0x20] =	vst v39;
	v39 =	vadd.f32 v43, v55;
	v43 =	vld [tilespmem:s20+$0x410]  }
0x154: {  	[tilespmem:s20+$0x30] =	vst v40;
	v40 =	vadd.f32 v44, v51;
	v44 =	vld [tilespmem:s20+$0x420]  }
0x155: {  	[tilespmem:s20+$0x40] =	vst v39;
	v39 =	vadd.f32 v45, v52;
	v45 =	vld [tilespmem:s20+$0x430]  }
0x156: {  	[tilespmem:s20+$0x50] =	vst v40;
	v40 =	vadd.f32 v46, v41;
	v41 =	vld [tilespmem:s20+$0x440]  }
0x157: {  	[tilespmem:s20+$0x60] =	vst v39;
	v39 =	vadd.f32 v47, v42;
	v42 =	vld [tilespmem:s20+$0x450]  }
0x158: {  	[tilespmem:s20+$0x70] =	vst v40;
	v40 =	vadd.f32 v48, v43;
	v43 =	vld [tilespmem:s20+$0x460]  }
0x159: {  	[tilespmem:s20+$0x400] =	vst v39;
	v39 =	vadd.f32 v49, v44;
	v44 =	vld [tilespmem:s20+$0x470]  }
0x15a: {  	[tilespmem:s20+$0x410] =	vst v40;
	v40 =	vadd.f32 v50, v45;
	v45 =	vld [tilespmem:s20+$0x800]  }
0x15b: {  	[tilespmem:s20+$0x420] =	vst v39;
	v38 =	vadd.f32 v38, v41;
	v39 =	vld [tilespmem:s20+$0x810]  }
0x15c: {  	[tilespmem:s20+$0x430] =	vst v40;
	v37 =	vadd.f32 v37, v42;
	v40 =	vld [tilespmem:s20+$0x820]  }
0x15d: {  	[tilespmem:s20+$0x440] =	vst v38;
	v36 =	vadd.f32 v36, v43;
	v38 =	vld [tilespmem:s20+$0x830]  }
0x15e: {  	[tilespmem:s20+$0x450] =	vst v37;
	v35 =	vadd.f32 v35, v44;
	v37 =	vld [tilespmem:s20+$0x840]  }
0x15f: {  	[tilespmem:s20+$0x460] =	vst v36;
	v34 =	vadd.f32 v34, v45;
	v36 =	vld [tilespmem:s20+$0x850]  }
0x160: {  	[tilespmem:s20+$0x470] =	vst v35;
	v33 =	vadd.f32 v33, v39;
	v35 =	vld [tilespmem:s20+$0x860]  }
0x161: {  	[tilespmem:s20+$0x800] =	vst v34;
	v32 =	vadd.f32 v32, v40;
	v34 =	vld [tilespmem:s20+$0x870]  }
0x162: {  	[tilespmem:s20+$0x810] =	vst v33;
	v31 =	vadd.f32 v31, v38;
	v33 =	vld [tilespmem:s20+$0xC00]  }
0x163: {  	[tilespmem:s20+$0x820] =	vst v32;
	v30 =	vadd.f32 v30, v37;
	v32 =	vld [tilespmem:s20+$0xC10]  }
0x164: {  	[tilespmem:s20+$0x830] =	vst v31;
	v29 =	vadd.f32 v29, v36;
	v31 =	vld [tilespmem:s20+$0xC20]  }
0x165: {  	[tilespmem:s20+$0x840] =	vst v30;
	v28 =	vadd.f32 v28, v35;
	v30 =	vld [tilespmem:s20+$0xC30]  }
0x166: {  	[tilespmem:s20+$0x850] =	vst v29;
	v27 =	vadd.f32 v27, v34;
	v29 =	vld [tilespmem:s20+$0xC40]  }
0x167: {  	[tilespmem:s20+$0x860] =	vst v28;
	v26 =	vadd.f32 v26, v33;
	v28 =	vld [tilespmem:s20+$0xC50]  }
0x168: {  	[tilespmem:s20+$0x870] =	vst v27;
	v25 =	vadd.f32 v25, v32;
	v27 =	vld [tilespmem:s20+$0xC60]  }
0x169: {  	[tilespmem:s20+$0xC00] =	vst v26;
	v24 =	vadd.f32 v24, v31;
	v26 =	vld [tilespmem:s20+$0xC70]  }
0x16a: {  	[tilespmem:s20+$0xC10] =	vst v25;
	v23 =	vadd.f32 v23, v30;
	v25 =	vld [tilespmem:s20+$0x1000]  }
0x16b: {  	[tilespmem:s20+$0xC20] =	vst v24;
	v22 =	vadd.f32 v22, v29;
	v24 =	vld [tilespmem:s20+$0x1010]  }
0x16c: {  	[tilespmem:s20+$0xC30] =	vst v23;
	v21 =	vadd.f32 v21, v28;
	v23 =	vld [tilespmem:s20+$0x1020]  }
0x16d: {  	[tilespmem:s20+$0xC40] =	vst v22;
	v20 =	vadd.f32 v20, v27;
	v22 =	vld [tilespmem:s20+$0x1030]  }
0x16e: {  	[tilespmem:s20+$0xC50] =	vst v21;
	v19 =	vadd.f32 v19, v26;
	v21 =	vld [tilespmem:s20+$0x1040]  }
0x16f: {  	[tilespmem:s20+$0xC60] =	vst v20;
	v18 =	vadd.f32 v18, v25;
	v20 =	vld [tilespmem:s20+$0x1050]  }
0x170: {  	[tilespmem:s20+$0xC70] =	vst v19;
	v17 =	vadd.f32 v17, v24;
	v19 =	vld [tilespmem:s20+$0x1060]  }
.Ltmp0:
0x171: {  	[tilespmem:s20+$0x1000] =	vst v18;
	v18 =	vadd.f32 v16, v23;
	v16 =	vld [tilespmem:s20+$0x1070];
	(pc) =	sbr.rel @p0 .LBB2_2-.Ltmp0, $4  }
0x172: {  	[tilespmem:s20+$0x1010] =	vst v17;
	v17 =	vadd.f32 v15, v22;
	v15 =	vld [tilespmem:s20+$0x1400]  }
0x173: {  	[tilespmem:s20+$0x1020] =	vst v18;
	v21 =	vadd.f32 v14, v21;
	v14 =	vld [tilespmem:s20+$0x1410]  }
0x174: {  	[tilespmem:s20+$0x1030] =	vst v17;
	v18 =	vadd.f32 v13, v20;
	v13 =	vld [tilespmem:s20+$0x1420]  }
0x175: {  	s21 =	sadd.s32 $0x1, s21;
	[tilespmem:s20+$0x1040] =	vst v21;
	v17 =	vadd.f32 v12, v19;
	v12 =	vld [tilespmem:s20+$0x1430]  }
0x176: {  	[tilespmem:s20+$0x1050] =	vst v18;
	v60 =	vld [tilespmem:s20+$0x1440];
	v11 =	vadd.f32 v11, v16  }
0x177: {  	v61 =	vld [tilespmem:s20+$0x1450];
	[tilespmem:s20+$0x1060] =	vst v17;
	v10 =	vadd.f32 v10, v15  }
0x178: {  	v62 =	vld [tilespmem:s20+$0x1460];
	[tilespmem:s20+$0x1070] =	vst v11;
	v9 =	vadd.f32 v9, v14  }
0x179: {  	v63 =	vld [tilespmem:s20+$0x1470];
	[tilespmem:s20+$0x1400] =	vst v10;
	v8 =	vadd.f32 v8, v13  }
0x17a: {  	[tilespmem:s20+$0x1410] =	vst v9;
	v7 =	vadd.f32 v7, v12  }
0x17b: {  	[tilespmem:s20+$0x1420] =	vst v8;
	v6 =	vadd.f32 v6, v60  }
0x17c: {  	v5 =	vadd.f32 v5, v61;
	[tilespmem:s20+$0x1430] =	vst v7  }
0x17d: {  	v4 =	vadd.f32 v4, v62;
	[tilespmem:s20+$0x1440] =	vst v6  }
0x17e: {  	s19 =	sadd.s32 $0x1, s19;
	v3 =	vadd.f32 v3, v63;
	[tilespmem:s20+$0x1450] =	vst v5  }
0x17f: {  	p0 =	sne.s32 s19, s10;
	[tilespmem:s20+$0x1460] =	vst v4  }
.Ltmp1:
0x180: {  	[tilespmem:s20+$0x1470] =	vst v3;
	(pc) =	sbr.rel @p0 .LBB2_1-.Ltmp1, $4  }
0x181: {  	[hbm4b:s9+s2] =	stream.linear.scatter [tilespmem:s2], [sflag:$0x2], $0xC000, $0x38;
	[tilespmem:$0x18100] =	vst v63  }
0x182: {  	_ =	swait.ge [sflag:s12], $0xC000  }
0x183: {  	[sflag:s12] =	ssyncset.done $0x0  }
0x184: {  	[sflag:s12] =	ssyncadd.s32 $0xFFFF4000  }
0x185: {  	_ =	sfence.sel $0x180000  }
0x186: {  	[bflag:$0x0] =	sbarrier.arrive $0xFFFF  }
0x187: {  	_ =	strace $0x9000004A  }
0x188: {  	s0 =	stileid.u32;
	[bflag:$0x2] =	sbarrier.arrive $0xFFFF  }
0x189: {  	p0 =	sne.s32 s0, $0x0;
	s0 =	rddreg [dreg:$0x2]  }
0x18a: {  	s0 =	sadd.s32 @!p0 $0x100000, s0  }
0x18b: {  	[sflag:s0] =	ssyncadd.tile.s32 @!p0 $0x1;
	_ =	shalt  }
.Lfunc_end2:
_tile_overlayer_lowered:
.L_overlay_start_2:
0x18c: {  	(tag) =	ssettag $0x2  }
0x18d: {  	s0 =	rddreg [dreg:$0x0];
	s2 =	stileid.u32  }
0x18e: {  	s1 =	rddreg [dreg:$0x1];
	p0 =	sne.s32 s2, $0x0  }
0x18f: {  	s3 =	rddreg [dreg:$0x2];
	[bflag:$0x3] =	sbarrier.arrive $0xFFFF;
	s2 =	simm.s32 @!p0 $0x1C02  }
0x190: {  	[timem:s3], [sflag:s2] =	dma.local @!p0 [hbm:s0], s1  }
0x191: {  	s0 =	simm.s32 @!p0 $0x2  }
0x192: {  	_ =	swait.ge @!p0 [sflag:s0], s1  }
0x193: {  	s1 =	ssub.s32 @!p0 $0x0, s1;
	[sflag:s0] =	ssyncset.done @!p0 $0x0  }
0x194: {  	[sflag:s0] =	ssyncadd.s32 @!p0 s1  }
0x195: {  	[bflag:$0x3] =	sbarrier.arrive $0xFFFF  }
0x196: {  	_ =	shalt  }

</sc_bundles>
